<compile_context>
chip_gen: v7x
topology: tpu7x:2x2x1
jax: 0.10.2.dev20260603
libtpu: 0.0.44.dev20260713+nightly
codegen_flags: <defaults>
</compile_context>

<pallas_src>
import functools

import jax
import jax.numpy as jnp
from jax import lax
from jax.experimental import pallas as pl
from jax.experimental.pallas import tpu as pltpu
from jax.experimental.pallas import tpu_sc as plsc

_NT = 16
_C = 80
_L = 16
_NBUF = 5
_AHEAD = 3


def _dense_body(fa_ref, fb_ref, wt_ref, b_ref, at_ref, ab_ref,
                ne_ref, pa_ref, pb_ref):
    hi = jax.lax.Precision.HIGHEST
    d = fb_ref.shape[1]
    ne = jnp.dot(fb_ref[...], wt_ref[...], precision=hi,
                 preferred_element_type=jnp.float32) + b_ref[...]
    ne_ref[0] = ne[:, :d // 2]
    ne_ref[1] = ne[:, d // 2:]
    pa_ref[...] = jnp.dot(fa_ref[...], at_ref[...], precision=hi,
                          preferred_element_type=jnp.float32)
    pb_ref[...] = jnp.dot(ne, ab_ref[...], precision=hi,
                          preferred_element_type=jnp.float32)


def _combine_body(acc_ref, rs_ref, o_ref):
    rs = jnp.sum(rs_ref[...], axis=1, keepdims=True)
    den = jnp.where(rs == 0.0, 1.0, rs)
    o_ref[...] = jnp.concatenate([acc_ref[0], acc_ref[1]], axis=1) / den


def _make_edge_kernel(n_a, n_b, d, e_pad):
    pt = e_pad // _NT
    nchunk = pt // _C
    dh = d // 2
    n_acc = n_a + 8
    n_rs = n_a + _L
    assert e_pad % _NT == 0 and pt % _C == 0 and _C % _L == 0
    assert dh % _L == 0 and nchunk % _NBUF == 0
    rpt = (n_acc // _NT) // 8 * 8
    rem_zero = n_acc - _NT * rpt
    rem_pub = n_a - _NT * rpt
    assert rem_zero % 8 == 0 and rem_pub % 8 == 0 and 0 <= rem_pub

    mesh = plsc.VectorSubcoreMesh(core_axis_name="c", subcore_axis_name="s")

    @functools.partial(
        pl.kernel,
        out_type=[
            jax.ShapeDtypeStruct((2, n_a, dh), jnp.float32),
            jax.ShapeDtypeStruct((_NT * n_a,), jnp.float32),
        ],
        mesh=mesh,
        compiler_params=pltpu.CompilerParams(needs_layout_passes=False,
                                             use_tc_tiling_on_sc=False),
        scratch_types=[
            pltpu.VMEM((n_a,), jnp.float32),
            pltpu.VMEM((n_b,), jnp.float32),
            pltpu.VMEM((n_rs,), jnp.float32),
            pltpu.VMEM((_C,), jnp.float32),
            [pltpu.VMEM((_C, dh), jnp.float32) for _ in range(_NBUF)],
            [pltpu.VMEM((_C,), jnp.int32) for _ in range(_NBUF)],
            [pltpu.VMEM((_C,), jnp.int32) for _ in range(_NBUF)],
            [pltpu.VMEM((_C,), jnp.int32) for _ in range(_NBUF)],
            [pltpu.SemaphoreType.DMA for _ in range(_NBUF)],
            [pltpu.SemaphoreType.DMA for _ in range(_NBUF)],
            [pltpu.SemaphoreType.DMA for _ in range(_NBUF)],
            pltpu.VMEM_SHARED((n_acc, dh), jnp.float32),
        ],
    )
    def edge_kernel(src_hbm, dst_hbm, emb_hbm, pa_hbm, pb_hbm,
                    out_hbm, rso_hbm,
                    pa_v, pb_v, rs_v, w_v,
                    rows, srcb, dstb, sidx, isem, gsem, asem, acc_s):
        c = lax.axis_index("c")
        s = lax.axis_index("s")

        pltpu.sync_copy(pa_hbm, pa_v)
        pltpu.sync_copy(pb_hbm, pb_v)

        zeros16 = jnp.zeros((_L,), jnp.float32)
        ebase = s * pt

        def _zrs(i, carry):
            rs_v[pl.ds(i * _L, _L)] = zeros16
            return carry
        lax.fori_loop(0, n_rs // _L, _zrs, 0)

        def _zrows(i, carry):
            for k in range(dh // _L):
                rows[0][i, pl.ds(k * _L, _L)] = zeros16
            return carry
        lax.fori_loop(0, _C, _zrows, 0)

        row0 = s * rpt
        full, rem = divmod(rpt, _C)
        for t in range(full):
            pltpu.sync_copy(rows[0], acc_s.at[pl.ds(row0 + t * _C, _C)])
        if rem:
            pltpu.sync_copy(rows[0].at[pl.ds(0, rem)],
                            acc_s.at[pl.ds(row0 + full * _C, rem)])
        if rem_zero:
            @pl.when(s == _NT - 1)
            def _():
                pltpu.sync_copy(rows[0].at[pl.ds(0, rem_zero)],
                                acc_s.at[pl.ds(_NT * rpt, rem_zero)])

        plsc.subcore_barrier()

        def _idx_issue(g, b):
            pltpu.async_copy(src_hbm.at[pl.ds(ebase + g * _C, _C)],
                             srcb[b], isem[b])
            pltpu.async_copy(dst_hbm.at[pl.ds(ebase + g * _C, _C)],
                             dstb[b], isem[b])

        def _idx_wait(b):
            pltpu.make_async_copy(src_hbm.at[pl.ds(0, _C)],
                                  srcb[b], isem[b]).wait()
            pltpu.make_async_copy(src_hbm.at[pl.ds(0, _C)],
                                  dstb[b], isem[b]).wait()

        def _gather_issue(b):
            pltpu.async_copy(emb_hbm.at[c].at[dstb[b]], rows[b], gsem[b])

        def _drain(b, sem):
            pltpu.make_async_copy(emb_hbm.at[0, pl.ds(0, _C), :],
                                  rows[b], sem[b]).wait()

        for b in range(_NBUF):
            _idx_issue(b, b)
        for b in range(_AHEAD):
            _idx_wait(b)
            _gather_issue(b)

        def _group(g0, carry):
            for b in range(_NBUF):
                g = g0 * _NBUF + b
                gn = g + _AHEAD
                bn = (b + _AHEAD) % _NBUF

                @pl.when((gn >= _NBUF) & (gn < nchunk))
                def _():
                    _drain(bn, asem)

                @pl.when((gn >= _AHEAD) & (gn < nchunk))
                def _():
                    _idx_wait(bn)
                    _gather_issue(bn)

                _drain(b, gsem)

                for i in range(_C // _L):
                    si = srcb[b][pl.ds(i * _L, _L)]
                    di = dstb[b][pl.ds(i * _L, _L)]
                    ev = (plsc.load_gather(pa_v, [si])
                          + plsc.load_gather(pb_v, [di]))
                    elu = jnp.where(ev > 0.0, ev, 0.1 * (jnp.exp(ev) - 1.0))
                    w = jnp.exp(elu)
                    w_v[pl.ds(i * _L, _L)] = w
                    sidx[b][pl.ds(i * _L, _L)] = si
                    plsc.addupdate_scatter(rs_v, [si], w)

                rb = rows[b]

                @plsc.parallel_loop(0, _C, 1, unroll=4)
                def _scale(j):
                    wb = plsc.load_gather(w_v, [jnp.zeros((_L,), jnp.int32) + j])
                    for k in range(dh // _L):
                        rb[j, pl.ds(k * _L, _L)] = rb[j, pl.ds(k * _L, _L)] * wb

                pltpu.async_copy(rows[b], acc_s.at[sidx[b]], asem[b], add=True)

                @pl.when(g + _NBUF < nchunk)
                def _():
                    _idx_issue(g + _NBUF, b)
            return carry
        lax.fori_loop(0, nchunk // _NBUF, _group, 0)

        for b in range(_NBUF):
            _drain(b, asem)

        plsc.subcore_barrier()

        pltpu.sync_copy(acc_s.at[pl.ds(row0, rpt)],
                        out_hbm.at[c, pl.ds(row0, rpt), :])
        if rem_pub:
            @pl.when(s == _NT - 1)
            def _():
                pltpu.sync_copy(acc_s.at[pl.ds(_NT * rpt, rem_pub)],
                                out_hbm.at[c, pl.ds(_NT * rpt, rem_pub), :])
        @pl.when(c == 0)
        def _():
            pltpu.sync_copy(rs_v.at[pl.ds(0, n_a)],
                            rso_hbm.at[pl.ds(s * n_a, n_a)])

    return edge_kernel


def kernel(edges, feature_a, feature_b, node_num_a, node_num_b, W, b, a):
    n_a, a_dim = feature_a.shape
    n_b, b_dim = feature_b.shape
    e_total = edges.shape[0]
    d = b_dim

    src = edges[:, 0].astype(jnp.int32)
    dst = edges[:, 1].astype(jnp.int32)
    ppt = e_total // _NT
    pt_pad = -(-ppt // (_C * _NBUF)) * (_C * _NBUF)
    npad = pt_pad - ppt
    e_pad = pt_pad * _NT
    if npad:
        src = jnp.concatenate(
            [src.reshape(_NT, ppt),
             jnp.full((_NT, npad), n_a, jnp.int32)], axis=1).reshape(-1)
        dst = jnp.concatenate(
            [dst.reshape(_NT, ppt),
             jnp.zeros((_NT, npad), jnp.int32)], axis=1).reshape(-1)
    wt = W.T
    bias = b.reshape(1, d)
    a_top = a[:a_dim]
    a_bot = a[a_dim:]

    blk = 2000
    grid = (n_a // blk,)
    new_emb2, pa2, pb2 = pl.pallas_call(
        _dense_body,
        grid=grid,
        in_specs=[
            pl.BlockSpec((blk, a_dim), lambda i: (i, 0)),
            pl.BlockSpec((blk, b_dim), lambda i: (i, 0)),
            pl.BlockSpec((b_dim, d), lambda i: (0, 0)),
            pl.BlockSpec((1, d), lambda i: (0, 0)),
            pl.BlockSpec((a_dim, 1), lambda i: (0, 0)),
            pl.BlockSpec((b_dim, 1), lambda i: (0, 0)),
        ],
        out_specs=[
            pl.BlockSpec((2, blk, d // 2), lambda i: (0, i, 0)),
            pl.BlockSpec((blk, 1), lambda i: (i, 0)),
            pl.BlockSpec((blk, 1), lambda i: (i, 0)),
        ],
        out_shape=[
            jax.ShapeDtypeStruct((2, n_b, d // 2), jnp.float32),
            jax.ShapeDtypeStruct((n_a, 1), jnp.float32),
            jax.ShapeDtypeStruct((n_b, 1), jnp.float32),
        ],
    )(feature_a, feature_b, wt, bias, a_top, a_bot)

    edge_kernel = _make_edge_kernel(n_a, n_b, d, e_pad)
    acc, rso = edge_kernel(src, dst, new_emb2,
                           pa2.reshape(n_a), pb2.reshape(n_b))

    out = pl.pallas_call(
        _combine_body,
        out_shape=jax.ShapeDtypeStruct((n_a, d), jnp.float32),
    )(acc, rso.reshape(_NT, n_a).T)
    return out

# --- scband reference (transcript-rebuilt; emitter-appended) ---
"""Pipeline reference for scband-attention-aggregator-68719476995 (READ-ONLY COPY).

The authoritative reference and input builder live on the scoring server;
editing this copy changes nothing except your own understanding.
"""

import jax, jax.numpy as jnp
import numpy as np


def setup_inputs(seed: int = 0) -> dict:
    key = jax.random.key(seed)
    k1, k2, k3, k4, k5 = jax.random.split(key, 5)
    N_a = 10000
    N_b = 10000
    E = 320000
    a_dim = 128
    b_dim = 128
    edges = jax.random.randint(k1, (E, 2), 0, N_a, dtype=jnp.int64) if jax.config.jax_enable_x64 else jax.random.randint(k1, (E, 2), 0, N_a, dtype=jnp.int32)
    feature_a = jax.random.normal(k2, (N_a, a_dim), dtype=jnp.float32)
    feature_b = jax.random.normal(k3, (N_b, b_dim), dtype=jnp.float32)
    # nn.Linear(b_dim, b_dim): weight [out, in], bias [out]
    W = jax.random.normal(k4, (b_dim, b_dim), dtype=jnp.float32) * (1.0 / np.sqrt(b_dim))
    b = jnp.zeros((b_dim,), dtype=jnp.float32)
    # attention vector a: [a_dim + b_dim, 1], kaiming normal
    a = jax.random.normal(k5, (a_dim + b_dim, 1), dtype=jnp.float32) * np.sqrt(2.0 / (a_dim + b_dim))
    return {"edges": edges, "feature_a": feature_a, "feature_b": feature_b,
            "node_num_a": N_a, "node_num_b": N_b, "W": W, "b": b, "a": a}


def reference(edges, feature_a, feature_b, node_num_a, node_num_b, W, b, a):
    # out_mlp_layer: single Linear
    new_emb = feature_b @ W.T + b  # [N_b, b_dim]
    # gather endpoint features per edge and concat
    edge_h_2 = jnp.concatenate([feature_a[edges[:, 0]], new_emb[edges[:, 1]]], axis=1)  # [E, a_dim+b_dim]
    # einsum ij,jl->il then elu(alpha=0.1) then exp
    e = edge_h_2 @ a  # [E, 1]
    elu = jnp.where(e > 0, e, 0.1 * (jnp.exp(e) - 1.0))
    edges_h = jnp.exp(elu)[:, 0]  # [E]
    num_a = feature_a.shape[0]
    # sparse.mm(matrix, ones) == per-row sum of edge weights (duplicates coalesce by summation)
    row_sum = jax.ops.segment_sum(edges_h, edges[:, 0], num_segments=num_a)  # [N_a]
    row_sum = jnp.where(row_sum == 0, jnp.ones_like(row_sum), row_sum)
    # sparse.mm(matrix, new_emb) == weighted scatter-add of dst embeddings onto src rows
    output_emb = jax.ops.segment_sum(edges_h[:, None] * new_emb[edges[:, 1]], edges[:, 0], num_segments=num_a)  # [N_a, b_dim]
    output_emb = output_emb / row_sum[:, None]
    output_emb = output_emb + jnp.asarray(node_num_a * 0, dtype=output_emb.dtype)
    return output_emb

if __name__ == "__main__":
    import jax
    _d = setup_inputs()
    print(jax.jit(kernel)(*tuple(_d.values())))

</pallas_src>

<mosaic_0001>
#map = affine_map<(d0, d1) -> (0)>
#map1 = affine_map<(d0, d1) -> (0, 0, 0)>
module attributes {stable_mosaic.version = 14 : i64} {
  func.func @edge_kernel(%arg0: i32, %arg1: i32, %arg2: memref<320000xi32, #tpu.memory_space<hbm>>, %arg3: memref<320000xi32, #tpu.memory_space<hbm>>, %arg4: memref<2x10000x64xf32, #tpu.memory_space<hbm>>, %arg5: memref<10000xf32, #tpu.memory_space<hbm>>, %arg6: memref<10000xf32, #tpu.memory_space<hbm>>, %arg7: memref<2x10000x64xf32, #tpu.memory_space<hbm>>, %arg8: memref<160000xf32, #tpu.memory_space<hbm>>, %arg9: memref<10000xf32, #tpu.memory_space<vmem>>, %arg10: memref<10000xf32, #tpu.memory_space<vmem>>, %arg11: memref<10016xf32, #tpu.memory_space<vmem>>, %arg12: memref<80xf32, #tpu.memory_space<vmem>>, %arg13: memref<80x64xf32, #tpu.memory_space<vmem>>, %arg14: memref<80x64xf32, #tpu.memory_space<vmem>>, %arg15: memref<80x64xf32, #tpu.memory_space<vmem>>, %arg16: memref<80x64xf32, #tpu.memory_space<vmem>>, %arg17: memref<80x64xf32, #tpu.memory_space<vmem>>, %arg18: memref<80xi32, #tpu.memory_space<vmem>>, %arg19: memref<80xi32, #tpu.memory_space<vmem>>, %arg20: memref<80xi32, #tpu.memory_space<vmem>>, %arg21: memref<80xi32, #tpu.memory_space<vmem>>, %arg22: memref<80xi32, #tpu.memory_space<vmem>>, %arg23: memref<80xi32, #tpu.memory_space<vmem>>, %arg24: memref<80xi32, #tpu.memory_space<vmem>>, %arg25: memref<80xi32, #tpu.memory_space<vmem>>, %arg26: memref<80xi32, #tpu.memory_space<vmem>>, %arg27: memref<80xi32, #tpu.memory_space<vmem>>, %arg28: memref<80xi32, #tpu.memory_space<vmem>>, %arg29: memref<80xi32, #tpu.memory_space<vmem>>, %arg30: memref<80xi32, #tpu.memory_space<vmem>>, %arg31: memref<80xi32, #tpu.memory_space<vmem>>, %arg32: memref<80xi32, #tpu.memory_space<vmem>>, %arg33: memref<!tpu.dma_semaphore, #tpu.memory_space<semaphore_mem>>, %arg34: memref<!tpu.dma_semaphore, #tpu.memory_space<semaphore_mem>>, %arg35: memref<!tpu.dma_semaphore, #tpu.memory_space<semaphore_mem>>, %arg36: memref<!tpu.dma_semaphore, #tpu.memory_space<semaphore_mem>>, %arg37: memref<!tpu.dma_semaphore, #tpu.memory_space<semaphore_mem>>, %arg38: memref<!tpu.dma_semaphore, #tpu.memory_space<semaphore_mem>>, %arg39: memref<!tpu.dma_semaphore, #tpu.memory_space<semaphore_mem>>, %arg40: memref<!tpu.dma_semaphore, #tpu.memory_space<semaphore_mem>>, %arg41: memref<!tpu.dma_semaphore, #tpu.memory_space<semaphore_mem>>, %arg42: memref<!tpu.dma_semaphore, #tpu.memory_space<semaphore_mem>>, %arg43: memref<!tpu.dma_semaphore, #tpu.memory_space<semaphore_mem>>, %arg44: memref<!tpu.dma_semaphore, #tpu.memory_space<semaphore_mem>>, %arg45: memref<!tpu.dma_semaphore, #tpu.memory_space<semaphore_mem>>, %arg46: memref<!tpu.dma_semaphore, #tpu.memory_space<semaphore_mem>>, %arg47: memref<!tpu.dma_semaphore, #tpu.memory_space<semaphore_mem>>, %arg48: memref<10008x64xf32, #tpu.memory_space<vmem_shared>>) attributes {dimension_semantics = [#tpu.dimension_semantics<core_parallel>, #tpu.dimension_semantics<subcore_parallel>], iteration_bounds = array<i64: 2, 16>, scalar_prefetch = 0 : i64, scratch_operands = 40 : i64, tpu.core_type = #tpu.core_type<sc_vector_subcore>, window_params = [{transform_indices = #map}, {transform_indices = #map}, {transform_indices = #map1}, {transform_indices = #map}, {transform_indices = #map}, {transform_indices = #map1}, {transform_indices = #map}]} {
    "tpu.region"() ({
      %run_scoped3A = tpu.sem_alloc : memref<!tpu.dma_semaphore, #tpu.memory_space<semaphore_mem>>
      tpu.enqueue_dma source(%arg5 : memref<10000xf32, #tpu.memory_space<hbm>>) target(%arg9 : memref<10000xf32, #tpu.memory_space<vmem>>) target_semaphore(%run_scoped3A : memref<!tpu.dma_semaphore, #tpu.memory_space<semaphore_mem>>)
      tpu.wait_dma2 semaphore(%run_scoped3A : memref<!tpu.dma_semaphore, #tpu.memory_space<semaphore_mem>>) src(%arg5 : memref<10000xf32, #tpu.memory_space<hbm>>) dst(%arg9 : memref<10000xf32, #tpu.memory_space<vmem>>)
      tpu.yield
    }) : () -> ()
    "tpu.region"() ({
      %run_scoped3A = tpu.sem_alloc : memref<!tpu.dma_semaphore, #tpu.memory_space<semaphore_mem>>
      tpu.enqueue_dma source(%arg6 : memref<10000xf32, #tpu.memory_space<hbm>>) target(%arg10 : memref<10000xf32, #tpu.memory_space<vmem>>) target_semaphore(%run_scoped3A : memref<!tpu.dma_semaphore, #tpu.memory_space<semaphore_mem>>)
      tpu.wait_dma2 semaphore(%run_scoped3A : memref<!tpu.dma_semaphore, #tpu.memory_space<semaphore_mem>>) src(%arg6 : memref<10000xf32, #tpu.memory_space<hbm>>) dst(%arg10 : memref<10000xf32, #tpu.memory_space<vmem>>)
      tpu.yield
    }) : () -> ()
    %broadcast_in_dim3A = arith.constant 0.000000e+00 : f32
    %broadcast_in_dim3A_0 = vector.broadcast %broadcast_in_dim3A : f32 to vector<16xf32>
    %mul3A = arith.constant 20000 : i32
    %mul3A_1 = arith.muli %arg1, %mul3A : i32
    %scan3A = arith.constant 0 : i32
    %scan3A_2 = arith.constant 0 : i32
    %scan3A_3 = arith.constant 626 : i32
    %scan3A_4 = arith.addi %scan3A_2, %scan3A_3 : i32
    %scan3A_5 = arith.constant 1 : i32
    scf.for %scan3A_177 = %scan3A_2 to %scan3A_4 step %scan3A_5  : i32 {
      %mul3A_178 = arith.constant 16 : i32
      %mul3A_179 = arith.muli %scan3A_177, %mul3A_178 : i32
      %swap3A = arith.index_cast %mul3A_179 : i32 to index
      %swap3A_180 = tpu.vector_load %arg11[%swap3A] {strides = array<i32>} : memref<10016xf32, #tpu.memory_space<vmem>>, vector<16xf32>,
      tpu.vector_store %arg11[%swap3A], %broadcast_in_dim3A_0 {strides = array<i32>} : memref<10016xf32, #tpu.memory_space<vmem>>, vector<16xf32>,
    }
    %scan3A_6 = arith.constant 626 : i32
    %scan3A_7 = arith.constant 0 : i32
    %scan3A_8 = arith.constant 0 : i32
    %scan3A_9 = arith.constant 80 : i32
    %scan3A_10 = arith.addi %scan3A_8, %scan3A_9 : i32
    %scan3A_11 = arith.constant 1 : i32
    scf.for %scan3A_177 = %scan3A_8 to %scan3A_10 step %scan3A_11  : i32 {
      %swap3A = arith.index_cast %scan3A_177 : i32 to index
      %swap3A_178 = arith.constant 0 : index
      %swap3A_179 = tpu.vector_load %arg13[%swap3A, %swap3A_178] {strides = array<i32>} : memref<80x64xf32, #tpu.memory_space<vmem>>, vector<16xf32>,
      tpu.vector_store %arg13[%swap3A, %swap3A_178], %broadcast_in_dim3A_0 {strides = array<i32>} : memref<80x64xf32, #tpu.memory_space<vmem>>, vector<16xf32>,
      %swap3A_180 = arith.index_cast %scan3A_177 : i32 to index
      %swap3A_181 = arith.constant 16 : index
      %swap3A_182 = tpu.vector_load %arg13[%swap3A_180, %swap3A_181] {strides = array<i32>} : memref<80x64xf32, #tpu.memory_space<vmem>>, vector<16xf32>,
      tpu.vector_store %arg13[%swap3A_180, %swap3A_181], %broadcast_in_dim3A_0 {strides = array<i32>} : memref<80x64xf32, #tpu.memory_space<vmem>>, vector<16xf32>,
      %swap3A_183 = arith.index_cast %scan3A_177 : i32 to index
      %swap3A_184 = arith.constant 32 : index
      %swap3A_185 = tpu.vector_load %arg13[%swap3A_183, %swap3A_184] {strides = array<i32>} : memref<80x64xf32, #tpu.memory_space<vmem>>, vector<16xf32>,
      tpu.vector_store %arg13[%swap3A_183, %swap3A_184], %broadcast_in_dim3A_0 {strides = array<i32>} : memref<80x64xf32, #tpu.memory_space<vmem>>, vector<16xf32>,
      %swap3A_186 = arith.index_cast %scan3A_177 : i32 to index
      %swap3A_187 = arith.constant 48 : index
      %swap3A_188 = tpu.vector_load %arg13[%swap3A_186, %swap3A_187] {strides = array<i32>} : memref<80x64xf32, #tpu.memory_space<vmem>>, vector<16xf32>,
      tpu.vector_store %arg13[%swap3A_186, %swap3A_187], %broadcast_in_dim3A_0 {strides = array<i32>} : memref<80x64xf32, #tpu.memory_space<vmem>>, vector<16xf32>,
    }
    %scan3A_12 = arith.constant 80 : i32
    %mul3A_13 = arith.constant 624 : i32
    %mul3A_14 = arith.muli %arg1, %mul3A_13 : i32
    %add3A = arith.constant 0 : i32
    %add3A_15 = arith.addi %mul3A_14, %add3A : i32
    "tpu.region"() ({
      %run_scoped3A = tpu.sem_alloc : memref<!tpu.dma_semaphore, #tpu.memory_space<semaphore_mem>>
      %dma_start3A_177 = arith.constant 0 : i32
      %dma_start3A_178 = tpu.memref_slice %arg48[%add3A_15, %dma_start3A_177] : memref<10008x64xf32, #tpu.memory_space<vmem_shared>> -> memref<80x64xf32, #tpu.memory_space<vmem_shared>>
      %dma_start3A_179 = arith.constant 0 : i32
      %dma_start3A_180 = tpu.memref_slice %arg48[%add3A_15, %dma_start3A_179] : memref<10008x64xf32, #tpu.memory_space<vmem_shared>> -> memref<80x64xf32, #tpu.memory_space<vmem_shared>>
      tpu.enqueue_dma source(%arg13 : memref<80x64xf32, #tpu.memory_space<vmem>>) target(%dma_start3A_180 : memref<80x64xf32, #tpu.memory_space<vmem_shared>>) target_semaphore(%run_scoped3A : memref<!tpu.dma_semaphore, #tpu.memory_space<semaphore_mem>>)
      %dma_wait3A_181 = arith.constant 0 : i32
      %dma_wait3A_182 = tpu.memref_slice %arg48[%add3A_15, %dma_wait3A_181] : memref<10008x64xf32, #tpu.memory_space<vmem_shared>> -> memref<80x64xf32, #tpu.memory_space<vmem_shared>>
      %dma_wait3A_183 = arith.constant 0 : i32
      %dma_wait3A_184 = tpu.memref_slice %arg48[%add3A_15, %dma_wait3A_183] : memref<10008x64xf32, #tpu.memory_space<vmem_shared>> -> memref<80x64xf32, #tpu.memory_space<vmem_shared>>
      tpu.wait_dma2 semaphore(%run_scoped3A : memref<!tpu.dma_semaphore, #tpu.memory_space<semaphore_mem>>) src(%arg13 : memref<80x64xf32, #tpu.memory_space<vmem>>) dst(%dma_wait3A_184 : memref<80x64xf32, #tpu.memory_space<vmem_shared>>)
      tpu.yield
    }) : () -> ()
    %add3A_16 = arith.constant 80 : i32
    %add3A_17 = arith.addi %mul3A_14, %add3A_16 : i32
    "tpu.region"() ({
      %run_scoped3A = tpu.sem_alloc : memref<!tpu.dma_semaphore, #tpu.memory_space<semaphore_mem>>
      %dma_start3A_177 = arith.constant 0 : i32
      %dma_start3A_178 = tpu.memref_slice %arg48[%add3A_17, %dma_start3A_177] : memref<10008x64xf32, #tpu.memory_space<vmem_shared>> -> memref<80x64xf32, #tpu.memory_space<vmem_shared>>
      %dma_start3A_179 = arith.constant 0 : i32
      %dma_start3A_180 = tpu.memref_slice %arg48[%add3A_17, %dma_start3A_179] : memref<10008x64xf32, #tpu.memory_space<vmem_shared>> -> memref<80x64xf32, #tpu.memory_space<vmem_shared>>
      tpu.enqueue_dma source(%arg13 : memref<80x64xf32, #tpu.memory_space<vmem>>) target(%dma_start3A_180 : memref<80x64xf32, #tpu.memory_space<vmem_shared>>) target_semaphore(%run_scoped3A : memref<!tpu.dma_semaphore, #tpu.memory_space<semaphore_mem>>)
      %dma_wait3A_181 = arith.constant 0 : i32
      %dma_wait3A_182 = tpu.memref_slice %arg48[%add3A_17, %dma_wait3A_181] : memref<10008x64xf32, #tpu.memory_space<vmem_shared>> -> memref<80x64xf32, #tpu.memory_space<vmem_shared>>
      %dma_wait3A_183 = arith.constant 0 : i32
      %dma_wait3A_184 = tpu.memref_slice %arg48[%add3A_17, %dma_wait3A_183] : memref<10008x64xf32, #tpu.memory_space<vmem_shared>> -> memref<80x64xf32, #tpu.memory_space<vmem_shared>>
      tpu.wait_dma2 semaphore(%run_scoped3A : memref<!tpu.dma_semaphore, #tpu.memory_space<semaphore_mem>>) src(%arg13 : memref<80x64xf32, #tpu.memory_space<vmem>>) dst(%dma_wait3A_184 : memref<80x64xf32, #tpu.memory_space<vmem_shared>>)
      tpu.yield
    }) : () -> ()
    %add3A_18 = arith.constant 160 : i32
    %add3A_19 = arith.addi %mul3A_14, %add3A_18 : i32
    "tpu.region"() ({
      %run_scoped3A = tpu.sem_alloc : memref<!tpu.dma_semaphore, #tpu.memory_space<semaphore_mem>>
      %dma_start3A_177 = arith.constant 0 : i32
      %dma_start3A_178 = tpu.memref_slice %arg48[%add3A_19, %dma_start3A_177] : memref<10008x64xf32, #tpu.memory_space<vmem_shared>> -> memref<80x64xf32, #tpu.memory_space<vmem_shared>>
      %dma_start3A_179 = arith.constant 0 : i32
      %dma_start3A_180 = tpu.memref_slice %arg48[%add3A_19, %dma_start3A_179] : memref<10008x64xf32, #tpu.memory_space<vmem_shared>> -> memref<80x64xf32, #tpu.memory_space<vmem_shared>>
      tpu.enqueue_dma source(%arg13 : memref<80x64xf32, #tpu.memory_space<vmem>>) target(%dma_start3A_180 : memref<80x64xf32, #tpu.memory_space<vmem_shared>>) target_semaphore(%run_scoped3A : memref<!tpu.dma_semaphore, #tpu.memory_space<semaphore_mem>>)
      %dma_wait3A_181 = arith.constant 0 : i32
      %dma_wait3A_182 = tpu.memref_slice %arg48[%add3A_19, %dma_wait3A_181] : memref<10008x64xf32, #tpu.memory_space<vmem_shared>> -> memref<80x64xf32, #tpu.memory_space<vmem_shared>>
      %dma_wait3A_183 = arith.constant 0 : i32
      %dma_wait3A_184 = tpu.memref_slice %arg48[%add3A_19, %dma_wait3A_183] : memref<10008x64xf32, #tpu.memory_space<vmem_shared>> -> memref<80x64xf32, #tpu.memory_space<vmem_shared>>
      tpu.wait_dma2 semaphore(%run_scoped3A : memref<!tpu.dma_semaphore, #tpu.memory_space<semaphore_mem>>) src(%arg13 : memref<80x64xf32, #tpu.memory_space<vmem>>) dst(%dma_wait3A_184 : memref<80x64xf32, #tpu.memory_space<vmem_shared>>)
      tpu.yield
    }) : () -> ()
    %add3A_20 = arith.constant 240 : i32
    %add3A_21 = arith.addi %mul3A_14, %add3A_20 : i32
    "tpu.region"() ({
      %run_scoped3A = tpu.sem_alloc : memref<!tpu.dma_semaphore, #tpu.memory_space<semaphore_mem>>
      %dma_start3A_177 = arith.constant 0 : i32
      %dma_start3A_178 = tpu.memref_slice %arg48[%add3A_21, %dma_start3A_177] : memref<10008x64xf32, #tpu.memory_space<vmem_shared>> -> memref<80x64xf32, #tpu.memory_space<vmem_shared>>
      %dma_start3A_179 = arith.constant 0 : i32
      %dma_start3A_180 = tpu.memref_slice %arg48[%add3A_21, %dma_start3A_179] : memref<10008x64xf32, #tpu.memory_space<vmem_shared>> -> memref<80x64xf32, #tpu.memory_space<vmem_shared>>
      tpu.enqueue_dma source(%arg13 : memref<80x64xf32, #tpu.memory_space<vmem>>) target(%dma_start3A_180 : memref<80x64xf32, #tpu.memory_space<vmem_shared>>) target_semaphore(%run_scoped3A : memref<!tpu.dma_semaphore, #tpu.memory_space<semaphore_mem>>)
      %dma_wait3A_181 = arith.constant 0 : i32
      %dma_wait3A_182 = tpu.memref_slice %arg48[%add3A_21, %dma_wait3A_181] : memref<10008x64xf32, #tpu.memory_space<vmem_shared>> -> memref<80x64xf32, #tpu.memory_space<vmem_shared>>
      %dma_wait3A_183 = arith.constant 0 : i32
      %dma_wait3A_184 = tpu.memref_slice %arg48[%add3A_21, %dma_wait3A_183] : memref<10008x64xf32, #tpu.memory_space<vmem_shared>> -> memref<80x64xf32, #tpu.memory_space<vmem_shared>>
      tpu.wait_dma2 semaphore(%run_scoped3A : memref<!tpu.dma_semaphore, #tpu.memory_space<semaphore_mem>>) src(%arg13 : memref<80x64xf32, #tpu.memory_space<vmem>>) dst(%dma_wait3A_184 : memref<80x64xf32, #tpu.memory_space<vmem_shared>>)
      tpu.yield
    }) : () -> ()
    %add3A_22 = arith.constant 320 : i32
    %add3A_23 = arith.addi %mul3A_14, %add3A_22 : i32
    "tpu.region"() ({
      %run_scoped3A = tpu.sem_alloc : memref<!tpu.dma_semaphore, #tpu.memory_space<semaphore_mem>>
      %dma_start3A_177 = arith.constant 0 : i32
      %dma_start3A_178 = tpu.memref_slice %arg48[%add3A_23, %dma_start3A_177] : memref<10008x64xf32, #tpu.memory_space<vmem_shared>> -> memref<80x64xf32, #tpu.memory_space<vmem_shared>>
      %dma_start3A_179 = arith.constant 0 : i32
      %dma_start3A_180 = tpu.memref_slice %arg48[%add3A_23, %dma_start3A_179] : memref<10008x64xf32, #tpu.memory_space<vmem_shared>> -> memref<80x64xf32, #tpu.memory_space<vmem_shared>>
      tpu.enqueue_dma source(%arg13 : memref<80x64xf32, #tpu.memory_space<vmem>>) target(%dma_start3A_180 : memref<80x64xf32, #tpu.memory_space<vmem_shared>>) target_semaphore(%run_scoped3A : memref<!tpu.dma_semaphore, #tpu.memory_space<semaphore_mem>>)
      %dma_wait3A_181 = arith.constant 0 : i32
      %dma_wait3A_182 = tpu.memref_slice %arg48[%add3A_23, %dma_wait3A_181] : memref<10008x64xf32, #tpu.memory_space<vmem_shared>> -> memref<80x64xf32, #tpu.memory_space<vmem_shared>>
      %dma_wait3A_183 = arith.constant 0 : i32
      %dma_wait3A_184 = tpu.memref_slice %arg48[%add3A_23, %dma_wait3A_183] : memref<10008x64xf32, #tpu.memory_space<vmem_shared>> -> memref<80x64xf32, #tpu.memory_space<vmem_shared>>
      tpu.wait_dma2 semaphore(%run_scoped3A : memref<!tpu.dma_semaphore, #tpu.memory_space<semaphore_mem>>) src(%arg13 : memref<80x64xf32, #tpu.memory_space<vmem>>) dst(%dma_wait3A_184 : memref<80x64xf32, #tpu.memory_space<vmem_shared>>)
      tpu.yield
    }) : () -> ()
    %add3A_24 = arith.constant 400 : i32
    %add3A_25 = arith.addi %mul3A_14, %add3A_24 : i32
    "tpu.region"() ({
      %run_scoped3A = tpu.sem_alloc : memref<!tpu.dma_semaphore, #tpu.memory_space<semaphore_mem>>
      %dma_start3A_177 = arith.constant 0 : i32
      %dma_start3A_178 = tpu.memref_slice %arg48[%add3A_25, %dma_start3A_177] : memref<10008x64xf32, #tpu.memory_space<vmem_shared>> -> memref<80x64xf32, #tpu.memory_space<vmem_shared>>
      %dma_start3A_179 = arith.constant 0 : i32
      %dma_start3A_180 = tpu.memref_slice %arg48[%add3A_25, %dma_start3A_179] : memref<10008x64xf32, #tpu.memory_space<vmem_shared>> -> memref<80x64xf32, #tpu.memory_space<vmem_shared>>
      tpu.enqueue_dma source(%arg13 : memref<80x64xf32, #tpu.memory_space<vmem>>) target(%dma_start3A_180 : memref<80x64xf32, #tpu.memory_space<vmem_shared>>) target_semaphore(%run_scoped3A : memref<!tpu.dma_semaphore, #tpu.memory_space<semaphore_mem>>)
      %dma_wait3A_181 = arith.constant 0 : i32
      %dma_wait3A_182 = tpu.memref_slice %arg48[%add3A_25, %dma_wait3A_181] : memref<10008x64xf32, #tpu.memory_space<vmem_shared>> -> memref<80x64xf32, #tpu.memory_space<vmem_shared>>
      %dma_wait3A_183 = arith.constant 0 : i32
      %dma_wait3A_184 = tpu.memref_slice %arg48[%add3A_25, %dma_wait3A_183] : memref<10008x64xf32, #tpu.memory_space<vmem_shared>> -> memref<80x64xf32, #tpu.memory_space<vmem_shared>>
      tpu.wait_dma2 semaphore(%run_scoped3A : memref<!tpu.dma_semaphore, #tpu.memory_space<semaphore_mem>>) src(%arg13 : memref<80x64xf32, #tpu.memory_space<vmem>>) dst(%dma_wait3A_184 : memref<80x64xf32, #tpu.memory_space<vmem_shared>>)
      tpu.yield
    }) : () -> ()
    %add3A_26 = arith.constant 480 : i32
    %add3A_27 = arith.addi %mul3A_14, %add3A_26 : i32
    "tpu.region"() ({
      %run_scoped3A = tpu.sem_alloc : memref<!tpu.dma_semaphore, #tpu.memory_space<semaphore_mem>>
      %dma_start3A_177 = arith.constant 0 : i32
      %dma_start3A_178 = tpu.memref_slice %arg48[%add3A_27, %dma_start3A_177] : memref<10008x64xf32, #tpu.memory_space<vmem_shared>> -> memref<80x64xf32, #tpu.memory_space<vmem_shared>>
      %dma_start3A_179 = arith.constant 0 : i32
      %dma_start3A_180 = tpu.memref_slice %arg48[%add3A_27, %dma_start3A_179] : memref<10008x64xf32, #tpu.memory_space<vmem_shared>> -> memref<80x64xf32, #tpu.memory_space<vmem_shared>>
      tpu.enqueue_dma source(%arg13 : memref<80x64xf32, #tpu.memory_space<vmem>>) target(%dma_start3A_180 : memref<80x64xf32, #tpu.memory_space<vmem_shared>>) target_semaphore(%run_scoped3A : memref<!tpu.dma_semaphore, #tpu.memory_space<semaphore_mem>>)
      %dma_wait3A_181 = arith.constant 0 : i32
      %dma_wait3A_182 = tpu.memref_slice %arg48[%add3A_27, %dma_wait3A_181] : memref<10008x64xf32, #tpu.memory_space<vmem_shared>> -> memref<80x64xf32, #tpu.memory_space<vmem_shared>>
      %dma_wait3A_183 = arith.constant 0 : i32
      %dma_wait3A_184 = tpu.memref_slice %arg48[%add3A_27, %dma_wait3A_183] : memref<10008x64xf32, #tpu.memory_space<vmem_shared>> -> memref<80x64xf32, #tpu.memory_space<vmem_shared>>
      tpu.wait_dma2 semaphore(%run_scoped3A : memref<!tpu.dma_semaphore, #tpu.memory_space<semaphore_mem>>) src(%arg13 : memref<80x64xf32, #tpu.memory_space<vmem>>) dst(%dma_wait3A_184 : memref<80x64xf32, #tpu.memory_space<vmem_shared>>)
      tpu.yield
    }) : () -> ()
    %add3A_28 = arith.constant 560 : i32
    %add3A_29 = arith.addi %mul3A_14, %add3A_28 : i32
    "tpu.region"() ({
      %run_scoped3A = tpu.sem_alloc : memref<!tpu.dma_semaphore, #tpu.memory_space<semaphore_mem>>
      %dma_start3A_177 = arith.constant 0 : i32
      %dma_start3A_178 = arith.constant 0 : i32
      %dma_start3A_179 = tpu.memref_slice %arg13[%dma_start3A_177, %dma_start3A_178] : memref<80x64xf32, #tpu.memory_space<vmem>> -> memref<64x64xf32, #tpu.memory_space<vmem>>
      %dma_start3A_180 = arith.constant 0 : i32
      %dma_start3A_181 = tpu.memref_slice %arg48[%add3A_29, %dma_start3A_180] : memref<10008x64xf32, #tpu.memory_space<vmem_shared>> -> memref<64x64xf32, #tpu.memory_space<vmem_shared>>
      %dma_start3A_182 = arith.constant 0 : i32
      %dma_start3A_183 = tpu.memref_slice %arg48[%add3A_29, %dma_start3A_182] : memref<10008x64xf32, #tpu.memory_space<vmem_shared>> -> memref<64x64xf32, #tpu.memory_space<vmem_shared>>
      %dma_start3A_184 = arith.constant 0 : i32
      %dma_start3A_185 = arith.constant 0 : i32
      %dma_start3A_186 = tpu.memref_slice %arg13[%dma_start3A_184, %dma_start3A_185] : memref<80x64xf32, #tpu.memory_space<vmem>> -> memref<64x64xf32, #tpu.memory_space<vmem>>
      tpu.enqueue_dma source(%dma_start3A_186 : memref<64x64xf32, #tpu.memory_space<vmem>>) target(%dma_start3A_183 : memref<64x64xf32, #tpu.memory_space<vmem_shared>>) target_semaphore(%run_scoped3A : memref<!tpu.dma_semaphore, #tpu.memory_space<semaphore_mem>>)
      %dma_wait3A_187 = arith.constant 0 : i32
      %dma_wait3A_188 = arith.constant 0 : i32
      %dma_wait3A_189 = tpu.memref_slice %arg13[%dma_wait3A_187, %dma_wait3A_188] : memref<80x64xf32, #tpu.memory_space<vmem>> -> memref<64x64xf32, #tpu.memory_space<vmem>>
      %dma_wait3A_190 = arith.constant 0 : i32
      %dma_wait3A_191 = tpu.memref_slice %arg48[%add3A_29, %dma_wait3A_190] : memref<10008x64xf32, #tpu.memory_space<vmem_shared>> -> memref<64x64xf32, #tpu.memory_space<vmem_shared>>
      %dma_wait3A_192 = arith.constant 0 : i32
      %dma_wait3A_193 = tpu.memref_slice %arg48[%add3A_29, %dma_wait3A_192] : memref<10008x64xf32, #tpu.memory_space<vmem_shared>> -> memref<64x64xf32, #tpu.memory_space<vmem_shared>>
      %dma_wait3A_194 = arith.constant 0 : i32
      %dma_wait3A_195 = arith.constant 0 : i32
      %dma_wait3A_196 = tpu.memref_slice %arg13[%dma_wait3A_194, %dma_wait3A_195] : memref<80x64xf32, #tpu.memory_space<vmem>> -> memref<64x64xf32, #tpu.memory_space<vmem>>
      tpu.wait_dma2 semaphore(%run_scoped3A : memref<!tpu.dma_semaphore, #tpu.memory_space<semaphore_mem>>) src(%dma_wait3A_196 : memref<64x64xf32, #tpu.memory_space<vmem>>) dst(%dma_wait3A_193 : memref<64x64xf32, #tpu.memory_space<vmem_shared>>)
      tpu.yield
    }) : () -> ()
    %eq3A = arith.constant 15 : i32
    %eq3A_30 = arith.cmpi eq, %arg1, %eq3A : i32
    %convert_element_type3A = arith.extui %eq3A_30 : i1 to i32
    %cond3A = arith.constant 0 : i32
    %cond3A_31 = arith.cmpi ne, %convert_element_type3A, %cond3A : i32
    scf.if %cond3A_31 {
      "tpu.region"() ({
        %run_scoped3A = tpu.sem_alloc : memref<!tpu.dma_semaphore, #tpu.memory_space<semaphore_mem>>
        %dma_start3A_177 = arith.constant 0 : i32
        %dma_start3A_178 = arith.constant 0 : i32
        %dma_start3A_179 = tpu.memref_slice %arg13[%dma_start3A_177, %dma_start3A_178] : memref<80x64xf32, #tpu.memory_space<vmem>> -> memref<24x64xf32, #tpu.memory_space<vmem>>
        %dma_start3A_180 = arith.constant 9984 : i32
        %dma_start3A_181 = arith.constant 0 : i32
        %dma_start3A_182 = tpu.memref_slice %arg48[%dma_start3A_180, %dma_start3A_181] : memref<10008x64xf32, #tpu.memory_space<vmem_shared>> -> memref<24x64xf32, #tpu.memory_space<vmem_shared>>
        %dma_start3A_183 = arith.constant 9984 : i32
        %dma_start3A_184 = arith.constant 0 : i32
        %dma_start3A_185 = tpu.memref_slice %arg48[%dma_start3A_183, %dma_start3A_184] : memref<10008x64xf32, #tpu.memory_space<vmem_shared>> -> memref<24x64xf32, #tpu.memory_space<vmem_shared>>
        %dma_start3A_186 = arith.constant 0 : i32
        %dma_start3A_187 = arith.constant 0 : i32
        %dma_start3A_188 = tpu.memref_slice %arg13[%dma_start3A_186, %dma_start3A_187] : memref<80x64xf32, #tpu.memory_space<vmem>> -> memref<24x64xf32, #tpu.memory_space<vmem>>
        tpu.enqueue_dma source(%dma_start3A_188 : memref<24x64xf32, #tpu.memory_space<vmem>>) target(%dma_start3A_185 : memref<24x64xf32, #tpu.memory_space<vmem_shared>>) target_semaphore(%run_scoped3A : memref<!tpu.dma_semaphore, #tpu.memory_space<semaphore_mem>>)
        %dma_wait3A_189 = arith.constant 0 : i32
        %dma_wait3A_190 = arith.constant 0 : i32
        %dma_wait3A_191 = tpu.memref_slice %arg13[%dma_wait3A_189, %dma_wait3A_190] : memref<80x64xf32, #tpu.memory_space<vmem>> -> memref<24x64xf32, #tpu.memory_space<vmem>>
        %dma_wait3A_192 = arith.constant 9984 : i32
        %dma_wait3A_193 = arith.constant 0 : i32
        %dma_wait3A_194 = tpu.memref_slice %arg48[%dma_wait3A_192, %dma_wait3A_193] : memref<10008x64xf32, #tpu.memory_space<vmem_shared>> -> memref<24x64xf32, #tpu.memory_space<vmem_shared>>
        %dma_wait3A_195 = arith.constant 9984 : i32
        %dma_wait3A_196 = arith.constant 0 : i32
        %dma_wait3A_197 = tpu.memref_slice %arg48[%dma_wait3A_195, %dma_wait3A_196] : memref<10008x64xf32, #tpu.memory_space<vmem_shared>> -> memref<24x64xf32, #tpu.memory_space<vmem_shared>>
        %dma_wait3A_198 = arith.constant 0 : i32
        %dma_wait3A_199 = arith.constant 0 : i32
        %dma_wait3A_200 = tpu.memref_slice %arg13[%dma_wait3A_198, %dma_wait3A_199] : memref<80x64xf32, #tpu.memory_space<vmem>> -> memref<24x64xf32, #tpu.memory_space<vmem>>
        tpu.wait_dma2 semaphore(%run_scoped3A : memref<!tpu.dma_semaphore, #tpu.memory_space<semaphore_mem>>) src(%dma_wait3A_200 : memref<24x64xf32, #tpu.memory_space<vmem>>) dst(%dma_wait3A_197 : memref<24x64xf32, #tpu.memory_space<vmem_shared>>)
        tpu.yield
      }) : () -> ()
    } else {
    }
    %barrier3A = arith.constant 0 : index
    tpu.barrier barrier_id(%barrier3A)
    %add3A_32 = arith.constant 0 : i32
    %add3A_33 = arith.addi %mul3A_1, %add3A_32 : i32
    %dma_start3A = tpu.memref_slice %arg2[%add3A_33] : memref<320000xi32, #tpu.memory_space<hbm>> -> memref<80xi32, #tpu.memory_space<hbm>>
    %dma_start3A_34 = tpu.memref_slice %arg2[%add3A_33] : memref<320000xi32, #tpu.memory_space<hbm>> -> memref<80xi32, #tpu.memory_space<hbm>>
    tpu.enqueue_dma source(%dma_start3A_34 : memref<80xi32, #tpu.memory_space<hbm>>) target(%arg18 : memref<80xi32, #tpu.memory_space<vmem>>) target_semaphore(%arg33 : memref<!tpu.dma_semaphore, #tpu.memory_space<semaphore_mem>>)
    %add3A_35 = arith.constant 0 : i32
    %add3A_36 = arith.addi %mul3A_1, %add3A_35 : i32
    %dma_start3A_37 = tpu.memref_slice %arg3[%add3A_36] : memref<320000xi32, #tpu.memory_space<hbm>> -> memref<80xi32, #tpu.memory_space<hbm>>
    %dma_start3A_38 = tpu.memref_slice %arg3[%add3A_36] : memref<320000xi32, #tpu.memory_space<hbm>> -> memref<80xi32, #tpu.memory_space<hbm>>
    tpu.enqueue_dma source(%dma_start3A_38 : memref<80xi32, #tpu.memory_space<hbm>>) target(%arg23 : memref<80xi32, #tpu.memory_space<vmem>>) target_semaphore(%arg33 : memref<!tpu.dma_semaphore, #tpu.memory_space<semaphore_mem>>)
    %add3A_39 = arith.constant 80 : i32
    %add3A_40 = arith.addi %mul3A_1, %add3A_39 : i32
    %dma_start3A_41 = tpu.memref_slice %arg2[%add3A_40] : memref<320000xi32, #tpu.memory_space<hbm>> -> memref<80xi32, #tpu.memory_space<hbm>>
    %dma_start3A_42 = tpu.memref_slice %arg2[%add3A_40] : memref<320000xi32, #tpu.memory_space<hbm>> -> memref<80xi32, #tpu.memory_space<hbm>>
    tpu.enqueue_dma source(%dma_start3A_42 : memref<80xi32, #tpu.memory_space<hbm>>) target(%arg19 : memref<80xi32, #tpu.memory_space<vmem>>) target_semaphore(%arg34 : memref<!tpu.dma_semaphore, #tpu.memory_space<semaphore_mem>>)
    %add3A_43 = arith.constant 80 : i32
    %add3A_44 = arith.addi %mul3A_1, %add3A_43 : i32
    %dma_start3A_45 = tpu.memref_slice %arg3[%add3A_44] : memref<320000xi32, #tpu.memory_space<hbm>> -> memref<80xi32, #tpu.memory_space<hbm>>
    %dma_start3A_46 = tpu.memref_slice %arg3[%add3A_44] : memref<320000xi32, #tpu.memory_space<hbm>> -> memref<80xi32, #tpu.memory_space<hbm>>
    tpu.enqueue_dma source(%dma_start3A_46 : memref<80xi32, #tpu.memory_space<hbm>>) target(%arg24 : memref<80xi32, #tpu.memory_space<vmem>>) target_semaphore(%arg34 : memref<!tpu.dma_semaphore, #tpu.memory_space<semaphore_mem>>)
    %add3A_47 = arith.constant 160 : i32
    %add3A_48 = arith.addi %mul3A_1, %add3A_47 : i32
    %dma_start3A_49 = tpu.memref_slice %arg2[%add3A_48] : memref<320000xi32, #tpu.memory_space<hbm>> -> memref<80xi32, #tpu.memory_space<hbm>>
    %dma_start3A_50 = tpu.memref_slice %arg2[%add3A_48] : memref<320000xi32, #tpu.memory_space<hbm>> -> memref<80xi32, #tpu.memory_space<hbm>>
    tpu.enqueue_dma source(%dma_start3A_50 : memref<80xi32, #tpu.memory_space<hbm>>) target(%arg20 : memref<80xi32, #tpu.memory_space<vmem>>) target_semaphore(%arg35 : memref<!tpu.dma_semaphore, #tpu.memory_space<semaphore_mem>>)
    %add3A_51 = arith.constant 160 : i32
    %add3A_52 = arith.addi %mul3A_1, %add3A_51 : i32
    %dma_start3A_53 = tpu.memref_slice %arg3[%add3A_52] : memref<320000xi32, #tpu.memory_space<hbm>> -> memref<80xi32, #tpu.memory_space<hbm>>
    %dma_start3A_54 = tpu.memref_slice %arg3[%add3A_52] : memref<320000xi32, #tpu.memory_space<hbm>> -> memref<80xi32, #tpu.memory_space<hbm>>
    tpu.enqueue_dma source(%dma_start3A_54 : memref<80xi32, #tpu.memory_space<hbm>>) target(%arg25 : memref<80xi32, #tpu.memory_space<vmem>>) target_semaphore(%arg35 : memref<!tpu.dma_semaphore, #tpu.memory_space<semaphore_mem>>)
    %add3A_55 = arith.constant 240 : i32
    %add3A_56 = arith.addi %mul3A_1, %add3A_55 : i32
    %dma_start3A_57 = tpu.memref_slice %arg2[%add3A_56] : memref<320000xi32, #tpu.memory_space<hbm>> -> memref<80xi32, #tpu.memory_space<hbm>>
    %dma_start3A_58 = tpu.memref_slice %arg2[%add3A_56] : memref<320000xi32, #tpu.memory_space<hbm>> -> memref<80xi32, #tpu.memory_space<hbm>>
    tpu.enqueue_dma source(%dma_start3A_58 : memref<80xi32, #tpu.memory_space<hbm>>) target(%arg21 : memref<80xi32, #tpu.memory_space<vmem>>) target_semaphore(%arg36 : memref<!tpu.dma_semaphore, #tpu.memory_space<semaphore_mem>>)
    %add3A_59 = arith.constant 240 : i32
    %add3A_60 = arith.addi %mul3A_1, %add3A_59 : i32
    %dma_start3A_61 = tpu.memref_slice %arg3[%add3A_60] : memref<320000xi32, #tpu.memory_space<hbm>> -> memref<80xi32, #tpu.memory_space<hbm>>
    %dma_start3A_62 = tpu.memref_slice %arg3[%add3A_60] : memref<320000xi32, #tpu.memory_space<hbm>> -> memref<80xi32, #tpu.memory_space<hbm>>
    tpu.enqueue_dma source(%dma_start3A_62 : memref<80xi32, #tpu.memory_space<hbm>>) target(%arg26 : memref<80xi32, #tpu.memory_space<vmem>>) target_semaphore(%arg36 : memref<!tpu.dma_semaphore, #tpu.memory_space<semaphore_mem>>)
    %add3A_63 = arith.constant 320 : i32
    %add3A_64 = arith.addi %mul3A_1, %add3A_63 : i32
    %dma_start3A_65 = tpu.memref_slice %arg2[%add3A_64] : memref<320000xi32, #tpu.memory_space<hbm>> -> memref<80xi32, #tpu.memory_space<hbm>>
    %dma_start3A_66 = tpu.memref_slice %arg2[%add3A_64] : memref<320000xi32, #tpu.memory_space<hbm>> -> memref<80xi32, #tpu.memory_space<hbm>>
    tpu.enqueue_dma source(%dma_start3A_66 : memref<80xi32, #tpu.memory_space<hbm>>) target(%arg22 : memref<80xi32, #tpu.memory_space<vmem>>) target_semaphore(%arg37 : memref<!tpu.dma_semaphore, #tpu.memory_space<semaphore_mem>>)
    %add3A_67 = arith.constant 320 : i32
    %add3A_68 = arith.addi %mul3A_1, %add3A_67 : i32
    %dma_start3A_69 = tpu.memref_slice %arg3[%add3A_68] : memref<320000xi32, #tpu.memory_space<hbm>> -> memref<80xi32, #tpu.memory_space<hbm>>
    %dma_start3A_70 = tpu.memref_slice %arg3[%add3A_68] : memref<320000xi32, #tpu.memory_space<hbm>> -> memref<80xi32, #tpu.memory_space<hbm>>
    tpu.enqueue_dma source(%dma_start3A_70 : memref<80xi32, #tpu.memory_space<hbm>>) target(%arg27 : memref<80xi32, #tpu.memory_space<vmem>>) target_semaphore(%arg37 : memref<!tpu.dma_semaphore, #tpu.memory_space<semaphore_mem>>)
    %dma_wait3A = arith.constant 0 : i32
    %dma_wait3A_71 = tpu.memref_slice %arg2[%dma_wait3A] : memref<320000xi32, #tpu.memory_space<hbm>> -> memref<80xi32, #tpu.memory_space<hbm>>
    %dma_wait3A_72 = arith.constant 0 : i32
    %dma_wait3A_73 = tpu.memref_slice %arg2[%dma_wait3A_72] : memref<320000xi32, #tpu.memory_space<hbm>> -> memref<80xi32, #tpu.memory_space<hbm>>
    tpu.wait_dma2 semaphore(%arg33 : memref<!tpu.dma_semaphore, #tpu.memory_space<semaphore_mem>>) src(%dma_wait3A_73 : memref<80xi32, #tpu.memory_space<hbm>>) dst(%arg18 : memref<80xi32, #tpu.memory_space<vmem>>)
    %dma_wait3A_74 = arith.constant 0 : i32
    %dma_wait3A_75 = tpu.memref_slice %arg2[%dma_wait3A_74] : memref<320000xi32, #tpu.memory_space<hbm>> -> memref<80xi32, #tpu.memory_space<hbm>>
    %dma_wait3A_76 = arith.constant 0 : i32
    %dma_wait3A_77 = tpu.memref_slice %arg2[%dma_wait3A_76] : memref<320000xi32, #tpu.memory_space<hbm>> -> memref<80xi32, #tpu.memory_space<hbm>>
    tpu.wait_dma2 semaphore(%arg33 : memref<!tpu.dma_semaphore, #tpu.memory_space<semaphore_mem>>) src(%dma_wait3A_77 : memref<80xi32, #tpu.memory_space<hbm>>) dst(%arg23 : memref<80xi32, #tpu.memory_space<vmem>>)
    %dma_start3A_78 = arith.constant 0 : i32
    %dma_start3A_79 = arith.constant 0 : i32
    %dma_start3A_80 = tpu.memref_slice %arg4[%arg0, %dma_start3A_78, %dma_start3A_79] : memref<2x10000x64xf32, #tpu.memory_space<hbm>> -> memref<1x10000x64xf32, #tpu.memory_space<hbm>>
    %dma_start3A_81 = tpu.memref_squeeze %dma_start3A_80 : memref<1x10000x64xf32, #tpu.memory_space<hbm>> -> memref<10000x64xf32, #tpu.memory_space<hbm>>
    %dma_start3A_82 = arith.constant 0 : i32
    %dma_start3A_83 = arith.constant 0 : i32
    %dma_start3A_84 = tpu.memref_slice %dma_start3A_81[%dma_start3A_82, %dma_start3A_83] : memref<10000x64xf32, #tpu.memory_space<hbm>> -> memref<10000x64xf32, #tpu.memory_space<hbm>>
    tpu.enqueue_indirect_dma source(%dma_start3A_84 : memref<10000x64xf32, #tpu.memory_space<hbm>>) target(%arg13 : memref<80x64xf32, #tpu.memory_space<vmem>>) offsets(%arg23 : memref<80xi32, #tpu.memory_space<vmem>>) semaphore(%arg38 : memref<!tpu.dma_semaphore, #tpu.memory_space<semaphore_mem>>)
    %dma_wait3A_85 = arith.constant 0 : i32
    %dma_wait3A_86 = tpu.memref_slice %arg2[%dma_wait3A_85] : memref<320000xi32, #tpu.memory_space<hbm>> -> memref<80xi32, #tpu.memory_space<hbm>>
    %dma_wait3A_87 = arith.constant 0 : i32
    %dma_wait3A_88 = tpu.memref_slice %arg2[%dma_wait3A_87] : memref<320000xi32, #tpu.memory_space<hbm>> -> memref<80xi32, #tpu.memory_space<hbm>>
    tpu.wait_dma2 semaphore(%arg34 : memref<!tpu.dma_semaphore, #tpu.memory_space<semaphore_mem>>) src(%dma_wait3A_88 : memref<80xi32, #tpu.memory_space<hbm>>) dst(%arg19 : memref<80xi32, #tpu.memory_space<vmem>>)
    %dma_wait3A_89 = arith.constant 0 : i32
    %dma_wait3A_90 = tpu.memref_slice %arg2[%dma_wait3A_89] : memref<320000xi32, #tpu.memory_space<hbm>> -> memref<80xi32, #tpu.memory_space<hbm>>
    %dma_wait3A_91 = arith.constant 0 : i32
    %dma_wait3A_92 = tpu.memref_slice %arg2[%dma_wait3A_91] : memref<320000xi32, #tpu.memory_space<hbm>> -> memref<80xi32, #tpu.memory_space<hbm>>
    tpu.wait_dma2 semaphore(%arg34 : memref<!tpu.dma_semaphore, #tpu.memory_space<semaphore_mem>>) src(%dma_wait3A_92 : memref<80xi32, #tpu.memory_space<hbm>>) dst(%arg24 : memref<80xi32, #tpu.memory_space<vmem>>)
    %dma_start3A_93 = arith.constant 0 : i32
    %dma_start3A_94 = arith.constant 0 : i32
    %dma_start3A_95 = tpu.memref_slice %arg4[%arg0, %dma_start3A_93, %dma_start3A_94] : memref<2x10000x64xf32, #tpu.memory_space<hbm>> -> memref<1x10000x64xf32, #tpu.memory_space<hbm>>
    %dma_start3A_96 = tpu.memref_squeeze %dma_start3A_95 : memref<1x10000x64xf32, #tpu.memory_space<hbm>> -> memref<10000x64xf32, #tpu.memory_space<hbm>>
    %dma_start3A_97 = arith.constant 0 : i32
    %dma_start3A_98 = arith.constant 0 : i32
    %dma_start3A_99 = tpu.memref_slice %dma_start3A_96[%dma_start3A_97, %dma_start3A_98] : memref<10000x64xf32, #tpu.memory_space<hbm>> -> memref<10000x64xf32, #tpu.memory_space<hbm>>
    tpu.enqueue_indirect_dma source(%dma_start3A_99 : memref<10000x64xf32, #tpu.memory_space<hbm>>) target(%arg14 : memref<80x64xf32, #tpu.memory_space<vmem>>) offsets(%arg24 : memref<80xi32, #tpu.memory_space<vmem>>) semaphore(%arg39 : memref<!tpu.dma_semaphore, #tpu.memory_space<semaphore_mem>>)
    %dma_wait3A_100 = arith.constant 0 : i32
    %dma_wait3A_101 = tpu.memref_slice %arg2[%dma_wait3A_100] : memref<320000xi32, #tpu.memory_space<hbm>> -> memref<80xi32, #tpu.memory_space<hbm>>
    %dma_wait3A_102 = arith.constant 0 : i32
    %dma_wait3A_103 = tpu.memref_slice %arg2[%dma_wait3A_102] : memref<320000xi32, #tpu.memory_space<hbm>> -> memref<80xi32, #tpu.memory_space<hbm>>
    tpu.wait_dma2 semaphore(%arg35 : memref<!tpu.dma_semaphore, #tpu.memory_space<semaphore_mem>>) src(%dma_wait3A_103 : memref<80xi32, #tpu.memory_space<hbm>>) dst(%arg20 : memref<80xi32, #tpu.memory_space<vmem>>)
    %dma_wait3A_104 = arith.constant 0 : i32
    %dma_wait3A_105 = tpu.memref_slice %arg2[%dma_wait3A_104] : memref<320000xi32, #tpu.memory_space<hbm>> -> memref<80xi32, #tpu.memory_space<hbm>>
    %dma_wait3A_106 = arith.constant 0 : i32
    %dma_wait3A_107 = tpu.memref_slice %arg2[%dma_wait3A_106] : memref<320000xi32, #tpu.memory_space<hbm>> -> memref<80xi32, #tpu.memory_space<hbm>>
    tpu.wait_dma2 semaphore(%arg35 : memref<!tpu.dma_semaphore, #tpu.memory_space<semaphore_mem>>) src(%dma_wait3A_107 : memref<80xi32, #tpu.memory_space<hbm>>) dst(%arg25 : memref<80xi32, #tpu.memory_space<vmem>>)
    %dma_start3A_108 = arith.constant 0 : i32
    %dma_start3A_109 = arith.constant 0 : i32
    %dma_start3A_110 = tpu.memref_slice %arg4[%arg0, %dma_start3A_108, %dma_start3A_109] : memref<2x10000x64xf32, #tpu.memory_space<hbm>> -> memref<1x10000x64xf32, #tpu.memory_space<hbm>>
    %dma_start3A_111 = tpu.memref_squeeze %dma_start3A_110 : memref<1x10000x64xf32, #tpu.memory_space<hbm>> -> memref<10000x64xf32, #tpu.memory_space<hbm>>
    %dma_start3A_112 = arith.constant 0 : i32
    %dma_start3A_113 = arith.constant 0 : i32
    %dma_start3A_114 = tpu.memref_slice %dma_start3A_111[%dma_start3A_112, %dma_start3A_113] : memref<10000x64xf32, #tpu.memory_space<hbm>> -> memref<10000x64xf32, #tpu.memory_space<hbm>>
    tpu.enqueue_indirect_dma source(%dma_start3A_114 : memref<10000x64xf32, #tpu.memory_space<hbm>>) target(%arg15 : memref<80x64xf32, #tpu.memory_space<vmem>>) offsets(%arg25 : memref<80xi32, #tpu.memory_space<vmem>>) semaphore(%arg40 : memref<!tpu.dma_semaphore, #tpu.memory_space<semaphore_mem>>)
    %scan3A_115 = arith.constant 0 : i32
    %scan3A_116 = arith.constant 0 : i32
    %scan3A_117 = arith.constant 50 : i32
    %scan3A_118 = arith.addi %scan3A_116, %scan3A_117 : i32
    %scan3A_119 = arith.constant 1 : i32
    scf.for %scan3A_177 = %scan3A_116 to %scan3A_118 step %scan3A_119  : i32 {
      %mul3A_178 = arith.constant 5 : i32
      %mul3A_179 = arith.muli %scan3A_177, %mul3A_178 : i32
      %add3A_180 = arith.constant 0 : i32
      %add3A_181 = arith.addi %mul3A_179, %add3A_180 : i32
      %add3A_182 = arith.constant 3 : i32
      %add3A_183 = arith.addi %add3A_181, %add3A_182 : i32
      %ge3A = arith.constant 5 : i32
      %ge3A_184 = arith.cmpi sge, %add3A_183, %ge3A : i32
      %lt3A = arith.constant 250 : i32
      %lt3A_185 = arith.cmpi slt, %add3A_183, %lt3A : i32
      %and3A = arith.andi %ge3A_184, %lt3A_185 : i1
      %convert_element_type3A_186 = arith.extui %and3A : i1 to i32
      %cond3A_187 = arith.constant 0 : i32
      %cond3A_188 = arith.cmpi ne, %convert_element_type3A_186, %cond3A_187 : i32
      scf.if %cond3A_188 {
        %dma_wait3A_962 = arith.constant 0 : i32
        %dma_wait3A_963 = arith.constant 0 : i32
        %dma_wait3A_964 = arith.constant 0 : i32
        %dma_wait3A_965 = tpu.memref_slice %arg4[%dma_wait3A_962, %dma_wait3A_963, %dma_wait3A_964] : memref<2x10000x64xf32, #tpu.memory_space<hbm>> -> memref<1x80x64xf32, #tpu.memory_space<hbm>>
        %dma_wait3A_966 = tpu.memref_squeeze %dma_wait3A_965 : memref<1x80x64xf32, #tpu.memory_space<hbm>> -> memref<80x64xf32, #tpu.memory_space<hbm>>
        %dma_wait3A_967 = arith.constant 0 : i32
        %dma_wait3A_968 = arith.constant 0 : i32
        %dma_wait3A_969 = tpu.memref_slice %arg4[%dma_wait3A_962, %dma_wait3A_967, %dma_wait3A_968] : memref<2x10000x64xf32, #tpu.memory_space<hbm>> -> memref<1x80x64xf32, #tpu.memory_space<hbm>>
        %dma_wait3A_970 = tpu.memref_squeeze %dma_wait3A_969 : memref<1x80x64xf32, #tpu.memory_space<hbm>> -> memref<80x64xf32, #tpu.memory_space<hbm>>
        tpu.wait_dma2 semaphore(%arg46 : memref<!tpu.dma_semaphore, #tpu.memory_space<semaphore_mem>>) src(%dma_wait3A_970 : memref<80x64xf32, #tpu.memory_space<hbm>>) dst(%arg16 : memref<80x64xf32, #tpu.memory_space<vmem>>)
      } else {
      }
      %ge3A_189 = arith.constant 3 : i32
      %ge3A_190 = arith.cmpi sge, %add3A_183, %ge3A_189 : i32
      %lt3A_191 = arith.constant 250 : i32
      %lt3A_192 = arith.cmpi slt, %add3A_183, %lt3A_191 : i32
      %and3A_193 = arith.andi %ge3A_190, %lt3A_192 : i1
      %convert_element_type3A_194 = arith.extui %and3A_193 : i1 to i32
      %cond3A_195 = arith.constant 0 : i32
      %cond3A_196 = arith.cmpi ne, %convert_element_type3A_194, %cond3A_195 : i32
      scf.if %cond3A_196 {
        %dma_wait3A_962 = arith.constant 0 : i32
        %dma_wait3A_963 = tpu.memref_slice %arg2[%dma_wait3A_962] : memref<320000xi32, #tpu.memory_space<hbm>> -> memref<80xi32, #tpu.memory_space<hbm>>
        %dma_wait3A_964 = arith.constant 0 : i32
        %dma_wait3A_965 = tpu.memref_slice %arg2[%dma_wait3A_964] : memref<320000xi32, #tpu.memory_space<hbm>> -> memref<80xi32, #tpu.memory_space<hbm>>
        tpu.wait_dma2 semaphore(%arg36 : memref<!tpu.dma_semaphore, #tpu.memory_space<semaphore_mem>>) src(%dma_wait3A_965 : memref<80xi32, #tpu.memory_space<hbm>>) dst(%arg21 : memref<80xi32, #tpu.memory_space<vmem>>)
        %dma_wait3A_966 = arith.constant 0 : i32
        %dma_wait3A_967 = tpu.memref_slice %arg2[%dma_wait3A_966] : memref<320000xi32, #tpu.memory_space<hbm>> -> memref<80xi32, #tpu.memory_space<hbm>>
        %dma_wait3A_968 = arith.constant 0 : i32
        %dma_wait3A_969 = tpu.memref_slice %arg2[%dma_wait3A_968] : memref<320000xi32, #tpu.memory_space<hbm>> -> memref<80xi32, #tpu.memory_space<hbm>>
        tpu.wait_dma2 semaphore(%arg36 : memref<!tpu.dma_semaphore, #tpu.memory_space<semaphore_mem>>) src(%dma_wait3A_969 : memref<80xi32, #tpu.memory_space<hbm>>) dst(%arg26 : memref<80xi32, #tpu.memory_space<vmem>>)
        %dma_start3A_970 = arith.constant 0 : i32
        %dma_start3A_971 = arith.constant 0 : i32
        %dma_start3A_972 = tpu.memref_slice %arg4[%arg0, %dma_start3A_970, %dma_start3A_971] : memref<2x10000x64xf32, #tpu.memory_space<hbm>> -> memref<1x10000x64xf32, #tpu.memory_space<hbm>>
        %dma_start3A_973 = tpu.memref_squeeze %dma_start3A_972 : memref<1x10000x64xf32, #tpu.memory_space<hbm>> -> memref<10000x64xf32, #tpu.memory_space<hbm>>
        %dma_start3A_974 = arith.constant 0 : i32
        %dma_start3A_975 = arith.constant 0 : i32
        %dma_start3A_976 = tpu.memref_slice %dma_start3A_973[%dma_start3A_974, %dma_start3A_975] : memref<10000x64xf32, #tpu.memory_space<hbm>> -> memref<10000x64xf32, #tpu.memory_space<hbm>>
        tpu.enqueue_indirect_dma source(%dma_start3A_976 : memref<10000x64xf32, #tpu.memory_space<hbm>>) target(%arg16 : memref<80x64xf32, #tpu.memory_space<vmem>>) offsets(%arg26 : memref<80xi32, #tpu.memory_space<vmem>>) semaphore(%arg41 : memref<!tpu.dma_semaphore, #tpu.memory_space<semaphore_mem>>)
      } else {
      }
      %dma_wait3A_197 = arith.constant 0 : i32
      %dma_wait3A_198 = arith.constant 0 : i32
      %dma_wait3A_199 = arith.constant 0 : i32
      %dma_wait3A_200 = tpu.memref_slice %arg4[%dma_wait3A_197, %dma_wait3A_198, %dma_wait3A_199] : memref<2x10000x64xf32, #tpu.memory_space<hbm>> -> memref<1x80x64xf32, #tpu.memory_space<hbm>>
      %dma_wait3A_201 = tpu.memref_squeeze %dma_wait3A_200 : memref<1x80x64xf32, #tpu.memory_space<hbm>> -> memref<80x64xf32, #tpu.memory_space<hbm>>
      %dma_wait3A_202 = arith.constant 0 : i32
      %dma_wait3A_203 = arith.constant 0 : i32
      %dma_wait3A_204 = tpu.memref_slice %arg4[%dma_wait3A_197, %dma_wait3A_202, %dma_wait3A_203] : memref<2x10000x64xf32, #tpu.memory_space<hbm>> -> memref<1x80x64xf32, #tpu.memory_space<hbm>>
      %dma_wait3A_205 = tpu.memref_squeeze %dma_wait3A_204 : memref<1x80x64xf32, #tpu.memory_space<hbm>> -> memref<80x64xf32, #tpu.memory_space<hbm>>
      tpu.wait_dma2 semaphore(%arg38 : memref<!tpu.dma_semaphore, #tpu.memory_space<semaphore_mem>>) src(%dma_wait3A_205 : memref<80x64xf32, #tpu.memory_space<hbm>>) dst(%arg13 : memref<80x64xf32, #tpu.memory_space<vmem>>)
      %get3A = arith.constant 0 : index
      %get3A_206 = tpu.vector_load %arg18[%get3A] {strides = array<i32>} : memref<80xi32, #tpu.memory_space<vmem>>, vector<16xi32>,
      %get3A_207 = arith.constant 0 : index
      %get3A_208 = tpu.vector_load %arg23[%get3A_207] {strides = array<i32>} : memref<80xi32, #tpu.memory_space<vmem>>, vector<16xi32>,
      %gather3A = tpu.vector_load_idx %arg9[%get3A_206] : memref<10000xf32, #tpu.memory_space<vmem>>[vector<16xi32>], vector<16xf32>,
      %gather3A_209 = tpu.vector_load_idx %arg10[%get3A_208] : memref<10000xf32, #tpu.memory_space<vmem>>[vector<16xi32>], vector<16xf32>,
      %add3A_210 = arith.addf %gather3A, %gather3A_209 : vector<16xf32>
      %gt3A = arith.constant 0.000000e+00 : f32
      %gt3A_211 = vector.broadcast %gt3A : f32 to vector<16xf32>
      %gt3A_212 = arith.cmpf ogt, %add3A_210, %gt3A_211 : vector<16xf32>
      %exp3A = math.exp %add3A_210 : vector<16xf32>
      %sub3A = arith.constant 1.000000e+00 : f32
      %sub3A_213 = vector.broadcast %sub3A : f32 to vector<16xf32>
      %sub3A_214 = arith.subf %exp3A, %sub3A_213 : vector<16xf32>
      %mul3A_215 = arith.constant 1.000000e-01 : f32
      %mul3A_216 = vector.broadcast %mul3A_215 : f32 to vector<16xf32>
      %mul3A_217 = arith.mulf %mul3A_216, %sub3A_214 : vector<16xf32>
      %select_n3A = arith.select %gt3A_212, %add3A_210, %mul3A_217 : vector<16xi1>, vector<16xf32>
      %exp3A_218 = math.exp %select_n3A : vector<16xf32>
      %swap3A = arith.constant 0 : index
      %swap3A_219 = tpu.vector_load %arg12[%swap3A] {strides = array<i32>} : memref<80xf32, #tpu.memory_space<vmem>>, vector<16xf32>,
      tpu.vector_store %arg12[%swap3A], %exp3A_218 {strides = array<i32>} : memref<80xf32, #tpu.memory_space<vmem>>, vector<16xf32>,
      %swap3A_220 = arith.constant 0 : index
      %swap3A_221 = tpu.vector_load %arg28[%swap3A_220] {strides = array<i32>} : memref<80xi32, #tpu.memory_space<vmem>>, vector<16xi32>,
      tpu.vector_store %arg28[%swap3A_220], %get3A_206 {strides = array<i32>} : memref<80xi32, #tpu.memory_space<vmem>>, vector<16xi32>,
      tpu.vector_store_idx %arg11[%get3A_206], %exp3A_218 {add = true} : memref<10016xf32, #tpu.memory_space<vmem>>[vector<16xi32>], vector<16xf32>,
      %get3A_222 = arith.constant 16 : index
      %get3A_223 = tpu.vector_load %arg18[%get3A_222] {strides = array<i32>} : memref<80xi32, #tpu.memory_space<vmem>>, vector<16xi32>,
      %get3A_224 = arith.constant 16 : index
      %get3A_225 = tpu.vector_load %arg23[%get3A_224] {strides = array<i32>} : memref<80xi32, #tpu.memory_space<vmem>>, vector<16xi32>,
      %gather3A_226 = tpu.vector_load_idx %arg9[%get3A_223] : memref<10000xf32, #tpu.memory_space<vmem>>[vector<16xi32>], vector<16xf32>,
      %gather3A_227 = tpu.vector_load_idx %arg10[%get3A_225] : memref<10000xf32, #tpu.memory_space<vmem>>[vector<16xi32>], vector<16xf32>,
      %add3A_228 = arith.addf %gather3A_226, %gather3A_227 : vector<16xf32>
      %gt3A_229 = arith.constant 0.000000e+00 : f32
      %gt3A_230 = vector.broadcast %gt3A_229 : f32 to vector<16xf32>
      %gt3A_231 = arith.cmpf ogt, %add3A_228, %gt3A_230 : vector<16xf32>
      %exp3A_232 = math.exp %add3A_228 : vector<16xf32>
      %sub3A_233 = arith.constant 1.000000e+00 : f32
      %sub3A_234 = vector.broadcast %sub3A_233 : f32 to vector<16xf32>
      %sub3A_235 = arith.subf %exp3A_232, %sub3A_234 : vector<16xf32>
      %mul3A_236 = arith.constant 1.000000e-01 : f32
      %mul3A_237 = vector.broadcast %mul3A_236 : f32 to vector<16xf32>
      %mul3A_238 = arith.mulf %mul3A_237, %sub3A_235 : vector<16xf32>
      %select_n3A_239 = arith.select %gt3A_231, %add3A_228, %mul3A_238 : vector<16xi1>, vector<16xf32>
      %exp3A_240 = math.exp %select_n3A_239 : vector<16xf32>
      %swap3A_241 = arith.constant 16 : index
      %swap3A_242 = tpu.vector_load %arg12[%swap3A_241] {strides = array<i32>} : memref<80xf32, #tpu.memory_space<vmem>>, vector<16xf32>,
      tpu.vector_store %arg12[%swap3A_241], %exp3A_240 {strides = array<i32>} : memref<80xf32, #tpu.memory_space<vmem>>, vector<16xf32>,
      %swap3A_243 = arith.constant 16 : index
      %swap3A_244 = tpu.vector_load %arg28[%swap3A_243] {strides = array<i32>} : memref<80xi32, #tpu.memory_space<vmem>>, vector<16xi32>,
      tpu.vector_store %arg28[%swap3A_243], %get3A_223 {strides = array<i32>} : memref<80xi32, #tpu.memory_space<vmem>>, vector<16xi32>,
      tpu.vector_store_idx %arg11[%get3A_223], %exp3A_240 {add = true} : memref<10016xf32, #tpu.memory_space<vmem>>[vector<16xi32>], vector<16xf32>,
      %get3A_245 = arith.constant 32 : index
      %get3A_246 = tpu.vector_load %arg18[%get3A_245] {strides = array<i32>} : memref<80xi32, #tpu.memory_space<vmem>>, vector<16xi32>,
      %get3A_247 = arith.constant 32 : index
      %get3A_248 = tpu.vector_load %arg23[%get3A_247] {strides = array<i32>} : memref<80xi32, #tpu.memory_space<vmem>>, vector<16xi32>,
      %gather3A_249 = tpu.vector_load_idx %arg9[%get3A_246] : memref<10000xf32, #tpu.memory_space<vmem>>[vector<16xi32>], vector<16xf32>,
      %gather3A_250 = tpu.vector_load_idx %arg10[%get3A_248] : memref<10000xf32, #tpu.memory_space<vmem>>[vector<16xi32>], vector<16xf32>,
      %add3A_251 = arith.addf %gather3A_249, %gather3A_250 : vector<16xf32>
      %gt3A_252 = arith.constant 0.000000e+00 : f32
      %gt3A_253 = vector.broadcast %gt3A_252 : f32 to vector<16xf32>
      %gt3A_254 = arith.cmpf ogt, %add3A_251, %gt3A_253 : vector<16xf32>
      %exp3A_255 = math.exp %add3A_251 : vector<16xf32>
      %sub3A_256 = arith.constant 1.000000e+00 : f32
      %sub3A_257 = vector.broadcast %sub3A_256 : f32 to vector<16xf32>
      %sub3A_258 = arith.subf %exp3A_255, %sub3A_257 : vector<16xf32>
      %mul3A_259 = arith.constant 1.000000e-01 : f32
      %mul3A_260 = vector.broadcast %mul3A_259 : f32 to vector<16xf32>
      %mul3A_261 = arith.mulf %mul3A_260, %sub3A_258 : vector<16xf32>
      %select_n3A_262 = arith.select %gt3A_254, %add3A_251, %mul3A_261 : vector<16xi1>, vector<16xf32>
      %exp3A_263 = math.exp %select_n3A_262 : vector<16xf32>
      %swap3A_264 = arith.constant 32 : index
      %swap3A_265 = tpu.vector_load %arg12[%swap3A_264] {strides = array<i32>} : memref<80xf32, #tpu.memory_space<vmem>>, vector<16xf32>,
      tpu.vector_store %arg12[%swap3A_264], %exp3A_263 {strides = array<i32>} : memref<80xf32, #tpu.memory_space<vmem>>, vector<16xf32>,
      %swap3A_266 = arith.constant 32 : index
      %swap3A_267 = tpu.vector_load %arg28[%swap3A_266] {strides = array<i32>} : memref<80xi32, #tpu.memory_space<vmem>>, vector<16xi32>,
      tpu.vector_store %arg28[%swap3A_266], %get3A_246 {strides = array<i32>} : memref<80xi32, #tpu.memory_space<vmem>>, vector<16xi32>,
      tpu.vector_store_idx %arg11[%get3A_246], %exp3A_263 {add = true} : memref<10016xf32, #tpu.memory_space<vmem>>[vector<16xi32>], vector<16xf32>,
      %get3A_268 = arith.constant 48 : index
      %get3A_269 = tpu.vector_load %arg18[%get3A_268] {strides = array<i32>} : memref<80xi32, #tpu.memory_space<vmem>>, vector<16xi32>,
      %get3A_270 = arith.constant 48 : index
      %get3A_271 = tpu.vector_load %arg23[%get3A_270] {strides = array<i32>} : memref<80xi32, #tpu.memory_space<vmem>>, vector<16xi32>,
      %gather3A_272 = tpu.vector_load_idx %arg9[%get3A_269] : memref<10000xf32, #tpu.memory_space<vmem>>[vector<16xi32>], vector<16xf32>,
      %gather3A_273 = tpu.vector_load_idx %arg10[%get3A_271] : memref<10000xf32, #tpu.memory_space<vmem>>[vector<16xi32>], vector<16xf32>,
      %add3A_274 = arith.addf %gather3A_272, %gather3A_273 : vector<16xf32>
      %gt3A_275 = arith.constant 0.000000e+00 : f32
      %gt3A_276 = vector.broadcast %gt3A_275 : f32 to vector<16xf32>
      %gt3A_277 = arith.cmpf ogt, %add3A_274, %gt3A_276 : vector<16xf32>
      %exp3A_278 = math.exp %add3A_274 : vector<16xf32>
      %sub3A_279 = arith.constant 1.000000e+00 : f32
      %sub3A_280 = vector.broadcast %sub3A_279 : f32 to vector<16xf32>
      %sub3A_281 = arith.subf %exp3A_278, %sub3A_280 : vector<16xf32>
      %mul3A_282 = arith.constant 1.000000e-01 : f32
      %mul3A_283 = vector.broadcast %mul3A_282 : f32 to vector<16xf32>
      %mul3A_284 = arith.mulf %mul3A_283, %sub3A_281 : vector<16xf32>
      %select_n3A_285 = arith.select %gt3A_277, %add3A_274, %mul3A_284 : vector<16xi1>, vector<16xf32>
      %exp3A_286 = math.exp %select_n3A_285 : vector<16xf32>
      %swap3A_287 = arith.constant 48 : index
      %swap3A_288 = tpu.vector_load %arg12[%swap3A_287] {strides = array<i32>} : memref<80xf32, #tpu.memory_space<vmem>>, vector<16xf32>,
      tpu.vector_store %arg12[%swap3A_287], %exp3A_286 {strides = array<i32>} : memref<80xf32, #tpu.memory_space<vmem>>, vector<16xf32>,
      %swap3A_289 = arith.constant 48 : index
      %swap3A_290 = tpu.vector_load %arg28[%swap3A_289] {strides = array<i32>} : memref<80xi32, #tpu.memory_space<vmem>>, vector<16xi32>,
      tpu.vector_store %arg28[%swap3A_289], %get3A_269 {strides = array<i32>} : memref<80xi32, #tpu.memory_space<vmem>>, vector<16xi32>,
      tpu.vector_store_idx %arg11[%get3A_269], %exp3A_286 {add = true} : memref<10016xf32, #tpu.memory_space<vmem>>[vector<16xi32>], vector<16xf32>,
      %get3A_291 = arith.constant 64 : index
      %get3A_292 = tpu.vector_load %arg18[%get3A_291] {strides = array<i32>} : memref<80xi32, #tpu.memory_space<vmem>>, vector<16xi32>,
      %get3A_293 = arith.constant 64 : index
      %get3A_294 = tpu.vector_load %arg23[%get3A_293] {strides = array<i32>} : memref<80xi32, #tpu.memory_space<vmem>>, vector<16xi32>,
      %gather3A_295 = tpu.vector_load_idx %arg9[%get3A_292] : memref<10000xf32, #tpu.memory_space<vmem>>[vector<16xi32>], vector<16xf32>,
      %gather3A_296 = tpu.vector_load_idx %arg10[%get3A_294] : memref<10000xf32, #tpu.memory_space<vmem>>[vector<16xi32>], vector<16xf32>,
      %add3A_297 = arith.addf %gather3A_295, %gather3A_296 : vector<16xf32>
      %gt3A_298 = arith.constant 0.000000e+00 : f32
      %gt3A_299 = vector.broadcast %gt3A_298 : f32 to vector<16xf32>
      %gt3A_300 = arith.cmpf ogt, %add3A_297, %gt3A_299 : vector<16xf32>
      %exp3A_301 = math.exp %add3A_297 : vector<16xf32>
      %sub3A_302 = arith.constant 1.000000e+00 : f32
      %sub3A_303 = vector.broadcast %sub3A_302 : f32 to vector<16xf32>
      %sub3A_304 = arith.subf %exp3A_301, %sub3A_303 : vector<16xf32>
      %mul3A_305 = arith.constant 1.000000e-01 : f32
      %mul3A_306 = vector.broadcast %mul3A_305 : f32 to vector<16xf32>
      %mul3A_307 = arith.mulf %mul3A_306, %sub3A_304 : vector<16xf32>
      %select_n3A_308 = arith.select %gt3A_300, %add3A_297, %mul3A_307 : vector<16xi1>, vector<16xf32>
      %exp3A_309 = math.exp %select_n3A_308 : vector<16xf32>
      %swap3A_310 = arith.constant 64 : index
      %swap3A_311 = tpu.vector_load %arg12[%swap3A_310] {strides = array<i32>} : memref<80xf32, #tpu.memory_space<vmem>>, vector<16xf32>,
      tpu.vector_store %arg12[%swap3A_310], %exp3A_309 {strides = array<i32>} : memref<80xf32, #tpu.memory_space<vmem>>, vector<16xf32>,
      %swap3A_312 = arith.constant 64 : index
      %swap3A_313 = tpu.vector_load %arg28[%swap3A_312] {strides = array<i32>} : memref<80xi32, #tpu.memory_space<vmem>>, vector<16xi32>,
      tpu.vector_store %arg28[%swap3A_312], %get3A_292 {strides = array<i32>} : memref<80xi32, #tpu.memory_space<vmem>>, vector<16xi32>,
      tpu.vector_store_idx %arg11[%get3A_292], %exp3A_309 {add = true} : memref<10016xf32, #tpu.memory_space<vmem>>[vector<16xi32>], vector<16xf32>,
      %parallel_loop3A = arith.constant 0 : i32
      %parallel_loop3A_314 = arith.constant 80 : i32
      %parallel_loop3A_315 = arith.constant 1 : i32
      scf.for %parallel_loop3A_962 = %parallel_loop3A to %parallel_loop3A_314 step %parallel_loop3A_315  : i32 {
        %parallel_loop3A_963 = arith.constant 0 : i32
        %parallel_loop3A_964 = vector.broadcast %parallel_loop3A_963 : i32 to vector<16xi32>
        %parallel_loop3A_965 = vector.broadcast %parallel_loop3A_962 : i32 to vector<16xi32>
        %parallel_loop3A_966 = arith.addi %parallel_loop3A_964, %parallel_loop3A_965 : vector<16xi32>
        %parallel_loop3A_967 = tpu.vector_load_idx %arg12[%parallel_loop3A_966] : memref<80xf32, #tpu.memory_space<vmem>>[vector<16xi32>], vector<16xf32>,
        %parallel_loop3A_968 = arith.index_cast %parallel_loop3A_962 : i32 to index
        %parallel_loop3A_969 = arith.constant 0 : index
        %parallel_loop3A_970 = tpu.vector_load %arg13[%parallel_loop3A_968, %parallel_loop3A_969] {strides = array<i32>} : memref<80x64xf32, #tpu.memory_space<vmem>>, vector<16xf32>,
        %parallel_loop3A_971 = arith.mulf %parallel_loop3A_970, %parallel_loop3A_967 : vector<16xf32>
        %parallel_loop3A_972 = arith.index_cast %parallel_loop3A_962 : i32 to index
        %parallel_loop3A_973 = arith.constant 0 : index
        %parallel_loop3A_974 = tpu.vector_load %arg13[%parallel_loop3A_972, %parallel_loop3A_973] {strides = array<i32>} : memref<80x64xf32, #tpu.memory_space<vmem>>, vector<16xf32>,
        tpu.vector_store %arg13[%parallel_loop3A_972, %parallel_loop3A_973], %parallel_loop3A_971 {strides = array<i32>} : memref<80x64xf32, #tpu.memory_space<vmem>>, vector<16xf32>,
        %parallel_loop3A_975 = arith.index_cast %parallel_loop3A_962 : i32 to index
        %parallel_loop3A_976 = arith.constant 16 : index
        %parallel_loop3A_977 = tpu.vector_load %arg13[%parallel_loop3A_975, %parallel_loop3A_976] {strides = array<i32>} : memref<80x64xf32, #tpu.memory_space<vmem>>, vector<16xf32>,
        %parallel_loop3A_978 = arith.mulf %parallel_loop3A_977, %parallel_loop3A_967 : vector<16xf32>
        %parallel_loop3A_979 = arith.index_cast %parallel_loop3A_962 : i32 to index
        %parallel_loop3A_980 = arith.constant 16 : index
        %parallel_loop3A_981 = tpu.vector_load %arg13[%parallel_loop3A_979, %parallel_loop3A_980] {strides = array<i32>} : memref<80x64xf32, #tpu.memory_space<vmem>>, vector<16xf32>,
        tpu.vector_store %arg13[%parallel_loop3A_979, %parallel_loop3A_980], %parallel_loop3A_978 {strides = array<i32>} : memref<80x64xf32, #tpu.memory_space<vmem>>, vector<16xf32>,
        %parallel_loop3A_982 = arith.index_cast %parallel_loop3A_962 : i32 to index
        %parallel_loop3A_983 = arith.constant 32 : index
        %parallel_loop3A_984 = tpu.vector_load %arg13[%parallel_loop3A_982, %parallel_loop3A_983] {strides = array<i32>} : memref<80x64xf32, #tpu.memory_space<vmem>>, vector<16xf32>,
        %parallel_loop3A_985 = arith.mulf %parallel_loop3A_984, %parallel_loop3A_967 : vector<16xf32>
        %parallel_loop3A_986 = arith.index_cast %parallel_loop3A_962 : i32 to index
        %parallel_loop3A_987 = arith.constant 32 : index
        %parallel_loop3A_988 = tpu.vector_load %arg13[%parallel_loop3A_986, %parallel_loop3A_987] {strides = array<i32>} : memref<80x64xf32, #tpu.memory_space<vmem>>, vector<16xf32>,
        tpu.vector_store %arg13[%parallel_loop3A_986, %parallel_loop3A_987], %parallel_loop3A_985 {strides = array<i32>} : memref<80x64xf32, #tpu.memory_space<vmem>>, vector<16xf32>,
        %parallel_loop3A_989 = arith.index_cast %parallel_loop3A_962 : i32 to index
        %parallel_loop3A_990 = arith.constant 48 : index
        %parallel_loop3A_991 = tpu.vector_load %arg13[%parallel_loop3A_989, %parallel_loop3A_990] {strides = array<i32>} : memref<80x64xf32, #tpu.memory_space<vmem>>, vector<16xf32>,
        %parallel_loop3A_992 = arith.mulf %parallel_loop3A_991, %parallel_loop3A_967 : vector<16xf32>
        %parallel_loop3A_993 = arith.index_cast %parallel_loop3A_962 : i32 to index
        %parallel_loop3A_994 = arith.constant 48 : index
        %parallel_loop3A_995 = tpu.vector_load %arg13[%parallel_loop3A_993, %parallel_loop3A_994] {strides = array<i32>} : memref<80x64xf32, #tpu.memory_space<vmem>>, vector<16xf32>,
        tpu.vector_store %arg13[%parallel_loop3A_993, %parallel_loop3A_994], %parallel_loop3A_992 {strides = array<i32>} : memref<80x64xf32, #tpu.memory_space<vmem>>, vector<16xf32>,
      } {sc.loop_unroll_factor = 4 : i64, sc.parallel_access}
      %dma_start3A_316 = arith.constant 0 : i32
      %dma_start3A_317 = arith.constant 0 : i32
      %dma_start3A_318 = tpu.memref_slice %arg48[%dma_start3A_316, %dma_start3A_317] : memref<10008x64xf32, #tpu.memory_space<vmem_shared>> -> memref<10008x64xf32, #tpu.memory_space<vmem_shared>>
      tpu.enqueue_indirect_dma source(%arg13 : memref<80x64xf32, #tpu.memory_space<vmem>>) target(%dma_start3A_318 : memref<10008x64xf32, #tpu.memory_space<vmem_shared>>) offsets(%arg28 : memref<80xi32, #tpu.memory_space<vmem>>) semaphore(%arg43 : memref<!tpu.dma_semaphore, #tpu.memory_space<semaphore_mem>>) {add = true}
      %add3A_319 = arith.constant 5 : i32
      %add3A_320 = arith.addi %add3A_181, %add3A_319 : i32
      %lt3A_321 = arith.constant 250 : i32
      %lt3A_322 = arith.cmpi slt, %add3A_320, %lt3A_321 : i32
      %convert_element_type3A_323 = arith.extui %lt3A_322 : i1 to i32
      %cond3A_324 = arith.constant 0 : i32
      %cond3A_325 = arith.cmpi ne, %convert_element_type3A_323, %cond3A_324 : i32
      scf.if %cond3A_325 {
        %add3A_962 = arith.constant 5 : i32
        %add3A_963 = arith.addi %add3A_181, %add3A_962 : i32
        %mul3A_964 = arith.constant 80 : i32
        %mul3A_965 = arith.muli %add3A_963, %mul3A_964 : i32
        %add3A_966 = arith.addi %mul3A_1, %mul3A_965 : i32
        %dma_start3A_967 = tpu.memref_slice %arg2[%add3A_966] : memref<320000xi32, #tpu.memory_space<hbm>> -> memref<80xi32, #tpu.memory_space<hbm>>
        %dma_start3A_968 = tpu.memref_slice %arg2[%add3A_966] : memref<320000xi32, #tpu.memory_space<hbm>> -> memref<80xi32, #tpu.memory_space<hbm>>
        tpu.enqueue_dma source(%dma_start3A_968 : memref<80xi32, #tpu.memory_space<hbm>>) target(%arg18 : memref<80xi32, #tpu.memory_space<vmem>>) target_semaphore(%arg33 : memref<!tpu.dma_semaphore, #tpu.memory_space<semaphore_mem>>)
        %mul3A_969 = arith.constant 80 : i32
        %mul3A_970 = arith.muli %add3A_963, %mul3A_969 : i32
        %add3A_971 = arith.addi %mul3A_1, %mul3A_970 : i32
        %dma_start3A_972 = tpu.memref_slice %arg3[%add3A_971] : memref<320000xi32, #tpu.memory_space<hbm>> -> memref<80xi32, #tpu.memory_space<hbm>>
        %dma_start3A_973 = tpu.memref_slice %arg3[%add3A_971] : memref<320000xi32, #tpu.memory_space<hbm>> -> memref<80xi32, #tpu.memory_space<hbm>>
        tpu.enqueue_dma source(%dma_start3A_973 : memref<80xi32, #tpu.memory_space<hbm>>) target(%arg23 : memref<80xi32, #tpu.memory_space<vmem>>) target_semaphore(%arg33 : memref<!tpu.dma_semaphore, #tpu.memory_space<semaphore_mem>>)
      } else {
      }
      %mul3A_326 = arith.constant 5 : i32
      %mul3A_327 = arith.muli %scan3A_177, %mul3A_326 : i32
      %add3A_328 = arith.constant 1 : i32
      %add3A_329 = arith.addi %mul3A_327, %add3A_328 : i32
      %add3A_330 = arith.constant 3 : i32
      %add3A_331 = arith.addi %add3A_329, %add3A_330 : i32
      %ge3A_332 = arith.constant 5 : i32
      %ge3A_333 = arith.cmpi sge, %add3A_331, %ge3A_332 : i32
      %lt3A_334 = arith.constant 250 : i32
      %lt3A_335 = arith.cmpi slt, %add3A_331, %lt3A_334 : i32
      %and3A_336 = arith.andi %ge3A_333, %lt3A_335 : i1
      %convert_element_type3A_337 = arith.extui %and3A_336 : i1 to i32
      %cond3A_338 = arith.constant 0 : i32
      %cond3A_339 = arith.cmpi ne, %convert_element_type3A_337, %cond3A_338 : i32
      scf.if %cond3A_339 {
        %dma_wait3A_962 = arith.constant 0 : i32
        %dma_wait3A_963 = arith.constant 0 : i32
        %dma_wait3A_964 = arith.constant 0 : i32
        %dma_wait3A_965 = tpu.memref_slice %arg4[%dma_wait3A_962, %dma_wait3A_963, %dma_wait3A_964] : memref<2x10000x64xf32, #tpu.memory_space<hbm>> -> memref<1x80x64xf32, #tpu.memory_space<hbm>>
        %dma_wait3A_966 = tpu.memref_squeeze %dma_wait3A_965 : memref<1x80x64xf32, #tpu.memory_space<hbm>> -> memref<80x64xf32, #tpu.memory_space<hbm>>
        %dma_wait3A_967 = arith.constant 0 : i32
        %dma_wait3A_968 = arith.constant 0 : i32
        %dma_wait3A_969 = tpu.memref_slice %arg4[%dma_wait3A_962, %dma_wait3A_967, %dma_wait3A_968] : memref<2x10000x64xf32, #tpu.memory_space<hbm>> -> memref<1x80x64xf32, #tpu.memory_space<hbm>>
        %dma_wait3A_970 = tpu.memref_squeeze %dma_wait3A_969 : memref<1x80x64xf32, #tpu.memory_space<hbm>> -> memref<80x64xf32, #tpu.memory_space<hbm>>
        tpu.wait_dma2 semaphore(%arg47 : memref<!tpu.dma_semaphore, #tpu.memory_space<semaphore_mem>>) src(%dma_wait3A_970 : memref<80x64xf32, #tpu.memory_space<hbm>>) dst(%arg17 : memref<80x64xf32, #tpu.memory_space<vmem>>)
      } else {
      }
      %ge3A_340 = arith.constant 3 : i32
      %ge3A_341 = arith.cmpi sge, %add3A_331, %ge3A_340 : i32
      %lt3A_342 = arith.constant 250 : i32
      %lt3A_343 = arith.cmpi slt, %add3A_331, %lt3A_342 : i32
      %and3A_344 = arith.andi %ge3A_341, %lt3A_343 : i1
      %convert_element_type3A_345 = arith.extui %and3A_344 : i1 to i32
      %cond3A_346 = arith.constant 0 : i32
      %cond3A_347 = arith.cmpi ne, %convert_element_type3A_345, %cond3A_346 : i32
      scf.if %cond3A_347 {
        %dma_wait3A_962 = arith.constant 0 : i32
        %dma_wait3A_963 = tpu.memref_slice %arg2[%dma_wait3A_962] : memref<320000xi32, #tpu.memory_space<hbm>> -> memref<80xi32, #tpu.memory_space<hbm>>
        %dma_wait3A_964 = arith.constant 0 : i32
        %dma_wait3A_965 = tpu.memref_slice %arg2[%dma_wait3A_964] : memref<320000xi32, #tpu.memory_space<hbm>> -> memref<80xi32, #tpu.memory_space<hbm>>
        tpu.wait_dma2 semaphore(%arg37 : memref<!tpu.dma_semaphore, #tpu.memory_space<semaphore_mem>>) src(%dma_wait3A_965 : memref<80xi32, #tpu.memory_space<hbm>>) dst(%arg22 : memref<80xi32, #tpu.memory_space<vmem>>)
        %dma_wait3A_966 = arith.constant 0 : i32
        %dma_wait3A_967 = tpu.memref_slice %arg2[%dma_wait3A_966] : memref<320000xi32, #tpu.memory_space<hbm>> -> memref<80xi32, #tpu.memory_space<hbm>>
        %dma_wait3A_968 = arith.constant 0 : i32
        %dma_wait3A_969 = tpu.memref_slice %arg2[%dma_wait3A_968] : memref<320000xi32, #tpu.memory_space<hbm>> -> memref<80xi32, #tpu.memory_space<hbm>>
        tpu.wait_dma2 semaphore(%arg37 : memref<!tpu.dma_semaphore, #tpu.memory_space<semaphore_mem>>) src(%dma_wait3A_969 : memref<80xi32, #tpu.memory_space<hbm>>) dst(%arg27 : memref<80xi32, #tpu.memory_space<vmem>>)
        %dma_start3A_970 = arith.constant 0 : i32
        %dma_start3A_971 = arith.constant 0 : i32
        %dma_start3A_972 = tpu.memref_slice %arg4[%arg0, %dma_start3A_970, %dma_start3A_971] : memref<2x10000x64xf32, #tpu.memory_space<hbm>> -> memref<1x10000x64xf32, #tpu.memory_space<hbm>>
        %dma_start3A_973 = tpu.memref_squeeze %dma_start3A_972 : memref<1x10000x64xf32, #tpu.memory_space<hbm>> -> memref<10000x64xf32, #tpu.memory_space<hbm>>
        %dma_start3A_974 = arith.constant 0 : i32
        %dma_start3A_975 = arith.constant 0 : i32
        %dma_start3A_976 = tpu.memref_slice %dma_start3A_973[%dma_start3A_974, %dma_start3A_975] : memref<10000x64xf32, #tpu.memory_space<hbm>> -> memref<10000x64xf32, #tpu.memory_space<hbm>>
        tpu.enqueue_indirect_dma source(%dma_start3A_976 : memref<10000x64xf32, #tpu.memory_space<hbm>>) target(%arg17 : memref<80x64xf32, #tpu.memory_space<vmem>>) offsets(%arg27 : memref<80xi32, #tpu.memory_space<vmem>>) semaphore(%arg42 : memref<!tpu.dma_semaphore, #tpu.memory_space<semaphore_mem>>)
      } else {
      }
      %dma_wait3A_348 = arith.constant 0 : i32
      %dma_wait3A_349 = arith.constant 0 : i32
      %dma_wait3A_350 = arith.constant 0 : i32
      %dma_wait3A_351 = tpu.memref_slice %arg4[%dma_wait3A_348, %dma_wait3A_349, %dma_wait3A_350] : memref<2x10000x64xf32, #tpu.memory_space<hbm>> -> memref<1x80x64xf32, #tpu.memory_space<hbm>>
      %dma_wait3A_352 = tpu.memref_squeeze %dma_wait3A_351 : memref<1x80x64xf32, #tpu.memory_space<hbm>> -> memref<80x64xf32, #tpu.memory_space<hbm>>
      %dma_wait3A_353 = arith.constant 0 : i32
      %dma_wait3A_354 = arith.constant 0 : i32
      %dma_wait3A_355 = tpu.memref_slice %arg4[%dma_wait3A_348, %dma_wait3A_353, %dma_wait3A_354] : memref<2x10000x64xf32, #tpu.memory_space<hbm>> -> memref<1x80x64xf32, #tpu.memory_space<hbm>>
      %dma_wait3A_356 = tpu.memref_squeeze %dma_wait3A_355 : memref<1x80x64xf32, #tpu.memory_space<hbm>> -> memref<80x64xf32, #tpu.memory_space<hbm>>
      tpu.wait_dma2 semaphore(%arg39 : memref<!tpu.dma_semaphore, #tpu.memory_space<semaphore_mem>>) src(%dma_wait3A_356 : memref<80x64xf32, #tpu.memory_space<hbm>>) dst(%arg14 : memref<80x64xf32, #tpu.memory_space<vmem>>)
      %get3A_357 = arith.constant 0 : index
      %get3A_358 = tpu.vector_load %arg19[%get3A_357] {strides = array<i32>} : memref<80xi32, #tpu.memory_space<vmem>>, vector<16xi32>,
      %get3A_359 = arith.constant 0 : index
      %get3A_360 = tpu.vector_load %arg24[%get3A_359] {strides = array<i32>} : memref<80xi32, #tpu.memory_space<vmem>>, vector<16xi32>,
      %gather3A_361 = tpu.vector_load_idx %arg9[%get3A_358] : memref<10000xf32, #tpu.memory_space<vmem>>[vector<16xi32>], vector<16xf32>,
      %gather3A_362 = tpu.vector_load_idx %arg10[%get3A_360] : memref<10000xf32, #tpu.memory_space<vmem>>[vector<16xi32>], vector<16xf32>,
      %add3A_363 = arith.addf %gather3A_361, %gather3A_362 : vector<16xf32>
      %gt3A_364 = arith.constant 0.000000e+00 : f32
      %gt3A_365 = vector.broadcast %gt3A_364 : f32 to vector<16xf32>
      %gt3A_366 = arith.cmpf ogt, %add3A_363, %gt3A_365 : vector<16xf32>
      %exp3A_367 = math.exp %add3A_363 : vector<16xf32>
      %sub3A_368 = arith.constant 1.000000e+00 : f32
      %sub3A_369 = vector.broadcast %sub3A_368 : f32 to vector<16xf32>
      %sub3A_370 = arith.subf %exp3A_367, %sub3A_369 : vector<16xf32>
      %mul3A_371 = arith.constant 1.000000e-01 : f32
      %mul3A_372 = vector.broadcast %mul3A_371 : f32 to vector<16xf32>
      %mul3A_373 = arith.mulf %mul3A_372, %sub3A_370 : vector<16xf32>
      %select_n3A_374 = arith.select %gt3A_366, %add3A_363, %mul3A_373 : vector<16xi1>, vector<16xf32>
      %exp3A_375 = math.exp %select_n3A_374 : vector<16xf32>
      %swap3A_376 = arith.constant 0 : index
      %swap3A_377 = tpu.vector_load %arg12[%swap3A_376] {strides = array<i32>} : memref<80xf32, #tpu.memory_space<vmem>>, vector<16xf32>,
      tpu.vector_store %arg12[%swap3A_376], %exp3A_375 {strides = array<i32>} : memref<80xf32, #tpu.memory_space<vmem>>, vector<16xf32>,
      %swap3A_378 = arith.constant 0 : index
      %swap3A_379 = tpu.vector_load %arg29[%swap3A_378] {strides = array<i32>} : memref<80xi32, #tpu.memory_space<vmem>>, vector<16xi32>,
      tpu.vector_store %arg29[%swap3A_378], %get3A_358 {strides = array<i32>} : memref<80xi32, #tpu.memory_space<vmem>>, vector<16xi32>,
      tpu.vector_store_idx %arg11[%get3A_358], %exp3A_375 {add = true} : memref<10016xf32, #tpu.memory_space<vmem>>[vector<16xi32>], vector<16xf32>,
      %get3A_380 = arith.constant 16 : index
      %get3A_381 = tpu.vector_load %arg19[%get3A_380] {strides = array<i32>} : memref<80xi32, #tpu.memory_space<vmem>>, vector<16xi32>,
      %get3A_382 = arith.constant 16 : index
      %get3A_383 = tpu.vector_load %arg24[%get3A_382] {strides = array<i32>} : memref<80xi32, #tpu.memory_space<vmem>>, vector<16xi32>,
      %gather3A_384 = tpu.vector_load_idx %arg9[%get3A_381] : memref<10000xf32, #tpu.memory_space<vmem>>[vector<16xi32>], vector<16xf32>,
      %gather3A_385 = tpu.vector_load_idx %arg10[%get3A_383] : memref<10000xf32, #tpu.memory_space<vmem>>[vector<16xi32>], vector<16xf32>,
      %add3A_386 = arith.addf %gather3A_384, %gather3A_385 : vector<16xf32>
      %gt3A_387 = arith.constant 0.000000e+00 : f32
      %gt3A_388 = vector.broadcast %gt3A_387 : f32 to vector<16xf32>
      %gt3A_389 = arith.cmpf ogt, %add3A_386, %gt3A_388 : vector<16xf32>
      %exp3A_390 = math.exp %add3A_386 : vector<16xf32>
      %sub3A_391 = arith.constant 1.000000e+00 : f32
      %sub3A_392 = vector.broadcast %sub3A_391 : f32 to vector<16xf32>
      %sub3A_393 = arith.subf %exp3A_390, %sub3A_392 : vector<16xf32>
      %mul3A_394 = arith.constant 1.000000e-01 : f32
      %mul3A_395 = vector.broadcast %mul3A_394 : f32 to vector<16xf32>
      %mul3A_396 = arith.mulf %mul3A_395, %sub3A_393 : vector<16xf32>
      %select_n3A_397 = arith.select %gt3A_389, %add3A_386, %mul3A_396 : vector<16xi1>, vector<16xf32>
      %exp3A_398 = math.exp %select_n3A_397 : vector<16xf32>
      %swap3A_399 = arith.constant 16 : index
      %swap3A_400 = tpu.vector_load %arg12[%swap3A_399] {strides = array<i32>} : memref<80xf32, #tpu.memory_space<vmem>>, vector<16xf32>,
      tpu.vector_store %arg12[%swap3A_399], %exp3A_398 {strides = array<i32>} : memref<80xf32, #tpu.memory_space<vmem>>, vector<16xf32>,
      %swap3A_401 = arith.constant 16 : index
      %swap3A_402 = tpu.vector_load %arg29[%swap3A_401] {strides = array<i32>} : memref<80xi32, #tpu.memory_space<vmem>>, vector<16xi32>,
      tpu.vector_store %arg29[%swap3A_401], %get3A_381 {strides = array<i32>} : memref<80xi32, #tpu.memory_space<vmem>>, vector<16xi32>,
      tpu.vector_store_idx %arg11[%get3A_381], %exp3A_398 {add = true} : memref<10016xf32, #tpu.memory_space<vmem>>[vector<16xi32>], vector<16xf32>,
      %get3A_403 = arith.constant 32 : index
      %get3A_404 = tpu.vector_load %arg19[%get3A_403] {strides = array<i32>} : memref<80xi32, #tpu.memory_space<vmem>>, vector<16xi32>,
      %get3A_405 = arith.constant 32 : index
      %get3A_406 = tpu.vector_load %arg24[%get3A_405] {strides = array<i32>} : memref<80xi32, #tpu.memory_space<vmem>>, vector<16xi32>,
      %gather3A_407 = tpu.vector_load_idx %arg9[%get3A_404] : memref<10000xf32, #tpu.memory_space<vmem>>[vector<16xi32>], vector<16xf32>,
      %gather3A_408 = tpu.vector_load_idx %arg10[%get3A_406] : memref<10000xf32, #tpu.memory_space<vmem>>[vector<16xi32>], vector<16xf32>,
      %add3A_409 = arith.addf %gather3A_407, %gather3A_408 : vector<16xf32>
      %gt3A_410 = arith.constant 0.000000e+00 : f32
      %gt3A_411 = vector.broadcast %gt3A_410 : f32 to vector<16xf32>
      %gt3A_412 = arith.cmpf ogt, %add3A_409, %gt3A_411 : vector<16xf32>
      %exp3A_413 = math.exp %add3A_409 : vector<16xf32>
      %sub3A_414 = arith.constant 1.000000e+00 : f32
      %sub3A_415 = vector.broadcast %sub3A_414 : f32 to vector<16xf32>
      %sub3A_416 = arith.subf %exp3A_413, %sub3A_415 : vector<16xf32>
      %mul3A_417 = arith.constant 1.000000e-01 : f32
      %mul3A_418 = vector.broadcast %mul3A_417 : f32 to vector<16xf32>
      %mul3A_419 = arith.mulf %mul3A_418, %sub3A_416 : vector<16xf32>
      %select_n3A_420 = arith.select %gt3A_412, %add3A_409, %mul3A_419 : vector<16xi1>, vector<16xf32>
      %exp3A_421 = math.exp %select_n3A_420 : vector<16xf32>
      %swap3A_422 = arith.constant 32 : index
      %swap3A_423 = tpu.vector_load %arg12[%swap3A_422] {strides = array<i32>} : memref<80xf32, #tpu.memory_space<vmem>>, vector<16xf32>,
      tpu.vector_store %arg12[%swap3A_422], %exp3A_421 {strides = array<i32>} : memref<80xf32, #tpu.memory_space<vmem>>, vector<16xf32>,
      %swap3A_424 = arith.constant 32 : index
      %swap3A_425 = tpu.vector_load %arg29[%swap3A_424] {strides = array<i32>} : memref<80xi32, #tpu.memory_space<vmem>>, vector<16xi32>,
      tpu.vector_store %arg29[%swap3A_424], %get3A_404 {strides = array<i32>} : memref<80xi32, #tpu.memory_space<vmem>>, vector<16xi32>,
      tpu.vector_store_idx %arg11[%get3A_404], %exp3A_421 {add = true} : memref<10016xf32, #tpu.memory_space<vmem>>[vector<16xi32>], vector<16xf32>,
      %get3A_426 = arith.constant 48 : index
      %get3A_427 = tpu.vector_load %arg19[%get3A_426] {strides = array<i32>} : memref<80xi32, #tpu.memory_space<vmem>>, vector<16xi32>,
      %get3A_428 = arith.constant 48 : index
      %get3A_429 = tpu.vector_load %arg24[%get3A_428] {strides = array<i32>} : memref<80xi32, #tpu.memory_space<vmem>>, vector<16xi32>,
      %gather3A_430 = tpu.vector_load_idx %arg9[%get3A_427] : memref<10000xf32, #tpu.memory_space<vmem>>[vector<16xi32>], vector<16xf32>,
      %gather3A_431 = tpu.vector_load_idx %arg10[%get3A_429] : memref<10000xf32, #tpu.memory_space<vmem>>[vector<16xi32>], vector<16xf32>,
      %add3A_432 = arith.addf %gather3A_430, %gather3A_431 : vector<16xf32>
      %gt3A_433 = arith.constant 0.000000e+00 : f32
      %gt3A_434 = vector.broadcast %gt3A_433 : f32 to vector<16xf32>
      %gt3A_435 = arith.cmpf ogt, %add3A_432, %gt3A_434 : vector<16xf32>
      %exp3A_436 = math.exp %add3A_432 : vector<16xf32>
      %sub3A_437 = arith.constant 1.000000e+00 : f32
      %sub3A_438 = vector.broadcast %sub3A_437 : f32 to vector<16xf32>
      %sub3A_439 = arith.subf %exp3A_436, %sub3A_438 : vector<16xf32>
      %mul3A_440 = arith.constant 1.000000e-01 : f32
      %mul3A_441 = vector.broadcast %mul3A_440 : f32 to vector<16xf32>
      %mul3A_442 = arith.mulf %mul3A_441, %sub3A_439 : vector<16xf32>
      %select_n3A_443 = arith.select %gt3A_435, %add3A_432, %mul3A_442 : vector<16xi1>, vector<16xf32>
      %exp3A_444 = math.exp %select_n3A_443 : vector<16xf32>
      %swap3A_445 = arith.constant 48 : index
      %swap3A_446 = tpu.vector_load %arg12[%swap3A_445] {strides = array<i32>} : memref<80xf32, #tpu.memory_space<vmem>>, vector<16xf32>,
      tpu.vector_store %arg12[%swap3A_445], %exp3A_444 {strides = array<i32>} : memref<80xf32, #tpu.memory_space<vmem>>, vector<16xf32>,
      %swap3A_447 = arith.constant 48 : index
      %swap3A_448 = tpu.vector_load %arg29[%swap3A_447] {strides = array<i32>} : memref<80xi32, #tpu.memory_space<vmem>>, vector<16xi32>,
      tpu.vector_store %arg29[%swap3A_447], %get3A_427 {strides = array<i32>} : memref<80xi32, #tpu.memory_space<vmem>>, vector<16xi32>,
      tpu.vector_store_idx %arg11[%get3A_427], %exp3A_444 {add = true} : memref<10016xf32, #tpu.memory_space<vmem>>[vector<16xi32>], vector<16xf32>,
      %get3A_449 = arith.constant 64 : index
      %get3A_450 = tpu.vector_load %arg19[%get3A_449] {strides = array<i32>} : memref<80xi32, #tpu.memory_space<vmem>>, vector<16xi32>,
      %get3A_451 = arith.constant 64 : index
      %get3A_452 = tpu.vector_load %arg24[%get3A_451] {strides = array<i32>} : memref<80xi32, #tpu.memory_space<vmem>>, vector<16xi32>,
      %gather3A_453 = tpu.vector_load_idx %arg9[%get3A_450] : memref<10000xf32, #tpu.memory_space<vmem>>[vector<16xi32>], vector<16xf32>,
      %gather3A_454 = tpu.vector_load_idx %arg10[%get3A_452] : memref<10000xf32, #tpu.memory_space<vmem>>[vector<16xi32>], vector<16xf32>,
      %add3A_455 = arith.addf %gather3A_453, %gather3A_454 : vector<16xf32>
      %gt3A_456 = arith.constant 0.000000e+00 : f32
      %gt3A_457 = vector.broadcast %gt3A_456 : f32 to vector<16xf32>
      %gt3A_458 = arith.cmpf ogt, %add3A_455, %gt3A_457 : vector<16xf32>
      %exp3A_459 = math.exp %add3A_455 : vector<16xf32>
      %sub3A_460 = arith.constant 1.000000e+00 : f32
      %sub3A_461 = vector.broadcast %sub3A_460 : f32 to vector<16xf32>
      %sub3A_462 = arith.subf %exp3A_459, %sub3A_461 : vector<16xf32>
      %mul3A_463 = arith.constant 1.000000e-01 : f32
      %mul3A_464 = vector.broadcast %mul3A_463 : f32 to vector<16xf32>
      %mul3A_465 = arith.mulf %mul3A_464, %sub3A_462 : vector<16xf32>
      %select_n3A_466 = arith.select %gt3A_458, %add3A_455, %mul3A_465 : vector<16xi1>, vector<16xf32>
      %exp3A_467 = math.exp %select_n3A_466 : vector<16xf32>
      %swap3A_468 = arith.constant 64 : index
      %swap3A_469 = tpu.vector_load %arg12[%swap3A_468] {strides = array<i32>} : memref<80xf32, #tpu.memory_space<vmem>>, vector<16xf32>,
      tpu.vector_store %arg12[%swap3A_468], %exp3A_467 {strides = array<i32>} : memref<80xf32, #tpu.memory_space<vmem>>, vector<16xf32>,
      %swap3A_470 = arith.constant 64 : index
      %swap3A_471 = tpu.vector_load %arg29[%swap3A_470] {strides = array<i32>} : memref<80xi32, #tpu.memory_space<vmem>>, vector<16xi32>,
      tpu.vector_store %arg29[%swap3A_470], %get3A_450 {strides = array<i32>} : memref<80xi32, #tpu.memory_space<vmem>>, vector<16xi32>,
      tpu.vector_store_idx %arg11[%get3A_450], %exp3A_467 {add = true} : memref<10016xf32, #tpu.memory_space<vmem>>[vector<16xi32>], vector<16xf32>,
      %parallel_loop3A_472 = arith.constant 0 : i32
      %parallel_loop3A_473 = arith.constant 80 : i32
      %parallel_loop3A_474 = arith.constant 1 : i32
      scf.for %parallel_loop3A_962 = %parallel_loop3A_472 to %parallel_loop3A_473 step %parallel_loop3A_474  : i32 {
        %parallel_loop3A_963 = arith.constant 0 : i32
        %parallel_loop3A_964 = vector.broadcast %parallel_loop3A_963 : i32 to vector<16xi32>
        %parallel_loop3A_965 = vector.broadcast %parallel_loop3A_962 : i32 to vector<16xi32>
        %parallel_loop3A_966 = arith.addi %parallel_loop3A_964, %parallel_loop3A_965 : vector<16xi32>
        %parallel_loop3A_967 = tpu.vector_load_idx %arg12[%parallel_loop3A_966] : memref<80xf32, #tpu.memory_space<vmem>>[vector<16xi32>], vector<16xf32>,
        %parallel_loop3A_968 = arith.index_cast %parallel_loop3A_962 : i32 to index
        %parallel_loop3A_969 = arith.constant 0 : index
        %parallel_loop3A_970 = tpu.vector_load %arg14[%parallel_loop3A_968, %parallel_loop3A_969] {strides = array<i32>} : memref<80x64xf32, #tpu.memory_space<vmem>>, vector<16xf32>,
        %parallel_loop3A_971 = arith.mulf %parallel_loop3A_970, %parallel_loop3A_967 : vector<16xf32>
        %parallel_loop3A_972 = arith.index_cast %parallel_loop3A_962 : i32 to index
        %parallel_loop3A_973 = arith.constant 0 : index
        %parallel_loop3A_974 = tpu.vector_load %arg14[%parallel_loop3A_972, %parallel_loop3A_973] {strides = array<i32>} : memref<80x64xf32, #tpu.memory_space<vmem>>, vector<16xf32>,
        tpu.vector_store %arg14[%parallel_loop3A_972, %parallel_loop3A_973], %parallel_loop3A_971 {strides = array<i32>} : memref<80x64xf32, #tpu.memory_space<vmem>>, vector<16xf32>,
        %parallel_loop3A_975 = arith.index_cast %parallel_loop3A_962 : i32 to index
        %parallel_loop3A_976 = arith.constant 16 : index
        %parallel_loop3A_977 = tpu.vector_load %arg14[%parallel_loop3A_975, %parallel_loop3A_976] {strides = array<i32>} : memref<80x64xf32, #tpu.memory_space<vmem>>, vector<16xf32>,
        %parallel_loop3A_978 = arith.mulf %parallel_loop3A_977, %parallel_loop3A_967 : vector<16xf32>
        %parallel_loop3A_979 = arith.index_cast %parallel_loop3A_962 : i32 to index
        %parallel_loop3A_980 = arith.constant 16 : index
        %parallel_loop3A_981 = tpu.vector_load %arg14[%parallel_loop3A_979, %parallel_loop3A_980] {strides = array<i32>} : memref<80x64xf32, #tpu.memory_space<vmem>>, vector<16xf32>,
        tpu.vector_store %arg14[%parallel_loop3A_979, %parallel_loop3A_980], %parallel_loop3A_978 {strides = array<i32>} : memref<80x64xf32, #tpu.memory_space<vmem>>, vector<16xf32>,
        %parallel_loop3A_982 = arith.index_cast %parallel_loop3A_962 : i32 to index
        %parallel_loop3A_983 = arith.constant 32 : index
        %parallel_loop3A_984 = tpu.vector_load %arg14[%parallel_loop3A_982, %parallel_loop3A_983] {strides = array<i32>} : memref<80x64xf32, #tpu.memory_space<vmem>>, vector<16xf32>,
        %parallel_loop3A_985 = arith.mulf %parallel_loop3A_984, %parallel_loop3A_967 : vector<16xf32>
        %parallel_loop3A_986 = arith.index_cast %parallel_loop3A_962 : i32 to index
        %parallel_loop3A_987 = arith.constant 32 : index
        %parallel_loop3A_988 = tpu.vector_load %arg14[%parallel_loop3A_986, %parallel_loop3A_987] {strides = array<i32>} : memref<80x64xf32, #tpu.memory_space<vmem>>, vector<16xf32>,
        tpu.vector_store %arg14[%parallel_loop3A_986, %parallel_loop3A_987], %parallel_loop3A_985 {strides = array<i32>} : memref<80x64xf32, #tpu.memory_space<vmem>>, vector<16xf32>,
        %parallel_loop3A_989 = arith.index_cast %parallel_loop3A_962 : i32 to index
        %parallel_loop3A_990 = arith.constant 48 : index
        %parallel_loop3A_991 = tpu.vector_load %arg14[%parallel_loop3A_989, %parallel_loop3A_990] {strides = array<i32>} : memref<80x64xf32, #tpu.memory_space<vmem>>, vector<16xf32>,
        %parallel_loop3A_992 = arith.mulf %parallel_loop3A_991, %parallel_loop3A_967 : vector<16xf32>
        %parallel_loop3A_993 = arith.index_cast %parallel_loop3A_962 : i32 to index
        %parallel_loop3A_994 = arith.constant 48 : index
        %parallel_loop3A_995 = tpu.vector_load %arg14[%parallel_loop3A_993, %parallel_loop3A_994] {strides = array<i32>} : memref<80x64xf32, #tpu.memory_space<vmem>>, vector<16xf32>,
        tpu.vector_store %arg14[%parallel_loop3A_993, %parallel_loop3A_994], %parallel_loop3A_992 {strides = array<i32>} : memref<80x64xf32, #tpu.memory_space<vmem>>, vector<16xf32>,
      } {sc.loop_unroll_factor = 4 : i64, sc.parallel_access}
      %dma_start3A_475 = arith.constant 0 : i32
      %dma_start3A_476 = arith.constant 0 : i32
      %dma_start3A_477 = tpu.memref_slice %arg48[%dma_start3A_475, %dma_start3A_476] : memref<10008x64xf32, #tpu.memory_space<vmem_shared>> -> memref<10008x64xf32, #tpu.memory_space<vmem_shared>>
      tpu.enqueue_indirect_dma source(%arg14 : memref<80x64xf32, #tpu.memory_space<vmem>>) target(%dma_start3A_477 : memref<10008x64xf32, #tpu.memory_space<vmem_shared>>) offsets(%arg29 : memref<80xi32, #tpu.memory_space<vmem>>) semaphore(%arg44 : memref<!tpu.dma_semaphore, #tpu.memory_space<semaphore_mem>>) {add = true}
      %add3A_478 = arith.constant 5 : i32
      %add3A_479 = arith.addi %add3A_329, %add3A_478 : i32
      %lt3A_480 = arith.constant 250 : i32
      %lt3A_481 = arith.cmpi slt, %add3A_479, %lt3A_480 : i32
      %convert_element_type3A_482 = arith.extui %lt3A_481 : i1 to i32
      %cond3A_483 = arith.constant 0 : i32
      %cond3A_484 = arith.cmpi ne, %convert_element_type3A_482, %cond3A_483 : i32
      scf.if %cond3A_484 {
        %add3A_962 = arith.constant 5 : i32
        %add3A_963 = arith.addi %add3A_329, %add3A_962 : i32
        %mul3A_964 = arith.constant 80 : i32
        %mul3A_965 = arith.muli %add3A_963, %mul3A_964 : i32
        %add3A_966 = arith.addi %mul3A_1, %mul3A_965 : i32
        %dma_start3A_967 = tpu.memref_slice %arg2[%add3A_966] : memref<320000xi32, #tpu.memory_space<hbm>> -> memref<80xi32, #tpu.memory_space<hbm>>
        %dma_start3A_968 = tpu.memref_slice %arg2[%add3A_966] : memref<320000xi32, #tpu.memory_space<hbm>> -> memref<80xi32, #tpu.memory_space<hbm>>
        tpu.enqueue_dma source(%dma_start3A_968 : memref<80xi32, #tpu.memory_space<hbm>>) target(%arg19 : memref<80xi32, #tpu.memory_space<vmem>>) target_semaphore(%arg34 : memref<!tpu.dma_semaphore, #tpu.memory_space<semaphore_mem>>)
        %mul3A_969 = arith.constant 80 : i32
        %mul3A_970 = arith.muli %add3A_963, %mul3A_969 : i32
        %add3A_971 = arith.addi %mul3A_1, %mul3A_970 : i32
        %dma_start3A_972 = tpu.memref_slice %arg3[%add3A_971] : memref<320000xi32, #tpu.memory_space<hbm>> -> memref<80xi32, #tpu.memory_space<hbm>>
        %dma_start3A_973 = tpu.memref_slice %arg3[%add3A_971] : memref<320000xi32, #tpu.memory_space<hbm>> -> memref<80xi32, #tpu.memory_space<hbm>>
        tpu.enqueue_dma source(%dma_start3A_973 : memref<80xi32, #tpu.memory_space<hbm>>) target(%arg24 : memref<80xi32, #tpu.memory_space<vmem>>) target_semaphore(%arg34 : memref<!tpu.dma_semaphore, #tpu.memory_space<semaphore_mem>>)
      } else {
      }
      %mul3A_485 = arith.constant 5 : i32
      %mul3A_486 = arith.muli %scan3A_177, %mul3A_485 : i32
      %add3A_487 = arith.constant 2 : i32
      %add3A_488 = arith.addi %mul3A_486, %add3A_487 : i32
      %add3A_489 = arith.constant 3 : i32
      %add3A_490 = arith.addi %add3A_488, %add3A_489 : i32
      %ge3A_491 = arith.constant 5 : i32
      %ge3A_492 = arith.cmpi sge, %add3A_490, %ge3A_491 : i32
      %lt3A_493 = arith.constant 250 : i32
      %lt3A_494 = arith.cmpi slt, %add3A_490, %lt3A_493 : i32
      %and3A_495 = arith.andi %ge3A_492, %lt3A_494 : i1
      %convert_element_type3A_496 = arith.extui %and3A_495 : i1 to i32
      %cond3A_497 = arith.constant 0 : i32
      %cond3A_498 = arith.cmpi ne, %convert_element_type3A_496, %cond3A_497 : i32
      scf.if %cond3A_498 {
        %dma_wait3A_962 = arith.constant 0 : i32
        %dma_wait3A_963 = arith.constant 0 : i32
        %dma_wait3A_964 = arith.constant 0 : i32
        %dma_wait3A_965 = tpu.memref_slice %arg4[%dma_wait3A_962, %dma_wait3A_963, %dma_wait3A_964] : memref<2x10000x64xf32, #tpu.memory_space<hbm>> -> memref<1x80x64xf32, #tpu.memory_space<hbm>>
        %dma_wait3A_966 = tpu.memref_squeeze %dma_wait3A_965 : memref<1x80x64xf32, #tpu.memory_space<hbm>> -> memref<80x64xf32, #tpu.memory_space<hbm>>
        %dma_wait3A_967 = arith.constant 0 : i32
        %dma_wait3A_968 = arith.constant 0 : i32
        %dma_wait3A_969 = tpu.memref_slice %arg4[%dma_wait3A_962, %dma_wait3A_967, %dma_wait3A_968] : memref<2x10000x64xf32, #tpu.memory_space<hbm>> -> memref<1x80x64xf32, #tpu.memory_space<hbm>>
        %dma_wait3A_970 = tpu.memref_squeeze %dma_wait3A_969 : memref<1x80x64xf32, #tpu.memory_space<hbm>> -> memref<80x64xf32, #tpu.memory_space<hbm>>
        tpu.wait_dma2 semaphore(%arg43 : memref<!tpu.dma_semaphore, #tpu.memory_space<semaphore_mem>>) src(%dma_wait3A_970 : memref<80x64xf32, #tpu.memory_space<hbm>>) dst(%arg13 : memref<80x64xf32, #tpu.memory_space<vmem>>)
      } else {
      }
      %ge3A_499 = arith.constant 3 : i32
      %ge3A_500 = arith.cmpi sge, %add3A_490, %ge3A_499 : i32
      %lt3A_501 = arith.constant 250 : i32
      %lt3A_502 = arith.cmpi slt, %add3A_490, %lt3A_501 : i32
      %and3A_503 = arith.andi %ge3A_500, %lt3A_502 : i1
      %convert_element_type3A_504 = arith.extui %and3A_503 : i1 to i32
      %cond3A_505 = arith.constant 0 : i32
      %cond3A_506 = arith.cmpi ne, %convert_element_type3A_504, %cond3A_505 : i32
      scf.if %cond3A_506 {
        %dma_wait3A_962 = arith.constant 0 : i32
        %dma_wait3A_963 = tpu.memref_slice %arg2[%dma_wait3A_962] : memref<320000xi32, #tpu.memory_space<hbm>> -> memref<80xi32, #tpu.memory_space<hbm>>
        %dma_wait3A_964 = arith.constant 0 : i32
        %dma_wait3A_965 = tpu.memref_slice %arg2[%dma_wait3A_964] : memref<320000xi32, #tpu.memory_space<hbm>> -> memref<80xi32, #tpu.memory_space<hbm>>
        tpu.wait_dma2 semaphore(%arg33 : memref<!tpu.dma_semaphore, #tpu.memory_space<semaphore_mem>>) src(%dma_wait3A_965 : memref<80xi32, #tpu.memory_space<hbm>>) dst(%arg18 : memref<80xi32, #tpu.memory_space<vmem>>)
        %dma_wait3A_966 = arith.constant 0 : i32
        %dma_wait3A_967 = tpu.memref_slice %arg2[%dma_wait3A_966] : memref<320000xi32, #tpu.memory_space<hbm>> -> memref<80xi32, #tpu.memory_space<hbm>>
        %dma_wait3A_968 = arith.constant 0 : i32
        %dma_wait3A_969 = tpu.memref_slice %arg2[%dma_wait3A_968] : memref<320000xi32, #tpu.memory_space<hbm>> -> memref<80xi32, #tpu.memory_space<hbm>>
        tpu.wait_dma2 semaphore(%arg33 : memref<!tpu.dma_semaphore, #tpu.memory_space<semaphore_mem>>) src(%dma_wait3A_969 : memref<80xi32, #tpu.memory_space<hbm>>) dst(%arg23 : memref<80xi32, #tpu.memory_space<vmem>>)
        %dma_start3A_970 = arith.constant 0 : i32
        %dma_start3A_971 = arith.constant 0 : i32
        %dma_start3A_972 = tpu.memref_slice %arg4[%arg0, %dma_start3A_970, %dma_start3A_971] : memref<2x10000x64xf32, #tpu.memory_space<hbm>> -> memref<1x10000x64xf32, #tpu.memory_space<hbm>>
        %dma_start3A_973 = tpu.memref_squeeze %dma_start3A_972 : memref<1x10000x64xf32, #tpu.memory_space<hbm>> -> memref<10000x64xf32, #tpu.memory_space<hbm>>
        %dma_start3A_974 = arith.constant 0 : i32
        %dma_start3A_975 = arith.constant 0 : i32
        %dma_start3A_976 = tpu.memref_slice %dma_start3A_973[%dma_start3A_974, %dma_start3A_975] : memref<10000x64xf32, #tpu.memory_space<hbm>> -> memref<10000x64xf32, #tpu.memory_space<hbm>>
        tpu.enqueue_indirect_dma source(%dma_start3A_976 : memref<10000x64xf32, #tpu.memory_space<hbm>>) target(%arg13 : memref<80x64xf32, #tpu.memory_space<vmem>>) offsets(%arg23 : memref<80xi32, #tpu.memory_space<vmem>>) semaphore(%arg38 : memref<!tpu.dma_semaphore, #tpu.memory_space<semaphore_mem>>)
      } else {
      }
      %dma_wait3A_507 = arith.constant 0 : i32
      %dma_wait3A_508 = arith.constant 0 : i32
      %dma_wait3A_509 = arith.constant 0 : i32
      %dma_wait3A_510 = tpu.memref_slice %arg4[%dma_wait3A_507, %dma_wait3A_508, %dma_wait3A_509] : memref<2x10000x64xf32, #tpu.memory_space<hbm>> -> memref<1x80x64xf32, #tpu.memory_space<hbm>>
      %dma_wait3A_511 = tpu.memref_squeeze %dma_wait3A_510 : memref<1x80x64xf32, #tpu.memory_space<hbm>> -> memref<80x64xf32, #tpu.memory_space<hbm>>
      %dma_wait3A_512 = arith.constant 0 : i32
      %dma_wait3A_513 = arith.constant 0 : i32
      %dma_wait3A_514 = tpu.memref_slice %arg4[%dma_wait3A_507, %dma_wait3A_512, %dma_wait3A_513] : memref<2x10000x64xf32, #tpu.memory_space<hbm>> -> memref<1x80x64xf32, #tpu.memory_space<hbm>>
      %dma_wait3A_515 = tpu.memref_squeeze %dma_wait3A_514 : memref<1x80x64xf32, #tpu.memory_space<hbm>> -> memref<80x64xf32, #tpu.memory_space<hbm>>
      tpu.wait_dma2 semaphore(%arg40 : memref<!tpu.dma_semaphore, #tpu.memory_space<semaphore_mem>>) src(%dma_wait3A_515 : memref<80x64xf32, #tpu.memory_space<hbm>>) dst(%arg15 : memref<80x64xf32, #tpu.memory_space<vmem>>)
      %get3A_516 = arith.constant 0 : index
      %get3A_517 = tpu.vector_load %arg20[%get3A_516] {strides = array<i32>} : memref<80xi32, #tpu.memory_space<vmem>>, vector<16xi32>,
      %get3A_518 = arith.constant 0 : index
      %get3A_519 = tpu.vector_load %arg25[%get3A_518] {strides = array<i32>} : memref<80xi32, #tpu.memory_space<vmem>>, vector<16xi32>,
      %gather3A_520 = tpu.vector_load_idx %arg9[%get3A_517] : memref<10000xf32, #tpu.memory_space<vmem>>[vector<16xi32>], vector<16xf32>,
      %gather3A_521 = tpu.vector_load_idx %arg10[%get3A_519] : memref<10000xf32, #tpu.memory_space<vmem>>[vector<16xi32>], vector<16xf32>,
      %add3A_522 = arith.addf %gather3A_520, %gather3A_521 : vector<16xf32>
      %gt3A_523 = arith.constant 0.000000e+00 : f32
      %gt3A_524 = vector.broadcast %gt3A_523 : f32 to vector<16xf32>
      %gt3A_525 = arith.cmpf ogt, %add3A_522, %gt3A_524 : vector<16xf32>
      %exp3A_526 = math.exp %add3A_522 : vector<16xf32>
      %sub3A_527 = arith.constant 1.000000e+00 : f32
      %sub3A_528 = vector.broadcast %sub3A_527 : f32 to vector<16xf32>
      %sub3A_529 = arith.subf %exp3A_526, %sub3A_528 : vector<16xf32>
      %mul3A_530 = arith.constant 1.000000e-01 : f32
      %mul3A_531 = vector.broadcast %mul3A_530 : f32 to vector<16xf32>
      %mul3A_532 = arith.mulf %mul3A_531, %sub3A_529 : vector<16xf32>
      %select_n3A_533 = arith.select %gt3A_525, %add3A_522, %mul3A_532 : vector<16xi1>, vector<16xf32>
      %exp3A_534 = math.exp %select_n3A_533 : vector<16xf32>
      %swap3A_535 = arith.constant 0 : index
      %swap3A_536 = tpu.vector_load %arg12[%swap3A_535] {strides = array<i32>} : memref<80xf32, #tpu.memory_space<vmem>>, vector<16xf32>,
      tpu.vector_store %arg12[%swap3A_535], %exp3A_534 {strides = array<i32>} : memref<80xf32, #tpu.memory_space<vmem>>, vector<16xf32>,
      %swap3A_537 = arith.constant 0 : index
      %swap3A_538 = tpu.vector_load %arg30[%swap3A_537] {strides = array<i32>} : memref<80xi32, #tpu.memory_space<vmem>>, vector<16xi32>,
      tpu.vector_store %arg30[%swap3A_537], %get3A_517 {strides = array<i32>} : memref<80xi32, #tpu.memory_space<vmem>>, vector<16xi32>,
      tpu.vector_store_idx %arg11[%get3A_517], %exp3A_534 {add = true} : memref<10016xf32, #tpu.memory_space<vmem>>[vector<16xi32>], vector<16xf32>,
      %get3A_539 = arith.constant 16 : index
      %get3A_540 = tpu.vector_load %arg20[%get3A_539] {strides = array<i32>} : memref<80xi32, #tpu.memory_space<vmem>>, vector<16xi32>,
      %get3A_541 = arith.constant 16 : index
      %get3A_542 = tpu.vector_load %arg25[%get3A_541] {strides = array<i32>} : memref<80xi32, #tpu.memory_space<vmem>>, vector<16xi32>,
      %gather3A_543 = tpu.vector_load_idx %arg9[%get3A_540] : memref<10000xf32, #tpu.memory_space<vmem>>[vector<16xi32>], vector<16xf32>,
      %gather3A_544 = tpu.vector_load_idx %arg10[%get3A_542] : memref<10000xf32, #tpu.memory_space<vmem>>[vector<16xi32>], vector<16xf32>,
      %add3A_545 = arith.addf %gather3A_543, %gather3A_544 : vector<16xf32>
      %gt3A_546 = arith.constant 0.000000e+00 : f32
      %gt3A_547 = vector.broadcast %gt3A_546 : f32 to vector<16xf32>
      %gt3A_548 = arith.cmpf ogt, %add3A_545, %gt3A_547 : vector<16xf32>
      %exp3A_549 = math.exp %add3A_545 : vector<16xf32>
      %sub3A_550 = arith.constant 1.000000e+00 : f32
      %sub3A_551 = vector.broadcast %sub3A_550 : f32 to vector<16xf32>
      %sub3A_552 = arith.subf %exp3A_549, %sub3A_551 : vector<16xf32>
      %mul3A_553 = arith.constant 1.000000e-01 : f32
      %mul3A_554 = vector.broadcast %mul3A_553 : f32 to vector<16xf32>
      %mul3A_555 = arith.mulf %mul3A_554, %sub3A_552 : vector<16xf32>
      %select_n3A_556 = arith.select %gt3A_548, %add3A_545, %mul3A_555 : vector<16xi1>, vector<16xf32>
      %exp3A_557 = math.exp %select_n3A_556 : vector<16xf32>
      %swap3A_558 = arith.constant 16 : index
      %swap3A_559 = tpu.vector_load %arg12[%swap3A_558] {strides = array<i32>} : memref<80xf32, #tpu.memory_space<vmem>>, vector<16xf32>,
      tpu.vector_store %arg12[%swap3A_558], %exp3A_557 {strides = array<i32>} : memref<80xf32, #tpu.memory_space<vmem>>, vector<16xf32>,
      %swap3A_560 = arith.constant 16 : index
      %swap3A_561 = tpu.vector_load %arg30[%swap3A_560] {strides = array<i32>} : memref<80xi32, #tpu.memory_space<vmem>>, vector<16xi32>,
      tpu.vector_store %arg30[%swap3A_560], %get3A_540 {strides = array<i32>} : memref<80xi32, #tpu.memory_space<vmem>>, vector<16xi32>,
      tpu.vector_store_idx %arg11[%get3A_540], %exp3A_557 {add = true} : memref<10016xf32, #tpu.memory_space<vmem>>[vector<16xi32>], vector<16xf32>,
      %get3A_562 = arith.constant 32 : index
      %get3A_563 = tpu.vector_load %arg20[%get3A_562] {strides = array<i32>} : memref<80xi32, #tpu.memory_space<vmem>>, vector<16xi32>,
      %get3A_564 = arith.constant 32 : index
      %get3A_565 = tpu.vector_load %arg25[%get3A_564] {strides = array<i32>} : memref<80xi32, #tpu.memory_space<vmem>>, vector<16xi32>,
      %gather3A_566 = tpu.vector_load_idx %arg9[%get3A_563] : memref<10000xf32, #tpu.memory_space<vmem>>[vector<16xi32>], vector<16xf32>,
      %gather3A_567 = tpu.vector_load_idx %arg10[%get3A_565] : memref<10000xf32, #tpu.memory_space<vmem>>[vector<16xi32>], vector<16xf32>,
      %add3A_568 = arith.addf %gather3A_566, %gather3A_567 : vector<16xf32>
      %gt3A_569 = arith.constant 0.000000e+00 : f32
      %gt3A_570 = vector.broadcast %gt3A_569 : f32 to vector<16xf32>
      %gt3A_571 = arith.cmpf ogt, %add3A_568, %gt3A_570 : vector<16xf32>
      %exp3A_572 = math.exp %add3A_568 : vector<16xf32>
      %sub3A_573 = arith.constant 1.000000e+00 : f32
      %sub3A_574 = vector.broadcast %sub3A_573 : f32 to vector<16xf32>
      %sub3A_575 = arith.subf %exp3A_572, %sub3A_574 : vector<16xf32>
      %mul3A_576 = arith.constant 1.000000e-01 : f32
      %mul3A_577 = vector.broadcast %mul3A_576 : f32 to vector<16xf32>
      %mul3A_578 = arith.mulf %mul3A_577, %sub3A_575 : vector<16xf32>
      %select_n3A_579 = arith.select %gt3A_571, %add3A_568, %mul3A_578 : vector<16xi1>, vector<16xf32>
      %exp3A_580 = math.exp %select_n3A_579 : vector<16xf32>
      %swap3A_581 = arith.constant 32 : index
      %swap3A_582 = tpu.vector_load %arg12[%swap3A_581] {strides = array<i32>} : memref<80xf32, #tpu.memory_space<vmem>>, vector<16xf32>,
      tpu.vector_store %arg12[%swap3A_581], %exp3A_580 {strides = array<i32>} : memref<80xf32, #tpu.memory_space<vmem>>, vector<16xf32>,
      %swap3A_583 = arith.constant 32 : index
      %swap3A_584 = tpu.vector_load %arg30[%swap3A_583] {strides = array<i32>} : memref<80xi32, #tpu.memory_space<vmem>>, vector<16xi32>,
      tpu.vector_store %arg30[%swap3A_583], %get3A_563 {strides = array<i32>} : memref<80xi32, #tpu.memory_space<vmem>>, vector<16xi32>,
      tpu.vector_store_idx %arg11[%get3A_563], %exp3A_580 {add = true} : memref<10016xf32, #tpu.memory_space<vmem>>[vector<16xi32>], vector<16xf32>,
      %get3A_585 = arith.constant 48 : index
      %get3A_586 = tpu.vector_load %arg20[%get3A_585] {strides = array<i32>} : memref<80xi32, #tpu.memory_space<vmem>>, vector<16xi32>,
      %get3A_587 = arith.constant 48 : index
      %get3A_588 = tpu.vector_load %arg25[%get3A_587] {strides = array<i32>} : memref<80xi32, #tpu.memory_space<vmem>>, vector<16xi32>,
      %gather3A_589 = tpu.vector_load_idx %arg9[%get3A_586] : memref<10000xf32, #tpu.memory_space<vmem>>[vector<16xi32>], vector<16xf32>,
      %gather3A_590 = tpu.vector_load_idx %arg10[%get3A_588] : memref<10000xf32, #tpu.memory_space<vmem>>[vector<16xi32>], vector<16xf32>,
      %add3A_591 = arith.addf %gather3A_589, %gather3A_590 : vector<16xf32>
      %gt3A_592 = arith.constant 0.000000e+00 : f32
      %gt3A_593 = vector.broadcast %gt3A_592 : f32 to vector<16xf32>
      %gt3A_594 = arith.cmpf ogt, %add3A_591, %gt3A_593 : vector<16xf32>
      %exp3A_595 = math.exp %add3A_591 : vector<16xf32>
      %sub3A_596 = arith.constant 1.000000e+00 : f32
      %sub3A_597 = vector.broadcast %sub3A_596 : f32 to vector<16xf32>
      %sub3A_598 = arith.subf %exp3A_595, %sub3A_597 : vector<16xf32>
      %mul3A_599 = arith.constant 1.000000e-01 : f32
      %mul3A_600 = vector.broadcast %mul3A_599 : f32 to vector<16xf32>
      %mul3A_601 = arith.mulf %mul3A_600, %sub3A_598 : vector<16xf32>
      %select_n3A_602 = arith.select %gt3A_594, %add3A_591, %mul3A_601 : vector<16xi1>, vector<16xf32>
      %exp3A_603 = math.exp %select_n3A_602 : vector<16xf32>
      %swap3A_604 = arith.constant 48 : index
      %swap3A_605 = tpu.vector_load %arg12[%swap3A_604] {strides = array<i32>} : memref<80xf32, #tpu.memory_space<vmem>>, vector<16xf32>,
      tpu.vector_store %arg12[%swap3A_604], %exp3A_603 {strides = array<i32>} : memref<80xf32, #tpu.memory_space<vmem>>, vector<16xf32>,
      %swap3A_606 = arith.constant 48 : index
      %swap3A_607 = tpu.vector_load %arg30[%swap3A_606] {strides = array<i32>} : memref<80xi32, #tpu.memory_space<vmem>>, vector<16xi32>,
      tpu.vector_store %arg30[%swap3A_606], %get3A_586 {strides = array<i32>} : memref<80xi32, #tpu.memory_space<vmem>>, vector<16xi32>,
      tpu.vector_store_idx %arg11[%get3A_586], %exp3A_603 {add = true} : memref<10016xf32, #tpu.memory_space<vmem>>[vector<16xi32>], vector<16xf32>,
      %get3A_608 = arith.constant 64 : index
      %get3A_609 = tpu.vector_load %arg20[%get3A_608] {strides = array<i32>} : memref<80xi32, #tpu.memory_space<vmem>>, vector<16xi32>,
      %get3A_610 = arith.constant 64 : index
      %get3A_611 = tpu.vector_load %arg25[%get3A_610] {strides = array<i32>} : memref<80xi32, #tpu.memory_space<vmem>>, vector<16xi32>,
      %gather3A_612 = tpu.vector_load_idx %arg9[%get3A_609] : memref<10000xf32, #tpu.memory_space<vmem>>[vector<16xi32>], vector<16xf32>,
      %gather3A_613 = tpu.vector_load_idx %arg10[%get3A_611] : memref<10000xf32, #tpu.memory_space<vmem>>[vector<16xi32>], vector<16xf32>,
      %add3A_614 = arith.addf %gather3A_612, %gather3A_613 : vector<16xf32>
      %gt3A_615 = arith.constant 0.000000e+00 : f32
      %gt3A_616 = vector.broadcast %gt3A_615 : f32 to vector<16xf32>
      %gt3A_617 = arith.cmpf ogt, %add3A_614, %gt3A_616 : vector<16xf32>
      %exp3A_618 = math.exp %add3A_614 : vector<16xf32>
      %sub3A_619 = arith.constant 1.000000e+00 : f32
      %sub3A_620 = vector.broadcast %sub3A_619 : f32 to vector<16xf32>
      %sub3A_621 = arith.subf %exp3A_618, %sub3A_620 : vector<16xf32>
      %mul3A_622 = arith.constant 1.000000e-01 : f32
      %mul3A_623 = vector.broadcast %mul3A_622 : f32 to vector<16xf32>
      %mul3A_624 = arith.mulf %mul3A_623, %sub3A_621 : vector<16xf32>
      %select_n3A_625 = arith.select %gt3A_617, %add3A_614, %mul3A_624 : vector<16xi1>, vector<16xf32>
      %exp3A_626 = math.exp %select_n3A_625 : vector<16xf32>
      %swap3A_627 = arith.constant 64 : index
      %swap3A_628 = tpu.vector_load %arg12[%swap3A_627] {strides = array<i32>} : memref<80xf32, #tpu.memory_space<vmem>>, vector<16xf32>,
      tpu.vector_store %arg12[%swap3A_627], %exp3A_626 {strides = array<i32>} : memref<80xf32, #tpu.memory_space<vmem>>, vector<16xf32>,
      %swap3A_629 = arith.constant 64 : index
      %swap3A_630 = tpu.vector_load %arg30[%swap3A_629] {strides = array<i32>} : memref<80xi32, #tpu.memory_space<vmem>>, vector<16xi32>,
      tpu.vector_store %arg30[%swap3A_629], %get3A_609 {strides = array<i32>} : memref<80xi32, #tpu.memory_space<vmem>>, vector<16xi32>,
      tpu.vector_store_idx %arg11[%get3A_609], %exp3A_626 {add = true} : memref<10016xf32, #tpu.memory_space<vmem>>[vector<16xi32>], vector<16xf32>,
      %parallel_loop3A_631 = arith.constant 0 : i32
      %parallel_loop3A_632 = arith.constant 80 : i32
      %parallel_loop3A_633 = arith.constant 1 : i32
      scf.for %parallel_loop3A_962 = %parallel_loop3A_631 to %parallel_loop3A_632 step %parallel_loop3A_633  : i32 {
        %parallel_loop3A_963 = arith.constant 0 : i32
        %parallel_loop3A_964 = vector.broadcast %parallel_loop3A_963 : i32 to vector<16xi32>
        %parallel_loop3A_965 = vector.broadcast %parallel_loop3A_962 : i32 to vector<16xi32>
        %parallel_loop3A_966 = arith.addi %parallel_loop3A_964, %parallel_loop3A_965 : vector<16xi32>
        %parallel_loop3A_967 = tpu.vector_load_idx %arg12[%parallel_loop3A_966] : memref<80xf32, #tpu.memory_space<vmem>>[vector<16xi32>], vector<16xf32>,
        %parallel_loop3A_968 = arith.index_cast %parallel_loop3A_962 : i32 to index
        %parallel_loop3A_969 = arith.constant 0 : index
        %parallel_loop3A_970 = tpu.vector_load %arg15[%parallel_loop3A_968, %parallel_loop3A_969] {strides = array<i32>} : memref<80x64xf32, #tpu.memory_space<vmem>>, vector<16xf32>,
        %parallel_loop3A_971 = arith.mulf %parallel_loop3A_970, %parallel_loop3A_967 : vector<16xf32>
        %parallel_loop3A_972 = arith.index_cast %parallel_loop3A_962 : i32 to index
        %parallel_loop3A_973 = arith.constant 0 : index
        %parallel_loop3A_974 = tpu.vector_load %arg15[%parallel_loop3A_972, %parallel_loop3A_973] {strides = array<i32>} : memref<80x64xf32, #tpu.memory_space<vmem>>, vector<16xf32>,
        tpu.vector_store %arg15[%parallel_loop3A_972, %parallel_loop3A_973], %parallel_loop3A_971 {strides = array<i32>} : memref<80x64xf32, #tpu.memory_space<vmem>>, vector<16xf32>,
        %parallel_loop3A_975 = arith.index_cast %parallel_loop3A_962 : i32 to index
        %parallel_loop3A_976 = arith.constant 16 : index
        %parallel_loop3A_977 = tpu.vector_load %arg15[%parallel_loop3A_975, %parallel_loop3A_976] {strides = array<i32>} : memref<80x64xf32, #tpu.memory_space<vmem>>, vector<16xf32>,
        %parallel_loop3A_978 = arith.mulf %parallel_loop3A_977, %parallel_loop3A_967 : vector<16xf32>
        %parallel_loop3A_979 = arith.index_cast %parallel_loop3A_962 : i32 to index
        %parallel_loop3A_980 = arith.constant 16 : index
        %parallel_loop3A_981 = tpu.vector_load %arg15[%parallel_loop3A_979, %parallel_loop3A_980] {strides = array<i32>} : memref<80x64xf32, #tpu.memory_space<vmem>>, vector<16xf32>,
        tpu.vector_store %arg15[%parallel_loop3A_979, %parallel_loop3A_980], %parallel_loop3A_978 {strides = array<i32>} : memref<80x64xf32, #tpu.memory_space<vmem>>, vector<16xf32>,
        %parallel_loop3A_982 = arith.index_cast %parallel_loop3A_962 : i32 to index
        %parallel_loop3A_983 = arith.constant 32 : index
        %parallel_loop3A_984 = tpu.vector_load %arg15[%parallel_loop3A_982, %parallel_loop3A_983] {strides = array<i32>} : memref<80x64xf32, #tpu.memory_space<vmem>>, vector<16xf32>,
        %parallel_loop3A_985 = arith.mulf %parallel_loop3A_984, %parallel_loop3A_967 : vector<16xf32>
        %parallel_loop3A_986 = arith.index_cast %parallel_loop3A_962 : i32 to index
        %parallel_loop3A_987 = arith.constant 32 : index
        %parallel_loop3A_988 = tpu.vector_load %arg15[%parallel_loop3A_986, %parallel_loop3A_987] {strides = array<i32>} : memref<80x64xf32, #tpu.memory_space<vmem>>, vector<16xf32>,
        tpu.vector_store %arg15[%parallel_loop3A_986, %parallel_loop3A_987], %parallel_loop3A_985 {strides = array<i32>} : memref<80x64xf32, #tpu.memory_space<vmem>>, vector<16xf32>,
        %parallel_loop3A_989 = arith.index_cast %parallel_loop3A_962 : i32 to index
        %parallel_loop3A_990 = arith.constant 48 : index
        %parallel_loop3A_991 = tpu.vector_load %arg15[%parallel_loop3A_989, %parallel_loop3A_990] {strides = array<i32>} : memref<80x64xf32, #tpu.memory_space<vmem>>, vector<16xf32>,
        %parallel_loop3A_992 = arith.mulf %parallel_loop3A_991, %parallel_loop3A_967 : vector<16xf32>
        %parallel_loop3A_993 = arith.index_cast %parallel_loop3A_962 : i32 to index
        %parallel_loop3A_994 = arith.constant 48 : index
        %parallel_loop3A_995 = tpu.vector_load %arg15[%parallel_loop3A_993, %parallel_loop3A_994] {strides = array<i32>} : memref<80x64xf32, #tpu.memory_space<vmem>>, vector<16xf32>,
        tpu.vector_store %arg15[%parallel_loop3A_993, %parallel_loop3A_994], %parallel_loop3A_992 {strides = array<i32>} : memref<80x64xf32, #tpu.memory_space<vmem>>, vector<16xf32>,
      } {sc.loop_unroll_factor = 4 : i64, sc.parallel_access}
      %dma_start3A_634 = arith.constant 0 : i32
      %dma_start3A_635 = arith.constant 0 : i32
      %dma_start3A_636 = tpu.memref_slice %arg48[%dma_start3A_634, %dma_start3A_635] : memref<10008x64xf32, #tpu.memory_space<vmem_shared>> -> memref<10008x64xf32, #tpu.memory_space<vmem_shared>>
      tpu.enqueue_indirect_dma source(%arg15 : memref<80x64xf32, #tpu.memory_space<vmem>>) target(%dma_start3A_636 : memref<10008x64xf32, #tpu.memory_space<vmem_shared>>) offsets(%arg30 : memref<80xi32, #tpu.memory_space<vmem>>) semaphore(%arg45 : memref<!tpu.dma_semaphore, #tpu.memory_space<semaphore_mem>>) {add = true}
      %add3A_637 = arith.constant 5 : i32
      %add3A_638 = arith.addi %add3A_488, %add3A_637 : i32
      %lt3A_639 = arith.constant 250 : i32
      %lt3A_640 = arith.cmpi slt, %add3A_638, %lt3A_639 : i32
      %convert_element_type3A_641 = arith.extui %lt3A_640 : i1 to i32
      %cond3A_642 = arith.constant 0 : i32
      %cond3A_643 = arith.cmpi ne, %convert_element_type3A_641, %cond3A_642 : i32
      scf.if %cond3A_643 {
        %add3A_962 = arith.constant 5 : i32
        %add3A_963 = arith.addi %add3A_488, %add3A_962 : i32
        %mul3A_964 = arith.constant 80 : i32
        %mul3A_965 = arith.muli %add3A_963, %mul3A_964 : i32
        %add3A_966 = arith.addi %mul3A_1, %mul3A_965 : i32
        %dma_start3A_967 = tpu.memref_slice %arg2[%add3A_966] : memref<320000xi32, #tpu.memory_space<hbm>> -> memref<80xi32, #tpu.memory_space<hbm>>
        %dma_start3A_968 = tpu.memref_slice %arg2[%add3A_966] : memref<320000xi32, #tpu.memory_space<hbm>> -> memref<80xi32, #tpu.memory_space<hbm>>
        tpu.enqueue_dma source(%dma_start3A_968 : memref<80xi32, #tpu.memory_space<hbm>>) target(%arg20 : memref<80xi32, #tpu.memory_space<vmem>>) target_semaphore(%arg35 : memref<!tpu.dma_semaphore, #tpu.memory_space<semaphore_mem>>)
        %mul3A_969 = arith.constant 80 : i32
        %mul3A_970 = arith.muli %add3A_963, %mul3A_969 : i32
        %add3A_971 = arith.addi %mul3A_1, %mul3A_970 : i32
        %dma_start3A_972 = tpu.memref_slice %arg3[%add3A_971] : memref<320000xi32, #tpu.memory_space<hbm>> -> memref<80xi32, #tpu.memory_space<hbm>>
        %dma_start3A_973 = tpu.memref_slice %arg3[%add3A_971] : memref<320000xi32, #tpu.memory_space<hbm>> -> memref<80xi32, #tpu.memory_space<hbm>>
        tpu.enqueue_dma source(%dma_start3A_973 : memref<80xi32, #tpu.memory_space<hbm>>) target(%arg25 : memref<80xi32, #tpu.memory_space<vmem>>) target_semaphore(%arg35 : memref<!tpu.dma_semaphore, #tpu.memory_space<semaphore_mem>>)
      } else {
      }
      %mul3A_644 = arith.constant 5 : i32
      %mul3A_645 = arith.muli %scan3A_177, %mul3A_644 : i32
      %add3A_646 = arith.constant 3 : i32
      %add3A_647 = arith.addi %mul3A_645, %add3A_646 : i32
      %add3A_648 = arith.constant 3 : i32
      %add3A_649 = arith.addi %add3A_647, %add3A_648 : i32
      %ge3A_650 = arith.constant 5 : i32
      %ge3A_651 = arith.cmpi sge, %add3A_649, %ge3A_650 : i32
      %lt3A_652 = arith.constant 250 : i32
      %lt3A_653 = arith.cmpi slt, %add3A_649, %lt3A_652 : i32
      %and3A_654 = arith.andi %ge3A_651, %lt3A_653 : i1
      %convert_element_type3A_655 = arith.extui %and3A_654 : i1 to i32
      %cond3A_656 = arith.constant 0 : i32
      %cond3A_657 = arith.cmpi ne, %convert_element_type3A_655, %cond3A_656 : i32
      scf.if %cond3A_657 {
        %dma_wait3A_962 = arith.constant 0 : i32
        %dma_wait3A_963 = arith.constant 0 : i32
        %dma_wait3A_964 = arith.constant 0 : i32
        %dma_wait3A_965 = tpu.memref_slice %arg4[%dma_wait3A_962, %dma_wait3A_963, %dma_wait3A_964] : memref<2x10000x64xf32, #tpu.memory_space<hbm>> -> memref<1x80x64xf32, #tpu.memory_space<hbm>>
        %dma_wait3A_966 = tpu.memref_squeeze %dma_wait3A_965 : memref<1x80x64xf32, #tpu.memory_space<hbm>> -> memref<80x64xf32, #tpu.memory_space<hbm>>
        %dma_wait3A_967 = arith.constant 0 : i32
        %dma_wait3A_968 = arith.constant 0 : i32
        %dma_wait3A_969 = tpu.memref_slice %arg4[%dma_wait3A_962, %dma_wait3A_967, %dma_wait3A_968] : memref<2x10000x64xf32, #tpu.memory_space<hbm>> -> memref<1x80x64xf32, #tpu.memory_space<hbm>>
        %dma_wait3A_970 = tpu.memref_squeeze %dma_wait3A_969 : memref<1x80x64xf32, #tpu.memory_space<hbm>> -> memref<80x64xf32, #tpu.memory_space<hbm>>
        tpu.wait_dma2 semaphore(%arg44 : memref<!tpu.dma_semaphore, #tpu.memory_space<semaphore_mem>>) src(%dma_wait3A_970 : memref<80x64xf32, #tpu.memory_space<hbm>>) dst(%arg14 : memref<80x64xf32, #tpu.memory_space<vmem>>)
      } else {
      }
      %ge3A_658 = arith.constant 3 : i32
      %ge3A_659 = arith.cmpi sge, %add3A_649, %ge3A_658 : i32
      %lt3A_660 = arith.constant 250 : i32
      %lt3A_661 = arith.cmpi slt, %add3A_649, %lt3A_660 : i32
      %and3A_662 = arith.andi %ge3A_659, %lt3A_661 : i1
      %convert_element_type3A_663 = arith.extui %and3A_662 : i1 to i32
      %cond3A_664 = arith.constant 0 : i32
      %cond3A_665 = arith.cmpi ne, %convert_element_type3A_663, %cond3A_664 : i32
      scf.if %cond3A_665 {
        %dma_wait3A_962 = arith.constant 0 : i32
        %dma_wait3A_963 = tpu.memref_slice %arg2[%dma_wait3A_962] : memref<320000xi32, #tpu.memory_space<hbm>> -> memref<80xi32, #tpu.memory_space<hbm>>
        %dma_wait3A_964 = arith.constant 0 : i32
        %dma_wait3A_965 = tpu.memref_slice %arg2[%dma_wait3A_964] : memref<320000xi32, #tpu.memory_space<hbm>> -> memref<80xi32, #tpu.memory_space<hbm>>
        tpu.wait_dma2 semaphore(%arg34 : memref<!tpu.dma_semaphore, #tpu.memory_space<semaphore_mem>>) src(%dma_wait3A_965 : memref<80xi32, #tpu.memory_space<hbm>>) dst(%arg19 : memref<80xi32, #tpu.memory_space<vmem>>)
        %dma_wait3A_966 = arith.constant 0 : i32
        %dma_wait3A_967 = tpu.memref_slice %arg2[%dma_wait3A_966] : memref<320000xi32, #tpu.memory_space<hbm>> -> memref<80xi32, #tpu.memory_space<hbm>>
        %dma_wait3A_968 = arith.constant 0 : i32
        %dma_wait3A_969 = tpu.memref_slice %arg2[%dma_wait3A_968] : memref<320000xi32, #tpu.memory_space<hbm>> -> memref<80xi32, #tpu.memory_space<hbm>>
        tpu.wait_dma2 semaphore(%arg34 : memref<!tpu.dma_semaphore, #tpu.memory_space<semaphore_mem>>) src(%dma_wait3A_969 : memref<80xi32, #tpu.memory_space<hbm>>) dst(%arg24 : memref<80xi32, #tpu.memory_space<vmem>>)
        %dma_start3A_970 = arith.constant 0 : i32
        %dma_start3A_971 = arith.constant 0 : i32
        %dma_start3A_972 = tpu.memref_slice %arg4[%arg0, %dma_start3A_970, %dma_start3A_971] : memref<2x10000x64xf32, #tpu.memory_space<hbm>> -> memref<1x10000x64xf32, #tpu.memory_space<hbm>>
        %dma_start3A_973 = tpu.memref_squeeze %dma_start3A_972 : memref<1x10000x64xf32, #tpu.memory_space<hbm>> -> memref<10000x64xf32, #tpu.memory_space<hbm>>
        %dma_start3A_974 = arith.constant 0 : i32
        %dma_start3A_975 = arith.constant 0 : i32
        %dma_start3A_976 = tpu.memref_slice %dma_start3A_973[%dma_start3A_974, %dma_start3A_975] : memref<10000x64xf32, #tpu.memory_space<hbm>> -> memref<10000x64xf32, #tpu.memory_space<hbm>>
        tpu.enqueue_indirect_dma source(%dma_start3A_976 : memref<10000x64xf32, #tpu.memory_space<hbm>>) target(%arg14 : memref<80x64xf32, #tpu.memory_space<vmem>>) offsets(%arg24 : memref<80xi32, #tpu.memory_space<vmem>>) semaphore(%arg39 : memref<!tpu.dma_semaphore, #tpu.memory_space<semaphore_mem>>)
      } else {
      }
      %dma_wait3A_666 = arith.constant 0 : i32
      %dma_wait3A_667 = arith.constant 0 : i32
      %dma_wait3A_668 = arith.constant 0 : i32
      %dma_wait3A_669 = tpu.memref_slice %arg4[%dma_wait3A_666, %dma_wait3A_667, %dma_wait3A_668] : memref<2x10000x64xf32, #tpu.memory_space<hbm>> -> memref<1x80x64xf32, #tpu.memory_space<hbm>>
      %dma_wait3A_670 = tpu.memref_squeeze %dma_wait3A_669 : memref<1x80x64xf32, #tpu.memory_space<hbm>> -> memref<80x64xf32, #tpu.memory_space<hbm>>
      %dma_wait3A_671 = arith.constant 0 : i32
      %dma_wait3A_672 = arith.constant 0 : i32
      %dma_wait3A_673 = tpu.memref_slice %arg4[%dma_wait3A_666, %dma_wait3A_671, %dma_wait3A_672] : memref<2x10000x64xf32, #tpu.memory_space<hbm>> -> memref<1x80x64xf32, #tpu.memory_space<hbm>>
      %dma_wait3A_674 = tpu.memref_squeeze %dma_wait3A_673 : memref<1x80x64xf32, #tpu.memory_space<hbm>> -> memref<80x64xf32, #tpu.memory_space<hbm>>
      tpu.wait_dma2 semaphore(%arg41 : memref<!tpu.dma_semaphore, #tpu.memory_space<semaphore_mem>>) src(%dma_wait3A_674 : memref<80x64xf32, #tpu.memory_space<hbm>>) dst(%arg16 : memref<80x64xf32, #tpu.memory_space<vmem>>)
      %get3A_675 = arith.constant 0 : index
      %get3A_676 = tpu.vector_load %arg21[%get3A_675] {strides = array<i32>} : memref<80xi32, #tpu.memory_space<vmem>>, vector<16xi32>,
      %get3A_677 = arith.constant 0 : index
      %get3A_678 = tpu.vector_load %arg26[%get3A_677] {strides = array<i32>} : memref<80xi32, #tpu.memory_space<vmem>>, vector<16xi32>,
      %gather3A_679 = tpu.vector_load_idx %arg9[%get3A_676] : memref<10000xf32, #tpu.memory_space<vmem>>[vector<16xi32>], vector<16xf32>,
      %gather3A_680 = tpu.vector_load_idx %arg10[%get3A_678] : memref<10000xf32, #tpu.memory_space<vmem>>[vector<16xi32>], vector<16xf32>,
      %add3A_681 = arith.addf %gather3A_679, %gather3A_680 : vector<16xf32>
      %gt3A_682 = arith.constant 0.000000e+00 : f32
      %gt3A_683 = vector.broadcast %gt3A_682 : f32 to vector<16xf32>
      %gt3A_684 = arith.cmpf ogt, %add3A_681, %gt3A_683 : vector<16xf32>
      %exp3A_685 = math.exp %add3A_681 : vector<16xf32>
      %sub3A_686 = arith.constant 1.000000e+00 : f32
      %sub3A_687 = vector.broadcast %sub3A_686 : f32 to vector<16xf32>
      %sub3A_688 = arith.subf %exp3A_685, %sub3A_687 : vector<16xf32>
      %mul3A_689 = arith.constant 1.000000e-01 : f32
      %mul3A_690 = vector.broadcast %mul3A_689 : f32 to vector<16xf32>
      %mul3A_691 = arith.mulf %mul3A_690, %sub3A_688 : vector<16xf32>
      %select_n3A_692 = arith.select %gt3A_684, %add3A_681, %mul3A_691 : vector<16xi1>, vector<16xf32>
      %exp3A_693 = math.exp %select_n3A_692 : vector<16xf32>
      %swap3A_694 = arith.constant 0 : index
      %swap3A_695 = tpu.vector_load %arg12[%swap3A_694] {strides = array<i32>} : memref<80xf32, #tpu.memory_space<vmem>>, vector<16xf32>,
      tpu.vector_store %arg12[%swap3A_694], %exp3A_693 {strides = array<i32>} : memref<80xf32, #tpu.memory_space<vmem>>, vector<16xf32>,
      %swap3A_696 = arith.constant 0 : index
      %swap3A_697 = tpu.vector_load %arg31[%swap3A_696] {strides = array<i32>} : memref<80xi32, #tpu.memory_space<vmem>>, vector<16xi32>,
      tpu.vector_store %arg31[%swap3A_696], %get3A_676 {strides = array<i32>} : memref<80xi32, #tpu.memory_space<vmem>>, vector<16xi32>,
      tpu.vector_store_idx %arg11[%get3A_676], %exp3A_693 {add = true} : memref<10016xf32, #tpu.memory_space<vmem>>[vector<16xi32>], vector<16xf32>,
      %get3A_698 = arith.constant 16 : index
      %get3A_699 = tpu.vector_load %arg21[%get3A_698] {strides = array<i32>} : memref<80xi32, #tpu.memory_space<vmem>>, vector<16xi32>,
      %get3A_700 = arith.constant 16 : index
      %get3A_701 = tpu.vector_load %arg26[%get3A_700] {strides = array<i32>} : memref<80xi32, #tpu.memory_space<vmem>>, vector<16xi32>,
      %gather3A_702 = tpu.vector_load_idx %arg9[%get3A_699] : memref<10000xf32, #tpu.memory_space<vmem>>[vector<16xi32>], vector<16xf32>,
      %gather3A_703 = tpu.vector_load_idx %arg10[%get3A_701] : memref<10000xf32, #tpu.memory_space<vmem>>[vector<16xi32>], vector<16xf32>,
      %add3A_704 = arith.addf %gather3A_702, %gather3A_703 : vector<16xf32>
      %gt3A_705 = arith.constant 0.000000e+00 : f32
      %gt3A_706 = vector.broadcast %gt3A_705 : f32 to vector<16xf32>
      %gt3A_707 = arith.cmpf ogt, %add3A_704, %gt3A_706 : vector<16xf32>
      %exp3A_708 = math.exp %add3A_704 : vector<16xf32>
      %sub3A_709 = arith.constant 1.000000e+00 : f32
      %sub3A_710 = vector.broadcast %sub3A_709 : f32 to vector<16xf32>
      %sub3A_711 = arith.subf %exp3A_708, %sub3A_710 : vector<16xf32>
      %mul3A_712 = arith.constant 1.000000e-01 : f32
      %mul3A_713 = vector.broadcast %mul3A_712 : f32 to vector<16xf32>
      %mul3A_714 = arith.mulf %mul3A_713, %sub3A_711 : vector<16xf32>
      %select_n3A_715 = arith.select %gt3A_707, %add3A_704, %mul3A_714 : vector<16xi1>, vector<16xf32>
      %exp3A_716 = math.exp %select_n3A_715 : vector<16xf32>
      %swap3A_717 = arith.constant 16 : index
      %swap3A_718 = tpu.vector_load %arg12[%swap3A_717] {strides = array<i32>} : memref<80xf32, #tpu.memory_space<vmem>>, vector<16xf32>,
      tpu.vector_store %arg12[%swap3A_717], %exp3A_716 {strides = array<i32>} : memref<80xf32, #tpu.memory_space<vmem>>, vector<16xf32>,
      %swap3A_719 = arith.constant 16 : index
      %swap3A_720 = tpu.vector_load %arg31[%swap3A_719] {strides = array<i32>} : memref<80xi32, #tpu.memory_space<vmem>>, vector<16xi32>,
      tpu.vector_store %arg31[%swap3A_719], %get3A_699 {strides = array<i32>} : memref<80xi32, #tpu.memory_space<vmem>>, vector<16xi32>,
      tpu.vector_store_idx %arg11[%get3A_699], %exp3A_716 {add = true} : memref<10016xf32, #tpu.memory_space<vmem>>[vector<16xi32>], vector<16xf32>,
      %get3A_721 = arith.constant 32 : index
      %get3A_722 = tpu.vector_load %arg21[%get3A_721] {strides = array<i32>} : memref<80xi32, #tpu.memory_space<vmem>>, vector<16xi32>,
      %get3A_723 = arith.constant 32 : index
      %get3A_724 = tpu.vector_load %arg26[%get3A_723] {strides = array<i32>} : memref<80xi32, #tpu.memory_space<vmem>>, vector<16xi32>,
      %gather3A_725 = tpu.vector_load_idx %arg9[%get3A_722] : memref<10000xf32, #tpu.memory_space<vmem>>[vector<16xi32>], vector<16xf32>,
      %gather3A_726 = tpu.vector_load_idx %arg10[%get3A_724] : memref<10000xf32, #tpu.memory_space<vmem>>[vector<16xi32>], vector<16xf32>,
      %add3A_727 = arith.addf %gather3A_725, %gather3A_726 : vector<16xf32>
      %gt3A_728 = arith.constant 0.000000e+00 : f32
      %gt3A_729 = vector.broadcast %gt3A_728 : f32 to vector<16xf32>
      %gt3A_730 = arith.cmpf ogt, %add3A_727, %gt3A_729 : vector<16xf32>
      %exp3A_731 = math.exp %add3A_727 : vector<16xf32>
      %sub3A_732 = arith.constant 1.000000e+00 : f32
      %sub3A_733 = vector.broadcast %sub3A_732 : f32 to vector<16xf32>
      %sub3A_734 = arith.subf %exp3A_731, %sub3A_733 : vector<16xf32>
      %mul3A_735 = arith.constant 1.000000e-01 : f32
      %mul3A_736 = vector.broadcast %mul3A_735 : f32 to vector<16xf32>
      %mul3A_737 = arith.mulf %mul3A_736, %sub3A_734 : vector<16xf32>
      %select_n3A_738 = arith.select %gt3A_730, %add3A_727, %mul3A_737 : vector<16xi1>, vector<16xf32>
      %exp3A_739 = math.exp %select_n3A_738 : vector<16xf32>
      %swap3A_740 = arith.constant 32 : index
      %swap3A_741 = tpu.vector_load %arg12[%swap3A_740] {strides = array<i32>} : memref<80xf32, #tpu.memory_space<vmem>>, vector<16xf32>,
      tpu.vector_store %arg12[%swap3A_740], %exp3A_739 {strides = array<i32>} : memref<80xf32, #tpu.memory_space<vmem>>, vector<16xf32>,
      %swap3A_742 = arith.constant 32 : index
      %swap3A_743 = tpu.vector_load %arg31[%swap3A_742] {strides = array<i32>} : memref<80xi32, #tpu.memory_space<vmem>>, vector<16xi32>,
      tpu.vector_store %arg31[%swap3A_742], %get3A_722 {strides = array<i32>} : memref<80xi32, #tpu.memory_space<vmem>>, vector<16xi32>,
      tpu.vector_store_idx %arg11[%get3A_722], %exp3A_739 {add = true} : memref<10016xf32, #tpu.memory_space<vmem>>[vector<16xi32>], vector<16xf32>,
      %get3A_744 = arith.constant 48 : index
      %get3A_745 = tpu.vector_load %arg21[%get3A_744] {strides = array<i32>} : memref<80xi32, #tpu.memory_space<vmem>>, vector<16xi32>,
      %get3A_746 = arith.constant 48 : index
      %get3A_747 = tpu.vector_load %arg26[%get3A_746] {strides = array<i32>} : memref<80xi32, #tpu.memory_space<vmem>>, vector<16xi32>,
      %gather3A_748 = tpu.vector_load_idx %arg9[%get3A_745] : memref<10000xf32, #tpu.memory_space<vmem>>[vector<16xi32>], vector<16xf32>,
      %gather3A_749 = tpu.vector_load_idx %arg10[%get3A_747] : memref<10000xf32, #tpu.memory_space<vmem>>[vector<16xi32>], vector<16xf32>,
      %add3A_750 = arith.addf %gather3A_748, %gather3A_749 : vector<16xf32>
      %gt3A_751 = arith.constant 0.000000e+00 : f32
      %gt3A_752 = vector.broadcast %gt3A_751 : f32 to vector<16xf32>
      %gt3A_753 = arith.cmpf ogt, %add3A_750, %gt3A_752 : vector<16xf32>
      %exp3A_754 = math.exp %add3A_750 : vector<16xf32>
      %sub3A_755 = arith.constant 1.000000e+00 : f32
      %sub3A_756 = vector.broadcast %sub3A_755 : f32 to vector<16xf32>
      %sub3A_757 = arith.subf %exp3A_754, %sub3A_756 : vector<16xf32>
      %mul3A_758 = arith.constant 1.000000e-01 : f32
      %mul3A_759 = vector.broadcast %mul3A_758 : f32 to vector<16xf32>
      %mul3A_760 = arith.mulf %mul3A_759, %sub3A_757 : vector<16xf32>
      %select_n3A_761 = arith.select %gt3A_753, %add3A_750, %mul3A_760 : vector<16xi1>, vector<16xf32>
      %exp3A_762 = math.exp %select_n3A_761 : vector<16xf32>
      %swap3A_763 = arith.constant 48 : index
      %swap3A_764 = tpu.vector_load %arg12[%swap3A_763] {strides = array<i32>} : memref<80xf32, #tpu.memory_space<vmem>>, vector<16xf32>,
      tpu.vector_store %arg12[%swap3A_763], %exp3A_762 {strides = array<i32>} : memref<80xf32, #tpu.memory_space<vmem>>, vector<16xf32>,
      %swap3A_765 = arith.constant 48 : index
      %swap3A_766 = tpu.vector_load %arg31[%swap3A_765] {strides = array<i32>} : memref<80xi32, #tpu.memory_space<vmem>>, vector<16xi32>,
      tpu.vector_store %arg31[%swap3A_765], %get3A_745 {strides = array<i32>} : memref<80xi32, #tpu.memory_space<vmem>>, vector<16xi32>,
      tpu.vector_store_idx %arg11[%get3A_745], %exp3A_762 {add = true} : memref<10016xf32, #tpu.memory_space<vmem>>[vector<16xi32>], vector<16xf32>,
      %get3A_767 = arith.constant 64 : index
      %get3A_768 = tpu.vector_load %arg21[%get3A_767] {strides = array<i32>} : memref<80xi32, #tpu.memory_space<vmem>>, vector<16xi32>,
      %get3A_769 = arith.constant 64 : index
      %get3A_770 = tpu.vector_load %arg26[%get3A_769] {strides = array<i32>} : memref<80xi32, #tpu.memory_space<vmem>>, vector<16xi32>,
      %gather3A_771 = tpu.vector_load_idx %arg9[%get3A_768] : memref<10000xf32, #tpu.memory_space<vmem>>[vector<16xi32>], vector<16xf32>,
      %gather3A_772 = tpu.vector_load_idx %arg10[%get3A_770] : memref<10000xf32, #tpu.memory_space<vmem>>[vector<16xi32>], vector<16xf32>,
      %add3A_773 = arith.addf %gather3A_771, %gather3A_772 : vector<16xf32>
      %gt3A_774 = arith.constant 0.000000e+00 : f32
      %gt3A_775 = vector.broadcast %gt3A_774 : f32 to vector<16xf32>
      %gt3A_776 = arith.cmpf ogt, %add3A_773, %gt3A_775 : vector<16xf32>
      %exp3A_777 = math.exp %add3A_773 : vector<16xf32>
      %sub3A_778 = arith.constant 1.000000e+00 : f32
      %sub3A_779 = vector.broadcast %sub3A_778 : f32 to vector<16xf32>
      %sub3A_780 = arith.subf %exp3A_777, %sub3A_779 : vector<16xf32>
      %mul3A_781 = arith.constant 1.000000e-01 : f32
      %mul3A_782 = vector.broadcast %mul3A_781 : f32 to vector<16xf32>
      %mul3A_783 = arith.mulf %mul3A_782, %sub3A_780 : vector<16xf32>
      %select_n3A_784 = arith.select %gt3A_776, %add3A_773, %mul3A_783 : vector<16xi1>, vector<16xf32>
      %exp3A_785 = math.exp %select_n3A_784 : vector<16xf32>
      %swap3A_786 = arith.constant 64 : index
      %swap3A_787 = tpu.vector_load %arg12[%swap3A_786] {strides = array<i32>} : memref<80xf32, #tpu.memory_space<vmem>>, vector<16xf32>,
      tpu.vector_store %arg12[%swap3A_786], %exp3A_785 {strides = array<i32>} : memref<80xf32, #tpu.memory_space<vmem>>, vector<16xf32>,
      %swap3A_788 = arith.constant 64 : index
      %swap3A_789 = tpu.vector_load %arg31[%swap3A_788] {strides = array<i32>} : memref<80xi32, #tpu.memory_space<vmem>>, vector<16xi32>,
      tpu.vector_store %arg31[%swap3A_788], %get3A_768 {strides = array<i32>} : memref<80xi32, #tpu.memory_space<vmem>>, vector<16xi32>,
      tpu.vector_store_idx %arg11[%get3A_768], %exp3A_785 {add = true} : memref<10016xf32, #tpu.memory_space<vmem>>[vector<16xi32>], vector<16xf32>,
      %parallel_loop3A_790 = arith.constant 0 : i32
      %parallel_loop3A_791 = arith.constant 80 : i32
      %parallel_loop3A_792 = arith.constant 1 : i32
      scf.for %parallel_loop3A_962 = %parallel_loop3A_790 to %parallel_loop3A_791 step %parallel_loop3A_792  : i32 {
        %parallel_loop3A_963 = arith.constant 0 : i32
        %parallel_loop3A_964 = vector.broadcast %parallel_loop3A_963 : i32 to vector<16xi32>
        %parallel_loop3A_965 = vector.broadcast %parallel_loop3A_962 : i32 to vector<16xi32>
        %parallel_loop3A_966 = arith.addi %parallel_loop3A_964, %parallel_loop3A_965 : vector<16xi32>
        %parallel_loop3A_967 = tpu.vector_load_idx %arg12[%parallel_loop3A_966] : memref<80xf32, #tpu.memory_space<vmem>>[vector<16xi32>], vector<16xf32>,
        %parallel_loop3A_968 = arith.index_cast %parallel_loop3A_962 : i32 to index
        %parallel_loop3A_969 = arith.constant 0 : index
        %parallel_loop3A_970 = tpu.vector_load %arg16[%parallel_loop3A_968, %parallel_loop3A_969] {strides = array<i32>} : memref<80x64xf32, #tpu.memory_space<vmem>>, vector<16xf32>,
        %parallel_loop3A_971 = arith.mulf %parallel_loop3A_970, %parallel_loop3A_967 : vector<16xf32>
        %parallel_loop3A_972 = arith.index_cast %parallel_loop3A_962 : i32 to index
        %parallel_loop3A_973 = arith.constant 0 : index
        %parallel_loop3A_974 = tpu.vector_load %arg16[%parallel_loop3A_972, %parallel_loop3A_973] {strides = array<i32>} : memref<80x64xf32, #tpu.memory_space<vmem>>, vector<16xf32>,
        tpu.vector_store %arg16[%parallel_loop3A_972, %parallel_loop3A_973], %parallel_loop3A_971 {strides = array<i32>} : memref<80x64xf32, #tpu.memory_space<vmem>>, vector<16xf32>,
        %parallel_loop3A_975 = arith.index_cast %parallel_loop3A_962 : i32 to index
        %parallel_loop3A_976 = arith.constant 16 : index
        %parallel_loop3A_977 = tpu.vector_load %arg16[%parallel_loop3A_975, %parallel_loop3A_976] {strides = array<i32>} : memref<80x64xf32, #tpu.memory_space<vmem>>, vector<16xf32>,
        %parallel_loop3A_978 = arith.mulf %parallel_loop3A_977, %parallel_loop3A_967 : vector<16xf32>
        %parallel_loop3A_979 = arith.index_cast %parallel_loop3A_962 : i32 to index
        %parallel_loop3A_980 = arith.constant 16 : index
        %parallel_loop3A_981 = tpu.vector_load %arg16[%parallel_loop3A_979, %parallel_loop3A_980] {strides = array<i32>} : memref<80x64xf32, #tpu.memory_space<vmem>>, vector<16xf32>,
        tpu.vector_store %arg16[%parallel_loop3A_979, %parallel_loop3A_980], %parallel_loop3A_978 {strides = array<i32>} : memref<80x64xf32, #tpu.memory_space<vmem>>, vector<16xf32>,
        %parallel_loop3A_982 = arith.index_cast %parallel_loop3A_962 : i32 to index
        %parallel_loop3A_983 = arith.constant 32 : index
        %parallel_loop3A_984 = tpu.vector_load %arg16[%parallel_loop3A_982, %parallel_loop3A_983] {strides = array<i32>} : memref<80x64xf32, #tpu.memory_space<vmem>>, vector<16xf32>,
        %parallel_loop3A_985 = arith.mulf %parallel_loop3A_984, %parallel_loop3A_967 : vector<16xf32>
        %parallel_loop3A_986 = arith.index_cast %parallel_loop3A_962 : i32 to index
        %parallel_loop3A_987 = arith.constant 32 : index
        %parallel_loop3A_988 = tpu.vector_load %arg16[%parallel_loop3A_986, %parallel_loop3A_987] {strides = array<i32>} : memref<80x64xf32, #tpu.memory_space<vmem>>, vector<16xf32>,
        tpu.vector_store %arg16[%parallel_loop3A_986, %parallel_loop3A_987], %parallel_loop3A_985 {strides = array<i32>} : memref<80x64xf32, #tpu.memory_space<vmem>>, vector<16xf32>,
        %parallel_loop3A_989 = arith.index_cast %parallel_loop3A_962 : i32 to index
        %parallel_loop3A_990 = arith.constant 48 : index
        %parallel_loop3A_991 = tpu.vector_load %arg16[%parallel_loop3A_989, %parallel_loop3A_990] {strides = array<i32>} : memref<80x64xf32, #tpu.memory_space<vmem>>, vector<16xf32>,
        %parallel_loop3A_992 = arith.mulf %parallel_loop3A_991, %parallel_loop3A_967 : vector<16xf32>
        %parallel_loop3A_993 = arith.index_cast %parallel_loop3A_962 : i32 to index
        %parallel_loop3A_994 = arith.constant 48 : index
        %parallel_loop3A_995 = tpu.vector_load %arg16[%parallel_loop3A_993, %parallel_loop3A_994] {strides = array<i32>} : memref<80x64xf32, #tpu.memory_space<vmem>>, vector<16xf32>,
        tpu.vector_store %arg16[%parallel_loop3A_993, %parallel_loop3A_994], %parallel_loop3A_992 {strides = array<i32>} : memref<80x64xf32, #tpu.memory_space<vmem>>, vector<16xf32>,
      } {sc.loop_unroll_factor = 4 : i64, sc.parallel_access}
      %dma_start3A_793 = arith.constant 0 : i32
      %dma_start3A_794 = arith.constant 0 : i32
      %dma_start3A_795 = tpu.memref_slice %arg48[%dma_start3A_793, %dma_start3A_794] : memref<10008x64xf32, #tpu.memory_space<vmem_shared>> -> memref<10008x64xf32, #tpu.memory_space<vmem_shared>>
      tpu.enqueue_indirect_dma source(%arg16 : memref<80x64xf32, #tpu.memory_space<vmem>>) target(%dma_start3A_795 : memref<10008x64xf32, #tpu.memory_space<vmem_shared>>) offsets(%arg31 : memref<80xi32, #tpu.memory_space<vmem>>) semaphore(%arg46 : memref<!tpu.dma_semaphore, #tpu.memory_space<semaphore_mem>>) {add = true}
      %add3A_796 = arith.constant 5 : i32
      %add3A_797 = arith.addi %add3A_647, %add3A_796 : i32
      %lt3A_798 = arith.constant 250 : i32
      %lt3A_799 = arith.cmpi slt, %add3A_797, %lt3A_798 : i32
      %convert_element_type3A_800 = arith.extui %lt3A_799 : i1 to i32
      %cond3A_801 = arith.constant 0 : i32
      %cond3A_802 = arith.cmpi ne, %convert_element_type3A_800, %cond3A_801 : i32
      scf.if %cond3A_802 {
        %add3A_962 = arith.constant 5 : i32
        %add3A_963 = arith.addi %add3A_647, %add3A_962 : i32
        %mul3A_964 = arith.constant 80 : i32
        %mul3A_965 = arith.muli %add3A_963, %mul3A_964 : i32
        %add3A_966 = arith.addi %mul3A_1, %mul3A_965 : i32
        %dma_start3A_967 = tpu.memref_slice %arg2[%add3A_966] : memref<320000xi32, #tpu.memory_space<hbm>> -> memref<80xi32, #tpu.memory_space<hbm>>
        %dma_start3A_968 = tpu.memref_slice %arg2[%add3A_966] : memref<320000xi32, #tpu.memory_space<hbm>> -> memref<80xi32, #tpu.memory_space<hbm>>
        tpu.enqueue_dma source(%dma_start3A_968 : memref<80xi32, #tpu.memory_space<hbm>>) target(%arg21 : memref<80xi32, #tpu.memory_space<vmem>>) target_semaphore(%arg36 : memref<!tpu.dma_semaphore, #tpu.memory_space<semaphore_mem>>)
        %mul3A_969 = arith.constant 80 : i32
        %mul3A_970 = arith.muli %add3A_963, %mul3A_969 : i32
        %add3A_971 = arith.addi %mul3A_1, %mul3A_970 : i32
        %dma_start3A_972 = tpu.memref_slice %arg3[%add3A_971] : memref<320000xi32, #tpu.memory_space<hbm>> -> memref<80xi32, #tpu.memory_space<hbm>>
        %dma_start3A_973 = tpu.memref_slice %arg3[%add3A_971] : memref<320000xi32, #tpu.memory_space<hbm>> -> memref<80xi32, #tpu.memory_space<hbm>>
        tpu.enqueue_dma source(%dma_start3A_973 : memref<80xi32, #tpu.memory_space<hbm>>) target(%arg26 : memref<80xi32, #tpu.memory_space<vmem>>) target_semaphore(%arg36 : memref<!tpu.dma_semaphore, #tpu.memory_space<semaphore_mem>>)
      } else {
      }
      %mul3A_803 = arith.constant 5 : i32
      %mul3A_804 = arith.muli %scan3A_177, %mul3A_803 : i32
      %add3A_805 = arith.constant 4 : i32
      %add3A_806 = arith.addi %mul3A_804, %add3A_805 : i32
      %add3A_807 = arith.constant 3 : i32
      %add3A_808 = arith.addi %add3A_806, %add3A_807 : i32
      %ge3A_809 = arith.constant 5 : i32
      %ge3A_810 = arith.cmpi sge, %add3A_808, %ge3A_809 : i32
      %lt3A_811 = arith.constant 250 : i32
      %lt3A_812 = arith.cmpi slt, %add3A_808, %lt3A_811 : i32
      %and3A_813 = arith.andi %ge3A_810, %lt3A_812 : i1
      %convert_element_type3A_814 = arith.extui %and3A_813 : i1 to i32
      %cond3A_815 = arith.constant 0 : i32
      %cond3A_816 = arith.cmpi ne, %convert_element_type3A_814, %cond3A_815 : i32
      scf.if %cond3A_816 {
        %dma_wait3A_962 = arith.constant 0 : i32
        %dma_wait3A_963 = arith.constant 0 : i32
        %dma_wait3A_964 = arith.constant 0 : i32
        %dma_wait3A_965 = tpu.memref_slice %arg4[%dma_wait3A_962, %dma_wait3A_963, %dma_wait3A_964] : memref<2x10000x64xf32, #tpu.memory_space<hbm>> -> memref<1x80x64xf32, #tpu.memory_space<hbm>>
        %dma_wait3A_966 = tpu.memref_squeeze %dma_wait3A_965 : memref<1x80x64xf32, #tpu.memory_space<hbm>> -> memref<80x64xf32, #tpu.memory_space<hbm>>
        %dma_wait3A_967 = arith.constant 0 : i32
        %dma_wait3A_968 = arith.constant 0 : i32
        %dma_wait3A_969 = tpu.memref_slice %arg4[%dma_wait3A_962, %dma_wait3A_967, %dma_wait3A_968] : memref<2x10000x64xf32, #tpu.memory_space<hbm>> -> memref<1x80x64xf32, #tpu.memory_space<hbm>>
        %dma_wait3A_970 = tpu.memref_squeeze %dma_wait3A_969 : memref<1x80x64xf32, #tpu.memory_space<hbm>> -> memref<80x64xf32, #tpu.memory_space<hbm>>
        tpu.wait_dma2 semaphore(%arg45 : memref<!tpu.dma_semaphore, #tpu.memory_space<semaphore_mem>>) src(%dma_wait3A_970 : memref<80x64xf32, #tpu.memory_space<hbm>>) dst(%arg15 : memref<80x64xf32, #tpu.memory_space<vmem>>)
      } else {
      }
      %ge3A_817 = arith.constant 3 : i32
      %ge3A_818 = arith.cmpi sge, %add3A_808, %ge3A_817 : i32
      %lt3A_819 = arith.constant 250 : i32
      %lt3A_820 = arith.cmpi slt, %add3A_808, %lt3A_819 : i32
      %and3A_821 = arith.andi %ge3A_818, %lt3A_820 : i1
      %convert_element_type3A_822 = arith.extui %and3A_821 : i1 to i32
      %cond3A_823 = arith.constant 0 : i32
      %cond3A_824 = arith.cmpi ne, %convert_element_type3A_822, %cond3A_823 : i32
      scf.if %cond3A_824 {
        %dma_wait3A_962 = arith.constant 0 : i32
        %dma_wait3A_963 = tpu.memref_slice %arg2[%dma_wait3A_962] : memref<320000xi32, #tpu.memory_space<hbm>> -> memref<80xi32, #tpu.memory_space<hbm>>
        %dma_wait3A_964 = arith.constant 0 : i32
        %dma_wait3A_965 = tpu.memref_slice %arg2[%dma_wait3A_964] : memref<320000xi32, #tpu.memory_space<hbm>> -> memref<80xi32, #tpu.memory_space<hbm>>
        tpu.wait_dma2 semaphore(%arg35 : memref<!tpu.dma_semaphore, #tpu.memory_space<semaphore_mem>>) src(%dma_wait3A_965 : memref<80xi32, #tpu.memory_space<hbm>>) dst(%arg20 : memref<80xi32, #tpu.memory_space<vmem>>)
        %dma_wait3A_966 = arith.constant 0 : i32
        %dma_wait3A_967 = tpu.memref_slice %arg2[%dma_wait3A_966] : memref<320000xi32, #tpu.memory_space<hbm>> -> memref<80xi32, #tpu.memory_space<hbm>>
        %dma_wait3A_968 = arith.constant 0 : i32
        %dma_wait3A_969 = tpu.memref_slice %arg2[%dma_wait3A_968] : memref<320000xi32, #tpu.memory_space<hbm>> -> memref<80xi32, #tpu.memory_space<hbm>>
        tpu.wait_dma2 semaphore(%arg35 : memref<!tpu.dma_semaphore, #tpu.memory_space<semaphore_mem>>) src(%dma_wait3A_969 : memref<80xi32, #tpu.memory_space<hbm>>) dst(%arg25 : memref<80xi32, #tpu.memory_space<vmem>>)
        %dma_start3A_970 = arith.constant 0 : i32
        %dma_start3A_971 = arith.constant 0 : i32
        %dma_start3A_972 = tpu.memref_slice %arg4[%arg0, %dma_start3A_970, %dma_start3A_971] : memref<2x10000x64xf32, #tpu.memory_space<hbm>> -> memref<1x10000x64xf32, #tpu.memory_space<hbm>>
        %dma_start3A_973 = tpu.memref_squeeze %dma_start3A_972 : memref<1x10000x64xf32, #tpu.memory_space<hbm>> -> memref<10000x64xf32, #tpu.memory_space<hbm>>
        %dma_start3A_974 = arith.constant 0 : i32
        %dma_start3A_975 = arith.constant 0 : i32
        %dma_start3A_976 = tpu.memref_slice %dma_start3A_973[%dma_start3A_974, %dma_start3A_975] : memref<10000x64xf32, #tpu.memory_space<hbm>> -> memref<10000x64xf32, #tpu.memory_space<hbm>>
        tpu.enqueue_indirect_dma source(%dma_start3A_976 : memref<10000x64xf32, #tpu.memory_space<hbm>>) target(%arg15 : memref<80x64xf32, #tpu.memory_space<vmem>>) offsets(%arg25 : memref<80xi32, #tpu.memory_space<vmem>>) semaphore(%arg40 : memref<!tpu.dma_semaphore, #tpu.memory_space<semaphore_mem>>)
      } else {
      }
      %dma_wait3A_825 = arith.constant 0 : i32
      %dma_wait3A_826 = arith.constant 0 : i32
      %dma_wait3A_827 = arith.constant 0 : i32
      %dma_wait3A_828 = tpu.memref_slice %arg4[%dma_wait3A_825, %dma_wait3A_826, %dma_wait3A_827] : memref<2x10000x64xf32, #tpu.memory_space<hbm>> -> memref<1x80x64xf32, #tpu.memory_space<hbm>>
      %dma_wait3A_829 = tpu.memref_squeeze %dma_wait3A_828 : memref<1x80x64xf32, #tpu.memory_space<hbm>> -> memref<80x64xf32, #tpu.memory_space<hbm>>
      %dma_wait3A_830 = arith.constant 0 : i32
      %dma_wait3A_831 = arith.constant 0 : i32
      %dma_wait3A_832 = tpu.memref_slice %arg4[%dma_wait3A_825, %dma_wait3A_830, %dma_wait3A_831] : memref<2x10000x64xf32, #tpu.memory_space<hbm>> -> memref<1x80x64xf32, #tpu.memory_space<hbm>>
      %dma_wait3A_833 = tpu.memref_squeeze %dma_wait3A_832 : memref<1x80x64xf32, #tpu.memory_space<hbm>> -> memref<80x64xf32, #tpu.memory_space<hbm>>
      tpu.wait_dma2 semaphore(%arg42 : memref<!tpu.dma_semaphore, #tpu.memory_space<semaphore_mem>>) src(%dma_wait3A_833 : memref<80x64xf32, #tpu.memory_space<hbm>>) dst(%arg17 : memref<80x64xf32, #tpu.memory_space<vmem>>)
      %get3A_834 = arith.constant 0 : index
      %get3A_835 = tpu.vector_load %arg22[%get3A_834] {strides = array<i32>} : memref<80xi32, #tpu.memory_space<vmem>>, vector<16xi32>,
      %get3A_836 = arith.constant 0 : index
      %get3A_837 = tpu.vector_load %arg27[%get3A_836] {strides = array<i32>} : memref<80xi32, #tpu.memory_space<vmem>>, vector<16xi32>,
      %gather3A_838 = tpu.vector_load_idx %arg9[%get3A_835] : memref<10000xf32, #tpu.memory_space<vmem>>[vector<16xi32>], vector<16xf32>,
      %gather3A_839 = tpu.vector_load_idx %arg10[%get3A_837] : memref<10000xf32, #tpu.memory_space<vmem>>[vector<16xi32>], vector<16xf32>,
      %add3A_840 = arith.addf %gather3A_838, %gather3A_839 : vector<16xf32>
      %gt3A_841 = arith.constant 0.000000e+00 : f32
      %gt3A_842 = vector.broadcast %gt3A_841 : f32 to vector<16xf32>
      %gt3A_843 = arith.cmpf ogt, %add3A_840, %gt3A_842 : vector<16xf32>
      %exp3A_844 = math.exp %add3A_840 : vector<16xf32>
      %sub3A_845 = arith.constant 1.000000e+00 : f32
      %sub3A_846 = vector.broadcast %sub3A_845 : f32 to vector<16xf32>
      %sub3A_847 = arith.subf %exp3A_844, %sub3A_846 : vector<16xf32>
      %mul3A_848 = arith.constant 1.000000e-01 : f32
      %mul3A_849 = vector.broadcast %mul3A_848 : f32 to vector<16xf32>
      %mul3A_850 = arith.mulf %mul3A_849, %sub3A_847 : vector<16xf32>
      %select_n3A_851 = arith.select %gt3A_843, %add3A_840, %mul3A_850 : vector<16xi1>, vector<16xf32>
      %exp3A_852 = math.exp %select_n3A_851 : vector<16xf32>
      %swap3A_853 = arith.constant 0 : index
      %swap3A_854 = tpu.vector_load %arg12[%swap3A_853] {strides = array<i32>} : memref<80xf32, #tpu.memory_space<vmem>>, vector<16xf32>,
      tpu.vector_store %arg12[%swap3A_853], %exp3A_852 {strides = array<i32>} : memref<80xf32, #tpu.memory_space<vmem>>, vector<16xf32>,
      %swap3A_855 = arith.constant 0 : index
      %swap3A_856 = tpu.vector_load %arg32[%swap3A_855] {strides = array<i32>} : memref<80xi32, #tpu.memory_space<vmem>>, vector<16xi32>,
      tpu.vector_store %arg32[%swap3A_855], %get3A_835 {strides = array<i32>} : memref<80xi32, #tpu.memory_space<vmem>>, vector<16xi32>,
      tpu.vector_store_idx %arg11[%get3A_835], %exp3A_852 {add = true} : memref<10016xf32, #tpu.memory_space<vmem>>[vector<16xi32>], vector<16xf32>,
      %get3A_857 = arith.constant 16 : index
      %get3A_858 = tpu.vector_load %arg22[%get3A_857] {strides = array<i32>} : memref<80xi32, #tpu.memory_space<vmem>>, vector<16xi32>,
      %get3A_859 = arith.constant 16 : index
      %get3A_860 = tpu.vector_load %arg27[%get3A_859] {strides = array<i32>} : memref<80xi32, #tpu.memory_space<vmem>>, vector<16xi32>,
      %gather3A_861 = tpu.vector_load_idx %arg9[%get3A_858] : memref<10000xf32, #tpu.memory_space<vmem>>[vector<16xi32>], vector<16xf32>,
      %gather3A_862 = tpu.vector_load_idx %arg10[%get3A_860] : memref<10000xf32, #tpu.memory_space<vmem>>[vector<16xi32>], vector<16xf32>,
      %add3A_863 = arith.addf %gather3A_861, %gather3A_862 : vector<16xf32>
      %gt3A_864 = arith.constant 0.000000e+00 : f32
      %gt3A_865 = vector.broadcast %gt3A_864 : f32 to vector<16xf32>
      %gt3A_866 = arith.cmpf ogt, %add3A_863, %gt3A_865 : vector<16xf32>
      %exp3A_867 = math.exp %add3A_863 : vector<16xf32>
      %sub3A_868 = arith.constant 1.000000e+00 : f32
      %sub3A_869 = vector.broadcast %sub3A_868 : f32 to vector<16xf32>
      %sub3A_870 = arith.subf %exp3A_867, %sub3A_869 : vector<16xf32>
      %mul3A_871 = arith.constant 1.000000e-01 : f32
      %mul3A_872 = vector.broadcast %mul3A_871 : f32 to vector<16xf32>
      %mul3A_873 = arith.mulf %mul3A_872, %sub3A_870 : vector<16xf32>
      %select_n3A_874 = arith.select %gt3A_866, %add3A_863, %mul3A_873 : vector<16xi1>, vector<16xf32>
      %exp3A_875 = math.exp %select_n3A_874 : vector<16xf32>
      %swap3A_876 = arith.constant 16 : index
      %swap3A_877 = tpu.vector_load %arg12[%swap3A_876] {strides = array<i32>} : memref<80xf32, #tpu.memory_space<vmem>>, vector<16xf32>,
      tpu.vector_store %arg12[%swap3A_876], %exp3A_875 {strides = array<i32>} : memref<80xf32, #tpu.memory_space<vmem>>, vector<16xf32>,
      %swap3A_878 = arith.constant 16 : index
      %swap3A_879 = tpu.vector_load %arg32[%swap3A_878] {strides = array<i32>} : memref<80xi32, #tpu.memory_space<vmem>>, vector<16xi32>,
      tpu.vector_store %arg32[%swap3A_878], %get3A_858 {strides = array<i32>} : memref<80xi32, #tpu.memory_space<vmem>>, vector<16xi32>,
      tpu.vector_store_idx %arg11[%get3A_858], %exp3A_875 {add = true} : memref<10016xf32, #tpu.memory_space<vmem>>[vector<16xi32>], vector<16xf32>,
      %get3A_880 = arith.constant 32 : index
      %get3A_881 = tpu.vector_load %arg22[%get3A_880] {strides = array<i32>} : memref<80xi32, #tpu.memory_space<vmem>>, vector<16xi32>,
      %get3A_882 = arith.constant 32 : index
      %get3A_883 = tpu.vector_load %arg27[%get3A_882] {strides = array<i32>} : memref<80xi32, #tpu.memory_space<vmem>>, vector<16xi32>,
      %gather3A_884 = tpu.vector_load_idx %arg9[%get3A_881] : memref<10000xf32, #tpu.memory_space<vmem>>[vector<16xi32>], vector<16xf32>,
      %gather3A_885 = tpu.vector_load_idx %arg10[%get3A_883] : memref<10000xf32, #tpu.memory_space<vmem>>[vector<16xi32>], vector<16xf32>,
      %add3A_886 = arith.addf %gather3A_884, %gather3A_885 : vector<16xf32>
      %gt3A_887 = arith.constant 0.000000e+00 : f32
      %gt3A_888 = vector.broadcast %gt3A_887 : f32 to vector<16xf32>
      %gt3A_889 = arith.cmpf ogt, %add3A_886, %gt3A_888 : vector<16xf32>
      %exp3A_890 = math.exp %add3A_886 : vector<16xf32>
      %sub3A_891 = arith.constant 1.000000e+00 : f32
      %sub3A_892 = vector.broadcast %sub3A_891 : f32 to vector<16xf32>
      %sub3A_893 = arith.subf %exp3A_890, %sub3A_892 : vector<16xf32>
      %mul3A_894 = arith.constant 1.000000e-01 : f32
      %mul3A_895 = vector.broadcast %mul3A_894 : f32 to vector<16xf32>
      %mul3A_896 = arith.mulf %mul3A_895, %sub3A_893 : vector<16xf32>
      %select_n3A_897 = arith.select %gt3A_889, %add3A_886, %mul3A_896 : vector<16xi1>, vector<16xf32>
      %exp3A_898 = math.exp %select_n3A_897 : vector<16xf32>
      %swap3A_899 = arith.constant 32 : index
      %swap3A_900 = tpu.vector_load %arg12[%swap3A_899] {strides = array<i32>} : memref<80xf32, #tpu.memory_space<vmem>>, vector<16xf32>,
      tpu.vector_store %arg12[%swap3A_899], %exp3A_898 {strides = array<i32>} : memref<80xf32, #tpu.memory_space<vmem>>, vector<16xf32>,
      %swap3A_901 = arith.constant 32 : index
      %swap3A_902 = tpu.vector_load %arg32[%swap3A_901] {strides = array<i32>} : memref<80xi32, #tpu.memory_space<vmem>>, vector<16xi32>,
      tpu.vector_store %arg32[%swap3A_901], %get3A_881 {strides = array<i32>} : memref<80xi32, #tpu.memory_space<vmem>>, vector<16xi32>,
      tpu.vector_store_idx %arg11[%get3A_881], %exp3A_898 {add = true} : memref<10016xf32, #tpu.memory_space<vmem>>[vector<16xi32>], vector<16xf32>,
      %get3A_903 = arith.constant 48 : index
      %get3A_904 = tpu.vector_load %arg22[%get3A_903] {strides = array<i32>} : memref<80xi32, #tpu.memory_space<vmem>>, vector<16xi32>,
      %get3A_905 = arith.constant 48 : index
      %get3A_906 = tpu.vector_load %arg27[%get3A_905] {strides = array<i32>} : memref<80xi32, #tpu.memory_space<vmem>>, vector<16xi32>,
      %gather3A_907 = tpu.vector_load_idx %arg9[%get3A_904] : memref<10000xf32, #tpu.memory_space<vmem>>[vector<16xi32>], vector<16xf32>,
      %gather3A_908 = tpu.vector_load_idx %arg10[%get3A_906] : memref<10000xf32, #tpu.memory_space<vmem>>[vector<16xi32>], vector<16xf32>,
      %add3A_909 = arith.addf %gather3A_907, %gather3A_908 : vector<16xf32>
      %gt3A_910 = arith.constant 0.000000e+00 : f32
      %gt3A_911 = vector.broadcast %gt3A_910 : f32 to vector<16xf32>
      %gt3A_912 = arith.cmpf ogt, %add3A_909, %gt3A_911 : vector<16xf32>
      %exp3A_913 = math.exp %add3A_909 : vector<16xf32>
      %sub3A_914 = arith.constant 1.000000e+00 : f32
      %sub3A_915 = vector.broadcast %sub3A_914 : f32 to vector<16xf32>
      %sub3A_916 = arith.subf %exp3A_913, %sub3A_915 : vector<16xf32>
      %mul3A_917 = arith.constant 1.000000e-01 : f32
      %mul3A_918 = vector.broadcast %mul3A_917 : f32 to vector<16xf32>
      %mul3A_919 = arith.mulf %mul3A_918, %sub3A_916 : vector<16xf32>
      %select_n3A_920 = arith.select %gt3A_912, %add3A_909, %mul3A_919 : vector<16xi1>, vector<16xf32>
      %exp3A_921 = math.exp %select_n3A_920 : vector<16xf32>
      %swap3A_922 = arith.constant 48 : index
      %swap3A_923 = tpu.vector_load %arg12[%swap3A_922] {strides = array<i32>} : memref<80xf32, #tpu.memory_space<vmem>>, vector<16xf32>,
      tpu.vector_store %arg12[%swap3A_922], %exp3A_921 {strides = array<i32>} : memref<80xf32, #tpu.memory_space<vmem>>, vector<16xf32>,
      %swap3A_924 = arith.constant 48 : index
      %swap3A_925 = tpu.vector_load %arg32[%swap3A_924] {strides = array<i32>} : memref<80xi32, #tpu.memory_space<vmem>>, vector<16xi32>,
      tpu.vector_store %arg32[%swap3A_924], %get3A_904 {strides = array<i32>} : memref<80xi32, #tpu.memory_space<vmem>>, vector<16xi32>,
      tpu.vector_store_idx %arg11[%get3A_904], %exp3A_921 {add = true} : memref<10016xf32, #tpu.memory_space<vmem>>[vector<16xi32>], vector<16xf32>,
      %get3A_926 = arith.constant 64 : index
      %get3A_927 = tpu.vector_load %arg22[%get3A_926] {strides = array<i32>} : memref<80xi32, #tpu.memory_space<vmem>>, vector<16xi32>,
      %get3A_928 = arith.constant 64 : index
      %get3A_929 = tpu.vector_load %arg27[%get3A_928] {strides = array<i32>} : memref<80xi32, #tpu.memory_space<vmem>>, vector<16xi32>,
      %gather3A_930 = tpu.vector_load_idx %arg9[%get3A_927] : memref<10000xf32, #tpu.memory_space<vmem>>[vector<16xi32>], vector<16xf32>,
      %gather3A_931 = tpu.vector_load_idx %arg10[%get3A_929] : memref<10000xf32, #tpu.memory_space<vmem>>[vector<16xi32>], vector<16xf32>,
      %add3A_932 = arith.addf %gather3A_930, %gather3A_931 : vector<16xf32>
      %gt3A_933 = arith.constant 0.000000e+00 : f32
      %gt3A_934 = vector.broadcast %gt3A_933 : f32 to vector<16xf32>
      %gt3A_935 = arith.cmpf ogt, %add3A_932, %gt3A_934 : vector<16xf32>
      %exp3A_936 = math.exp %add3A_932 : vector<16xf32>
      %sub3A_937 = arith.constant 1.000000e+00 : f32
      %sub3A_938 = vector.broadcast %sub3A_937 : f32 to vector<16xf32>
      %sub3A_939 = arith.subf %exp3A_936, %sub3A_938 : vector<16xf32>
      %mul3A_940 = arith.constant 1.000000e-01 : f32
      %mul3A_941 = vector.broadcast %mul3A_940 : f32 to vector<16xf32>
      %mul3A_942 = arith.mulf %mul3A_941, %sub3A_939 : vector<16xf32>
      %select_n3A_943 = arith.select %gt3A_935, %add3A_932, %mul3A_942 : vector<16xi1>, vector<16xf32>
      %exp3A_944 = math.exp %select_n3A_943 : vector<16xf32>
      %swap3A_945 = arith.constant 64 : index
      %swap3A_946 = tpu.vector_load %arg12[%swap3A_945] {strides = array<i32>} : memref<80xf32, #tpu.memory_space<vmem>>, vector<16xf32>,
      tpu.vector_store %arg12[%swap3A_945], %exp3A_944 {strides = array<i32>} : memref<80xf32, #tpu.memory_space<vmem>>, vector<16xf32>,
      %swap3A_947 = arith.constant 64 : index
      %swap3A_948 = tpu.vector_load %arg32[%swap3A_947] {strides = array<i32>} : memref<80xi32, #tpu.memory_space<vmem>>, vector<16xi32>,
      tpu.vector_store %arg32[%swap3A_947], %get3A_927 {strides = array<i32>} : memref<80xi32, #tpu.memory_space<vmem>>, vector<16xi32>,
      tpu.vector_store_idx %arg11[%get3A_927], %exp3A_944 {add = true} : memref<10016xf32, #tpu.memory_space<vmem>>[vector<16xi32>], vector<16xf32>,
      %parallel_loop3A_949 = arith.constant 0 : i32
      %parallel_loop3A_950 = arith.constant 80 : i32
      %parallel_loop3A_951 = arith.constant 1 : i32
      scf.for %parallel_loop3A_962 = %parallel_loop3A_949 to %parallel_loop3A_950 step %parallel_loop3A_951  : i32 {
        %parallel_loop3A_963 = arith.constant 0 : i32
        %parallel_loop3A_964 = vector.broadcast %parallel_loop3A_963 : i32 to vector<16xi32>
        %parallel_loop3A_965 = vector.broadcast %parallel_loop3A_962 : i32 to vector<16xi32>
        %parallel_loop3A_966 = arith.addi %parallel_loop3A_964, %parallel_loop3A_965 : vector<16xi32>
        %parallel_loop3A_967 = tpu.vector_load_idx %arg12[%parallel_loop3A_966] : memref<80xf32, #tpu.memory_space<vmem>>[vector<16xi32>], vector<16xf32>,
        %parallel_loop3A_968 = arith.index_cast %parallel_loop3A_962 : i32 to index
        %parallel_loop3A_969 = arith.constant 0 : index
        %parallel_loop3A_970 = tpu.vector_load %arg17[%parallel_loop3A_968, %parallel_loop3A_969] {strides = array<i32>} : memref<80x64xf32, #tpu.memory_space<vmem>>, vector<16xf32>,
        %parallel_loop3A_971 = arith.mulf %parallel_loop3A_970, %parallel_loop3A_967 : vector<16xf32>
        %parallel_loop3A_972 = arith.index_cast %parallel_loop3A_962 : i32 to index
        %parallel_loop3A_973 = arith.constant 0 : index
        %parallel_loop3A_974 = tpu.vector_load %arg17[%parallel_loop3A_972, %parallel_loop3A_973] {strides = array<i32>} : memref<80x64xf32, #tpu.memory_space<vmem>>, vector<16xf32>,
        tpu.vector_store %arg17[%parallel_loop3A_972, %parallel_loop3A_973], %parallel_loop3A_971 {strides = array<i32>} : memref<80x64xf32, #tpu.memory_space<vmem>>, vector<16xf32>,
        %parallel_loop3A_975 = arith.index_cast %parallel_loop3A_962 : i32 to index
        %parallel_loop3A_976 = arith.constant 16 : index
        %parallel_loop3A_977 = tpu.vector_load %arg17[%parallel_loop3A_975, %parallel_loop3A_976] {strides = array<i32>} : memref<80x64xf32, #tpu.memory_space<vmem>>, vector<16xf32>,
        %parallel_loop3A_978 = arith.mulf %parallel_loop3A_977, %parallel_loop3A_967 : vector<16xf32>
        %parallel_loop3A_979 = arith.index_cast %parallel_loop3A_962 : i32 to index
        %parallel_loop3A_980 = arith.constant 16 : index
        %parallel_loop3A_981 = tpu.vector_load %arg17[%parallel_loop3A_979, %parallel_loop3A_980] {strides = array<i32>} : memref<80x64xf32, #tpu.memory_space<vmem>>, vector<16xf32>,
        tpu.vector_store %arg17[%parallel_loop3A_979, %parallel_loop3A_980], %parallel_loop3A_978 {strides = array<i32>} : memref<80x64xf32, #tpu.memory_space<vmem>>, vector<16xf32>,
        %parallel_loop3A_982 = arith.index_cast %parallel_loop3A_962 : i32 to index
        %parallel_loop3A_983 = arith.constant 32 : index
        %parallel_loop3A_984 = tpu.vector_load %arg17[%parallel_loop3A_982, %parallel_loop3A_983] {strides = array<i32>} : memref<80x64xf32, #tpu.memory_space<vmem>>, vector<16xf32>,
        %parallel_loop3A_985 = arith.mulf %parallel_loop3A_984, %parallel_loop3A_967 : vector<16xf32>
        %parallel_loop3A_986 = arith.index_cast %parallel_loop3A_962 : i32 to index
        %parallel_loop3A_987 = arith.constant 32 : index
        %parallel_loop3A_988 = tpu.vector_load %arg17[%parallel_loop3A_986, %parallel_loop3A_987] {strides = array<i32>} : memref<80x64xf32, #tpu.memory_space<vmem>>, vector<16xf32>,
        tpu.vector_store %arg17[%parallel_loop3A_986, %parallel_loop3A_987], %parallel_loop3A_985 {strides = array<i32>} : memref<80x64xf32, #tpu.memory_space<vmem>>, vector<16xf32>,
        %parallel_loop3A_989 = arith.index_cast %parallel_loop3A_962 : i32 to index
        %parallel_loop3A_990 = arith.constant 48 : index
        %parallel_loop3A_991 = tpu.vector_load %arg17[%parallel_loop3A_989, %parallel_loop3A_990] {strides = array<i32>} : memref<80x64xf32, #tpu.memory_space<vmem>>, vector<16xf32>,
        %parallel_loop3A_992 = arith.mulf %parallel_loop3A_991, %parallel_loop3A_967 : vector<16xf32>
        %parallel_loop3A_993 = arith.index_cast %parallel_loop3A_962 : i32 to index
        %parallel_loop3A_994 = arith.constant 48 : index
        %parallel_loop3A_995 = tpu.vector_load %arg17[%parallel_loop3A_993, %parallel_loop3A_994] {strides = array<i32>} : memref<80x64xf32, #tpu.memory_space<vmem>>, vector<16xf32>,
        tpu.vector_store %arg17[%parallel_loop3A_993, %parallel_loop3A_994], %parallel_loop3A_992 {strides = array<i32>} : memref<80x64xf32, #tpu.memory_space<vmem>>, vector<16xf32>,
      } {sc.loop_unroll_factor = 4 : i64, sc.parallel_access}
      %dma_start3A_952 = arith.constant 0 : i32
      %dma_start3A_953 = arith.constant 0 : i32
      %dma_start3A_954 = tpu.memref_slice %arg48[%dma_start3A_952, %dma_start3A_953] : memref<10008x64xf32, #tpu.memory_space<vmem_shared>> -> memref<10008x64xf32, #tpu.memory_space<vmem_shared>>
      tpu.enqueue_indirect_dma source(%arg17 : memref<80x64xf32, #tpu.memory_space<vmem>>) target(%dma_start3A_954 : memref<10008x64xf32, #tpu.memory_space<vmem_shared>>) offsets(%arg32 : memref<80xi32, #tpu.memory_space<vmem>>) semaphore(%arg47 : memref<!tpu.dma_semaphore, #tpu.memory_space<semaphore_mem>>) {add = true}
      %add3A_955 = arith.constant 5 : i32
      %add3A_956 = arith.addi %add3A_806, %add3A_955 : i32
      %lt3A_957 = arith.constant 250 : i32
      %lt3A_958 = arith.cmpi slt, %add3A_956, %lt3A_957 : i32
      %convert_element_type3A_959 = arith.extui %lt3A_958 : i1 to i32
      %cond3A_960 = arith.constant 0 : i32
      %cond3A_961 = arith.cmpi ne, %convert_element_type3A_959, %cond3A_960 : i32
      scf.if %cond3A_961 {
        %add3A_962 = arith.constant 5 : i32
        %add3A_963 = arith.addi %add3A_806, %add3A_962 : i32
        %mul3A_964 = arith.constant 80 : i32
        %mul3A_965 = arith.muli %add3A_963, %mul3A_964 : i32
        %add3A_966 = arith.addi %mul3A_1, %mul3A_965 : i32
        %dma_start3A_967 = tpu.memref_slice %arg2[%add3A_966] : memref<320000xi32, #tpu.memory_space<hbm>> -> memref<80xi32, #tpu.memory_space<hbm>>
        %dma_start3A_968 = tpu.memref_slice %arg2[%add3A_966] : memref<320000xi32, #tpu.memory_space<hbm>> -> memref<80xi32, #tpu.memory_space<hbm>>
        tpu.enqueue_dma source(%dma_start3A_968 : memref<80xi32, #tpu.memory_space<hbm>>) target(%arg22 : memref<80xi32, #tpu.memory_space<vmem>>) target_semaphore(%arg37 : memref<!tpu.dma_semaphore, #tpu.memory_space<semaphore_mem>>)
        %mul3A_969 = arith.constant 80 : i32
        %mul3A_970 = arith.muli %add3A_963, %mul3A_969 : i32
        %add3A_971 = arith.addi %mul3A_1, %mul3A_970 : i32
        %dma_start3A_972 = tpu.memref_slice %arg3[%add3A_971] : memref<320000xi32, #tpu.memory_space<hbm>> -> memref<80xi32, #tpu.memory_space<hbm>>
        %dma_start3A_973 = tpu.memref_slice %arg3[%add3A_971] : memref<320000xi32, #tpu.memory_space<hbm>> -> memref<80xi32, #tpu.memory_space<hbm>>
        tpu.enqueue_dma source(%dma_start3A_973 : memref<80xi32, #tpu.memory_space<hbm>>) target(%arg27 : memref<80xi32, #tpu.memory_space<vmem>>) target_semaphore(%arg37 : memref<!tpu.dma_semaphore, #tpu.memory_space<semaphore_mem>>)
      } else {
      }
    }
    %scan3A_120 = arith.constant 50 : i32
    %dma_wait3A_121 = arith.constant 0 : i32
    %dma_wait3A_122 = arith.constant 0 : i32
    %dma_wait3A_123 = arith.constant 0 : i32
    %dma_wait3A_124 = tpu.memref_slice %arg4[%dma_wait3A_121, %dma_wait3A_122, %dma_wait3A_123] : memref<2x10000x64xf32, #tpu.memory_space<hbm>> -> memref<1x80x64xf32, #tpu.memory_space<hbm>>
    %dma_wait3A_125 = tpu.memref_squeeze %dma_wait3A_124 : memref<1x80x64xf32, #tpu.memory_space<hbm>> -> memref<80x64xf32, #tpu.memory_space<hbm>>
    %dma_wait3A_126 = arith.constant 0 : i32
    %dma_wait3A_127 = arith.constant 0 : i32
    %dma_wait3A_128 = tpu.memref_slice %arg4[%dma_wait3A_121, %dma_wait3A_126, %dma_wait3A_127] : memref<2x10000x64xf32, #tpu.memory_space<hbm>> -> memref<1x80x64xf32, #tpu.memory_space<hbm>>
    %dma_wait3A_129 = tpu.memref_squeeze %dma_wait3A_128 : memref<1x80x64xf32, #tpu.memory_space<hbm>> -> memref<80x64xf32, #tpu.memory_space<hbm>>
    tpu.wait_dma2 semaphore(%arg43 : memref<!tpu.dma_semaphore, #tpu.memory_space<semaphore_mem>>) src(%dma_wait3A_129 : memref<80x64xf32, #tpu.memory_space<hbm>>) dst(%arg13 : memref<80x64xf32, #tpu.memory_space<vmem>>)
    %dma_wait3A_130 = arith.constant 0 : i32
    %dma_wait3A_131 = arith.constant 0 : i32
    %dma_wait3A_132 = arith.constant 0 : i32
    %dma_wait3A_133 = tpu.memref_slice %arg4[%dma_wait3A_130, %dma_wait3A_131, %dma_wait3A_132] : memref<2x10000x64xf32, #tpu.memory_space<hbm>> -> memref<1x80x64xf32, #tpu.memory_space<hbm>>
    %dma_wait3A_134 = tpu.memref_squeeze %dma_wait3A_133 : memref<1x80x64xf32, #tpu.memory_space<hbm>> -> memref<80x64xf32, #tpu.memory_space<hbm>>
    %dma_wait3A_135 = arith.constant 0 : i32
    %dma_wait3A_136 = arith.constant 0 : i32
    %dma_wait3A_137 = tpu.memref_slice %arg4[%dma_wait3A_130, %dma_wait3A_135, %dma_wait3A_136] : memref<2x10000x64xf32, #tpu.memory_space<hbm>> -> memref<1x80x64xf32, #tpu.memory_space<hbm>>
    %dma_wait3A_138 = tpu.memref_squeeze %dma_wait3A_137 : memref<1x80x64xf32, #tpu.memory_space<hbm>> -> memref<80x64xf32, #tpu.memory_space<hbm>>
    tpu.wait_dma2 semaphore(%arg44 : memref<!tpu.dma_semaphore, #tpu.memory_space<semaphore_mem>>) src(%dma_wait3A_138 : memref<80x64xf32, #tpu.memory_space<hbm>>) dst(%arg14 : memref<80x64xf32, #tpu.memory_space<vmem>>)
    %dma_wait3A_139 = arith.constant 0 : i32
    %dma_wait3A_140 = arith.constant 0 : i32
    %dma_wait3A_141 = arith.constant 0 : i32
    %dma_wait3A_142 = tpu.memref_slice %arg4[%dma_wait3A_139, %dma_wait3A_140, %dma_wait3A_141] : memref<2x10000x64xf32, #tpu.memory_space<hbm>> -> memref<1x80x64xf32, #tpu.memory_space<hbm>>
    %dma_wait3A_143 = tpu.memref_squeeze %dma_wait3A_142 : memref<1x80x64xf32, #tpu.memory_space<hbm>> -> memref<80x64xf32, #tpu.memory_space<hbm>>
    %dma_wait3A_144 = arith.constant 0 : i32
    %dma_wait3A_145 = arith.constant 0 : i32
    %dma_wait3A_146 = tpu.memref_slice %arg4[%dma_wait3A_139, %dma_wait3A_144, %dma_wait3A_145] : memref<2x10000x64xf32, #tpu.memory_space<hbm>> -> memref<1x80x64xf32, #tpu.memory_space<hbm>>
    %dma_wait3A_147 = tpu.memref_squeeze %dma_wait3A_146 : memref<1x80x64xf32, #tpu.memory_space<hbm>> -> memref<80x64xf32, #tpu.memory_space<hbm>>
    tpu.wait_dma2 semaphore(%arg45 : memref<!tpu.dma_semaphore, #tpu.memory_space<semaphore_mem>>) src(%dma_wait3A_147 : memref<80x64xf32, #tpu.memory_space<hbm>>) dst(%arg15 : memref<80x64xf32, #tpu.memory_space<vmem>>)
    %dma_wait3A_148 = arith.constant 0 : i32
    %dma_wait3A_149 = arith.constant 0 : i32
    %dma_wait3A_150 = arith.constant 0 : i32
    %dma_wait3A_151 = tpu.memref_slice %arg4[%dma_wait3A_148, %dma_wait3A_149, %dma_wait3A_150] : memref<2x10000x64xf32, #tpu.memory_space<hbm>> -> memref<1x80x64xf32, #tpu.memory_space<hbm>>
    %dma_wait3A_152 = tpu.memref_squeeze %dma_wait3A_151 : memref<1x80x64xf32, #tpu.memory_space<hbm>> -> memref<80x64xf32, #tpu.memory_space<hbm>>
    %dma_wait3A_153 = arith.constant 0 : i32
    %dma_wait3A_154 = arith.constant 0 : i32
    %dma_wait3A_155 = tpu.memref_slice %arg4[%dma_wait3A_148, %dma_wait3A_153, %dma_wait3A_154] : memref<2x10000x64xf32, #tpu.memory_space<hbm>> -> memref<1x80x64xf32, #tpu.memory_space<hbm>>
    %dma_wait3A_156 = tpu.memref_squeeze %dma_wait3A_155 : memref<1x80x64xf32, #tpu.memory_space<hbm>> -> memref<80x64xf32, #tpu.memory_space<hbm>>
    tpu.wait_dma2 semaphore(%arg46 : memref<!tpu.dma_semaphore, #tpu.memory_space<semaphore_mem>>) src(%dma_wait3A_156 : memref<80x64xf32, #tpu.memory_space<hbm>>) dst(%arg16 : memref<80x64xf32, #tpu.memory_space<vmem>>)
    %dma_wait3A_157 = arith.constant 0 : i32
    %dma_wait3A_158 = arith.constant 0 : i32
    %dma_wait3A_159 = arith.constant 0 : i32
    %dma_wait3A_160 = tpu.memref_slice %arg4[%dma_wait3A_157, %dma_wait3A_158, %dma_wait3A_159] : memref<2x10000x64xf32, #tpu.memory_space<hbm>> -> memref<1x80x64xf32, #tpu.memory_space<hbm>>
    %dma_wait3A_161 = tpu.memref_squeeze %dma_wait3A_160 : memref<1x80x64xf32, #tpu.memory_space<hbm>> -> memref<80x64xf32, #tpu.memory_space<hbm>>
    %dma_wait3A_162 = arith.constant 0 : i32
    %dma_wait3A_163 = arith.constant 0 : i32
    %dma_wait3A_164 = tpu.memref_slice %arg4[%dma_wait3A_157, %dma_wait3A_162, %dma_wait3A_163] : memref<2x10000x64xf32, #tpu.memory_space<hbm>> -> memref<1x80x64xf32, #tpu.memory_space<hbm>>
    %dma_wait3A_165 = tpu.memref_squeeze %dma_wait3A_164 : memref<1x80x64xf32, #tpu.memory_space<hbm>> -> memref<80x64xf32, #tpu.memory_space<hbm>>
    tpu.wait_dma2 semaphore(%arg47 : memref<!tpu.dma_semaphore, #tpu.memory_space<semaphore_mem>>) src(%dma_wait3A_165 : memref<80x64xf32, #tpu.memory_space<hbm>>) dst(%arg17 : memref<80x64xf32, #tpu.memory_space<vmem>>)
    %barrier3A_166 = arith.constant 0 : index
    tpu.barrier barrier_id(%barrier3A_166)
    "tpu.region"() ({
      %run_scoped3A = tpu.sem_alloc : memref<!tpu.dma_semaphore, #tpu.memory_space<semaphore_mem>>
      %dma_start3A_177 = arith.constant 0 : i32
      %dma_start3A_178 = tpu.memref_slice %arg7[%arg0, %mul3A_14, %dma_start3A_177] : memref<2x10000x64xf32, #tpu.memory_space<hbm>> -> memref<1x624x64xf32, #tpu.memory_space<hbm>>
      %dma_start3A_179 = tpu.memref_squeeze %dma_start3A_178 : memref<1x624x64xf32, #tpu.memory_space<hbm>> -> memref<624x64xf32, #tpu.memory_space<hbm>>
      %dma_start3A_180 = arith.constant 0 : i32
      %dma_start3A_181 = tpu.memref_slice %arg48[%mul3A_14, %dma_start3A_180] : memref<10008x64xf32, #tpu.memory_space<vmem_shared>> -> memref<624x64xf32, #tpu.memory_space<vmem_shared>>
      tpu.enqueue_dma source(%dma_start3A_181 : memref<624x64xf32, #tpu.memory_space<vmem_shared>>) target(%dma_start3A_179 : memref<624x64xf32, #tpu.memory_space<hbm>>) target_semaphore(%run_scoped3A : memref<!tpu.dma_semaphore, #tpu.memory_space<semaphore_mem>>)
      %dma_wait3A_182 = arith.constant 0 : i32
      %dma_wait3A_183 = tpu.memref_slice %arg7[%arg0, %mul3A_14, %dma_wait3A_182] : memref<2x10000x64xf32, #tpu.memory_space<hbm>> -> memref<1x624x64xf32, #tpu.memory_space<hbm>>
      %dma_wait3A_184 = tpu.memref_squeeze %dma_wait3A_183 : memref<1x624x64xf32, #tpu.memory_space<hbm>> -> memref<624x64xf32, #tpu.memory_space<hbm>>
      %dma_wait3A_185 = arith.constant 0 : i32
      %dma_wait3A_186 = tpu.memref_slice %arg48[%mul3A_14, %dma_wait3A_185] : memref<10008x64xf32, #tpu.memory_space<vmem_shared>> -> memref<624x64xf32, #tpu.memory_space<vmem_shared>>
      tpu.wait_dma2 semaphore(%run_scoped3A : memref<!tpu.dma_semaphore, #tpu.memory_space<semaphore_mem>>) src(%dma_wait3A_186 : memref<624x64xf32, #tpu.memory_space<vmem_shared>>) dst(%dma_wait3A_184 : memref<624x64xf32, #tpu.memory_space<hbm>>)
      tpu.yield
    }) : () -> ()
    %eq3A_167 = arith.constant 15 : i32
    %eq3A_168 = arith.cmpi eq, %arg1, %eq3A_167 : i32
    %convert_element_type3A_169 = arith.extui %eq3A_168 : i1 to i32
    %cond3A_170 = arith.constant 0 : i32
    %cond3A_171 = arith.cmpi ne, %convert_element_type3A_169, %cond3A_170 : i32
    scf.if %cond3A_171 {
      "tpu.region"() ({
        %run_scoped3A = tpu.sem_alloc : memref<!tpu.dma_semaphore, #tpu.memory_space<semaphore_mem>>
        %dma_start3A_177 = arith.constant 9984 : i32
        %dma_start3A_178 = arith.constant 0 : i32
        %dma_start3A_179 = tpu.memref_slice %arg7[%arg0, %dma_start3A_177, %dma_start3A_178] : memref<2x10000x64xf32, #tpu.memory_space<hbm>> -> memref<1x16x64xf32, #tpu.memory_space<hbm>>
        %dma_start3A_180 = tpu.memref_squeeze %dma_start3A_179 : memref<1x16x64xf32, #tpu.memory_space<hbm>> -> memref<16x64xf32, #tpu.memory_space<hbm>>
        %dma_start3A_181 = arith.constant 9984 : i32
        %dma_start3A_182 = arith.constant 0 : i32
        %dma_start3A_183 = tpu.memref_slice %arg48[%dma_start3A_181, %dma_start3A_182] : memref<10008x64xf32, #tpu.memory_space<vmem_shared>> -> memref<16x64xf32, #tpu.memory_space<vmem_shared>>
        tpu.enqueue_dma source(%dma_start3A_183 : memref<16x64xf32, #tpu.memory_space<vmem_shared>>) target(%dma_start3A_180 : memref<16x64xf32, #tpu.memory_space<hbm>>) target_semaphore(%run_scoped3A : memref<!tpu.dma_semaphore, #tpu.memory_space<semaphore_mem>>)
        %dma_wait3A_184 = arith.constant 9984 : i32
        %dma_wait3A_185 = arith.constant 0 : i32
        %dma_wait3A_186 = tpu.memref_slice %arg7[%arg0, %dma_wait3A_184, %dma_wait3A_185] : memref<2x10000x64xf32, #tpu.memory_space<hbm>> -> memref<1x16x64xf32, #tpu.memory_space<hbm>>
        %dma_wait3A_187 = tpu.memref_squeeze %dma_wait3A_186 : memref<1x16x64xf32, #tpu.memory_space<hbm>> -> memref<16x64xf32, #tpu.memory_space<hbm>>
        %dma_wait3A_188 = arith.constant 9984 : i32
        %dma_wait3A_189 = arith.constant 0 : i32
        %dma_wait3A_190 = tpu.memref_slice %arg48[%dma_wait3A_188, %dma_wait3A_189] : memref<10008x64xf32, #tpu.memory_space<vmem_shared>> -> memref<16x64xf32, #tpu.memory_space<vmem_shared>>
        tpu.wait_dma2 semaphore(%run_scoped3A : memref<!tpu.dma_semaphore, #tpu.memory_space<semaphore_mem>>) src(%dma_wait3A_190 : memref<16x64xf32, #tpu.memory_space<vmem_shared>>) dst(%dma_wait3A_187 : memref<16x64xf32, #tpu.memory_space<hbm>>)
        tpu.yield
      }) : () -> ()
    } else {
    }
    %eq3A_172 = arith.constant 0 : i32
    %eq3A_173 = arith.cmpi eq, %arg0, %eq3A_172 : i32
    %convert_element_type3A_174 = arith.extui %eq3A_173 : i1 to i32
    %cond3A_175 = arith.constant 0 : i32
    %cond3A_176 = arith.cmpi ne, %convert_element_type3A_174, %cond3A_175 : i32
    scf.if %cond3A_176 {
      %mul3A_177 = arith.constant 10000 : i32
      %mul3A_178 = arith.muli %arg1, %mul3A_177 : i32
      "tpu.region"() ({
        %run_scoped3A = tpu.sem_alloc : memref<!tpu.dma_semaphore, #tpu.memory_space<semaphore_mem>>
        %dma_start3A_179 = arith.constant 0 : i32
        %dma_start3A_180 = tpu.memref_slice %arg11[%dma_start3A_179] : memref<10016xf32, #tpu.memory_space<vmem>> -> memref<10000xf32, #tpu.memory_space<vmem>>
        %dma_start3A_181 = tpu.memref_slice %arg8[%mul3A_178] : memref<160000xf32, #tpu.memory_space<hbm>> -> memref<10000xf32, #tpu.memory_space<hbm>>
        %dma_start3A_182 = tpu.memref_slice %arg8[%mul3A_178] : memref<160000xf32, #tpu.memory_space<hbm>> -> memref<10000xf32, #tpu.memory_space<hbm>>
        %dma_start3A_183 = arith.constant 0 : i32
        %dma_start3A_184 = tpu.memref_slice %arg11[%dma_start3A_183] : memref<10016xf32, #tpu.memory_space<vmem>> -> memref<10000xf32, #tpu.memory_space<vmem>>
        tpu.enqueue_dma source(%dma_start3A_184 : memref<10000xf32, #tpu.memory_space<vmem>>) target(%dma_start3A_182 : memref<10000xf32, #tpu.memory_space<hbm>>) target_semaphore(%run_scoped3A : memref<!tpu.dma_semaphore, #tpu.memory_space<semaphore_mem>>)
        %dma_wait3A_185 = arith.constant 0 : i32
        %dma_wait3A_186 = tpu.memref_slice %arg11[%dma_wait3A_185] : memref<10016xf32, #tpu.memory_space<vmem>> -> memref<10000xf32, #tpu.memory_space<vmem>>
        %dma_wait3A_187 = tpu.memref_slice %arg8[%mul3A_178] : memref<160000xf32, #tpu.memory_space<hbm>> -> memref<10000xf32, #tpu.memory_space<hbm>>
        %dma_wait3A_188 = tpu.memref_slice %arg8[%mul3A_178] : memref<160000xf32, #tpu.memory_space<hbm>> -> memref<10000xf32, #tpu.memory_space<hbm>>
        %dma_wait3A_189 = arith.constant 0 : i32
        %dma_wait3A_190 = tpu.memref_slice %arg11[%dma_wait3A_189] : memref<10016xf32, #tpu.memory_space<vmem>> -> memref<10000xf32, #tpu.memory_space<vmem>>
        tpu.wait_dma2 semaphore(%run_scoped3A : memref<!tpu.dma_semaphore, #tpu.memory_space<semaphore_mem>>) src(%dma_wait3A_190 : memref<10000xf32, #tpu.memory_space<vmem>>) dst(%dma_wait3A_188 : memref<10000xf32, #tpu.memory_space<hbm>>)
        tpu.yield
      }) : () -> ()
    } else {
    }
    return
  }
}

module attributes {stable_mosaic.version = 14 : i64} {
  func.func @_dense_body(%arg0: i32, %arg1: memref<2000x128xf32, #tpu.memory_space<vmem>>, %arg2: memref<2000x128xf32, #tpu.memory_space<vmem>>, %arg3: memref<128x128xf32, #tpu.memory_space<vmem>>, %arg4: memref<1x128xf32, #tpu.memory_space<vmem>>, %arg5: memref<128x1xf32, #tpu.memory_space<vmem>>, %arg6: memref<128x1xf32, #tpu.memory_space<vmem>>, %arg7: memref<2x2000x64xf32, #tpu.memory_space<vmem>>, %arg8: memref<2000x1xf32, #tpu.memory_space<vmem>>, %arg9: memref<2000x1xf32, #tpu.memory_space<vmem>>) attributes {dimension_semantics = [#tpu.dimension_semantics<arbitrary>], iteration_bounds = array<i64: 5>, scalar_prefetch = 0 : i64, scratch_operands = 0 : i64, tpu.core_type = #tpu.core_type<tc>, window_params = [{transform_indices = @transform_0, window_bounds = array<i64: 2000, 128>}, {transform_indices = @transform_1, window_bounds = array<i64: 2000, 128>}, {pipeline_mode = #tpu.pipeline_mode<synchronous>, transform_indices = @transform_2, window_bounds = array<i64: 128, 128>}, {pipeline_mode = #tpu.pipeline_mode<synchronous>, transform_indices = @transform_3, window_bounds = array<i64: 1, 128>}, {pipeline_mode = #tpu.pipeline_mode<synchronous>, transform_indices = @transform_4, window_bounds = array<i64: 128, 1>}, {pipeline_mode = #tpu.pipeline_mode<synchronous>, transform_indices = @transform_5, window_bounds = array<i64: 128, 1>}, {transform_indices = @transform_6, window_bounds = array<i64: 2, 2000, 64>}, {transform_indices = @transform_7, window_bounds = array<i64: 2000, 1>}, {transform_indices = @transform_8, window_bounds = array<i64: 2000, 1>}]} {
    %get3A = arith.constant 0 : index
    %get3A_0 = arith.constant 0 : index
    %get3A_1 = vector.load %arg2[%get3A, %get3A_0] : memref<2000x128xf32, #tpu.memory_space<vmem>>, vector<2000x128xf32>
    %get3A_2 = arith.constant 0 : index
    %get3A_3 = arith.constant 0 : index
    %get3A_4 = vector.load %arg3[%get3A_2, %get3A_3] : memref<128x128xf32, #tpu.memory_space<vmem>>, vector<128x128xf32>
    %dot_general3A = arith.constant dense<0.000000e+00> : vector<2000x128xf32>
    %dot_general3A_5 = tpu.matmul %get3A_1, %get3A_4, %dot_general3A {dimension_numbers = #tpu.dot_dimension_numbers<[1], [0], [0], [1], [0, 0, 1, 1], [], []>, precision = #tpu.contract_precision<fp32>, transpose_lhs_hint = false} : vector<2000x128xf32>, vector<128x128xf32>, vector<2000x128xf32> -> vector<2000x128xf32>
    %get3A_6 = arith.constant 0 : index
    %get3A_7 = arith.constant 0 : index
    %get3A_8 = vector.load %arg4[%get3A_6, %get3A_7] : memref<1x128xf32, #tpu.memory_space<vmem>>, vector<1x128xf32>
    %add3A = vector.broadcast %get3A_8 : vector<1x128xf32> to vector<2000x128xf32>
    %add3A_9 = arith.addf %dot_general3A_5, %add3A : vector<2000x128xf32>
    %slice3A = vector.extract_strided_slice %add3A_9 {offsets = [0, 0], sizes = [2000, 64], strides = [1, 1]} : vector<2000x128xf32> to vector<2000x64xf32>
    %swap3A = arith.constant 0 : index
    %swap3A_10 = arith.constant 0 : index
    %swap3A_11 = arith.constant 0 : index
    %swap3A_12 = vector.load %arg7[%swap3A, %swap3A_10, %swap3A_11] : memref<2x2000x64xf32, #tpu.memory_space<vmem>>, vector<1x2000x64xf32>
    %swap3A_13 = vector.shape_cast %swap3A_12 : vector<1x2000x64xf32> to vector<2000x64xf32>
    %swap3A_14 = vector.shape_cast %slice3A : vector<2000x64xf32> to vector<1x2000x64xf32>
    tpu.vector_store %arg7[%swap3A, %swap3A_10, %swap3A_11], %swap3A_14 {strides = array<i32>} : memref<2x2000x64xf32, #tpu.memory_space<vmem>>, vector<1x2000x64xf32>,
    %slice3A_15 = vector.extract_strided_slice %add3A_9 {offsets = [0, 64], sizes = [2000, 64], strides = [1, 1]} : vector<2000x128xf32> to vector<2000x64xf32>
    %swap3A_16 = arith.constant 1 : index
    %swap3A_17 = arith.constant 0 : index
    %swap3A_18 = arith.constant 0 : index
    %swap3A_19 = vector.load %arg7[%swap3A_16, %swap3A_17, %swap3A_18] : memref<2x2000x64xf32, #tpu.memory_space<vmem>>, vector<1x2000x64xf32>
    %swap3A_20 = vector.shape_cast %swap3A_19 : vector<1x2000x64xf32> to vector<2000x64xf32>
    %swap3A_21 = vector.shape_cast %slice3A_15 : vector<2000x64xf32> to vector<1x2000x64xf32>
    tpu.vector_store %arg7[%swap3A_16, %swap3A_17, %swap3A_18], %swap3A_21 {strides = array<i32>} : memref<2x2000x64xf32, #tpu.memory_space<vmem>>, vector<1x2000x64xf32>,
    %get3A_22 = arith.constant 0 : index
    %get3A_23 = arith.constant 0 : index
    %get3A_24 = vector.load %arg1[%get3A_22, %get3A_23] : memref<2000x128xf32, #tpu.memory_space<vmem>>, vector<2000x128xf32>
    %get3A_25 = arith.constant 0 : index
    %get3A_26 = arith.constant 0 : index
    %get3A_27 = vector.load %arg5[%get3A_25, %get3A_26] : memref<128x1xf32, #tpu.memory_space<vmem>>, vector<128x1xf32>
    %dot_general3A_28 = arith.constant dense<0.000000e+00> : vector<2000x1xf32>
    %dot_general3A_29 = tpu.matmul %get3A_24, %get3A_27, %dot_general3A_28 {dimension_numbers = #tpu.dot_dimension_numbers<[1], [0], [0], [1], [0, 0, 1, 1], [], []>, precision = #tpu.contract_precision<fp32>, transpose_lhs_hint = false} : vector<2000x128xf32>, vector<128x1xf32>, vector<2000x1xf32> -> vector<2000x1xf32>
    %swap3A_30 = arith.constant 0 : index
    %swap3A_31 = arith.constant 0 : index
    %swap3A_32 = vector.load %arg8[%swap3A_30, %swap3A_31] : memref<2000x1xf32, #tpu.memory_space<vmem>>, vector<2000x1xf32>
    tpu.vector_store %arg8[%swap3A_30, %swap3A_31], %dot_general3A_29 {strides = array<i32>} : memref<2000x1xf32, #tpu.memory_space<vmem>>, vector<2000x1xf32>,
    %get3A_33 = arith.constant 0 : index
    %get3A_34 = arith.constant 0 : index
    %get3A_35 = vector.load %arg6[%get3A_33, %get3A_34] : memref<128x1xf32, #tpu.memory_space<vmem>>, vector<128x1xf32>
    %dot_general3A_36 = arith.constant dense<0.000000e+00> : vector<2000x1xf32>
    %dot_general3A_37 = tpu.matmul %add3A_9, %get3A_35, %dot_general3A_36 {dimension_numbers = #tpu.dot_dimension_numbers<[1], [0], [0], [1], [0, 0, 1, 1], [], []>, precision = #tpu.contract_precision<fp32>, transpose_lhs_hint = false} : vector<2000x128xf32>, vector<128x1xf32>, vector<2000x1xf32> -> vector<2000x1xf32>
    %swap3A_38 = arith.constant 0 : index
    %swap3A_39 = arith.constant 0 : index
    %swap3A_40 = vector.load %arg9[%swap3A_38, %swap3A_39] : memref<2000x1xf32, #tpu.memory_space<vmem>>, vector<2000x1xf32>
    tpu.vector_store %arg9[%swap3A_38, %swap3A_39], %dot_general3A_37 {strides = array<i32>} : memref<2000x1xf32, #tpu.memory_space<vmem>>, vector<2000x1xf32>,
    return
  }
  func.func @transform_0(%arg0: i32) -> (i32, i32) {
    %c0_i32 = arith.constant 0 : i32
    %c0_i32_0 = arith.constant 0 : i32
    return %arg0, %c0_i32 : i32, i32
  }
  func.func @transform_1(%arg0: i32) -> (i32, i32) {
    %c0_i32 = arith.constant 0 : i32
    %c0_i32_0 = arith.constant 0 : i32
    return %arg0, %c0_i32 : i32, i32
  }
  func.func @transform_2(%arg0: i32) -> (i32, i32) {
    %c0_i32 = arith.constant 0 : i32
    %c0_i32_0 = arith.constant 0 : i32
    %c0_i32_1 = arith.constant 0 : i32
    return %c0_i32, %c0_i32_0 : i32, i32
  }
  func.func @transform_3(%arg0: i32) -> (i32, i32) {
    %c0_i32 = arith.constant 0 : i32
    %c0_i32_0 = arith.constant 0 : i32
    %c0_i32_1 = arith.constant 0 : i32
    return %c0_i32, %c0_i32_0 : i32, i32
  }
  func.func @transform_4(%arg0: i32) -> (i32, i32) {
    %c0_i32 = arith.constant 0 : i32
    %c0_i32_0 = arith.constant 0 : i32
    %c0_i32_1 = arith.constant 0 : i32
    return %c0_i32, %c0_i32_0 : i32, i32
  }
  func.func @transform_5(%arg0: i32) -> (i32, i32) {
    %c0_i32 = arith.constant 0 : i32
    %c0_i32_0 = arith.constant 0 : i32
    %c0_i32_1 = arith.constant 0 : i32
    return %c0_i32, %c0_i32_0 : i32, i32
  }
  func.func @transform_6(%arg0: i32) -> (i32, i32, i32) {
    %c0_i32 = arith.constant 0 : i32
    %c0_i32_0 = arith.constant 0 : i32
    %c0_i32_1 = arith.constant 0 : i32
    return %c0_i32, %arg0, %c0_i32_0 : i32, i32, i32
  }
  func.func @transform_7(%arg0: i32) -> (i32, i32) {
    %c0_i32 = arith.constant 0 : i32
    %c0_i32_0 = arith.constant 0 : i32
    return %arg0, %c0_i32 : i32, i32
  }
  func.func @transform_8(%arg0: i32) -> (i32, i32) {
    %c0_i32 = arith.constant 0 : i32
    %c0_i32_0 = arith.constant 0 : i32
    return %arg0, %c0_i32 : i32, i32
  }
}

module attributes {stable_mosaic.version = 14 : i64} {
  func.func @_combine_body(%arg0: memref<2x10000x64xf32, #tpu.memory_space<vmem>>, %arg1: memref<10000x16xf32, #tpu.memory_space<vmem>>, %arg2: memref<10000x128xf32, #tpu.memory_space<vmem>>) attributes {dimension_semantics = [], scalar_prefetch = 0 : i64, scratch_operands = 0 : i64, tpu.core_type = #tpu.core_type<tc>} {
    %get3A = arith.constant 0 : index
    %get3A_0 = arith.constant 0 : index
    %get3A_1 = vector.load %arg1[%get3A, %get3A_0] : memref<10000x16xf32, #tpu.memory_space<vmem>>, vector<10000x16xf32>
    %reduce_sum3A = arith.constant dense<0.000000e+00> : vector<10000xf32>
    %reduce_sum3A_2 = vector.multi_reduction <add>, %get3A_1, %reduce_sum3A [1] : vector<10000x16xf32> to vector<10000xf32>
    %broadcast_in_dim3A = vector.shape_cast %reduce_sum3A_2 : vector<10000xf32> to vector<10000x1xf32>
    %eq3A = arith.constant 0.000000e+00 : f32
    %eq3A_3 = vector.broadcast %eq3A : f32 to vector<10000x1xf32>
    %eq3A_4 = arith.cmpf oeq, %broadcast_in_dim3A, %eq3A_3 : vector<10000x1xf32>
    %jit3A = arith.constant 1.000000e+00 : f32
    %broadcast_in_dim3A_5 = vector.broadcast %jit3A : f32 to vector<10000x1xf32>
    %select_n3A = arith.select %eq3A_4, %broadcast_in_dim3A_5, %broadcast_in_dim3A : vector<10000x1xi1>, vector<10000x1xf32>
    %get3A_6 = arith.constant 0 : index
    %get3A_7 = arith.constant 0 : index
    %get3A_8 = arith.constant 0 : index
    %get3A_9 = vector.load %arg0[%get3A_6, %get3A_7, %get3A_8] : memref<2x10000x64xf32, #tpu.memory_space<vmem>>, vector<1x10000x64xf32>
    %get3A_10 = vector.shape_cast %get3A_9 : vector<1x10000x64xf32> to vector<10000x64xf32>
    %get3A_11 = arith.constant 1 : index
    %get3A_12 = arith.constant 0 : index
    %get3A_13 = arith.constant 0 : index
    %get3A_14 = vector.load %arg0[%get3A_11, %get3A_12, %get3A_13] : memref<2x10000x64xf32, #tpu.memory_space<vmem>>, vector<1x10000x64xf32>
    %get3A_15 = vector.shape_cast %get3A_14 : vector<1x10000x64xf32> to vector<10000x64xf32>
    %concatenate3A = tpu.concatenate %get3A_10, %get3A_15 in 1 : vector<10000x64xf32>, vector<10000x64xf32> -> vector<10000x128xf32>
    %div3A = vector.broadcast %select_n3A : vector<10000x1xf32> to vector<10000x128xf32>
    %div3A_16 = arith.divf %concatenate3A, %div3A : vector<10000x128xf32>
    %swap3A = arith.constant 0 : index
    %swap3A_17 = arith.constant 0 : index
    %swap3A_18 = vector.load %arg2[%swap3A, %swap3A_17] : memref<10000x128xf32, #tpu.memory_space<vmem>>, vector<10000x128xf32>
    tpu.vector_store %arg2[%swap3A, %swap3A_17], %div3A_16 {strides = array<i32>} : memref<10000x128xf32, #tpu.memory_space<vmem>>, vector<10000x128xf32>,
    return
  }
}

</mosaic_0001>

<sc_bundles>
// kernel: kernel.5.cloned.1.call-start
scs
__scs_entry_jumppad:
0x0: {  	(pc) =	sbr.rel $0x88, $3  }
0x1: {  	(tag) =	ssettag $0x0;
	lr =	simm.s32 $0x1  }
0x2: {  	[smem:$0x3F9B] =	sst lr;
	_ =	strace $0xD0000000  }
0x3: {  	_ = 	snop  }
0x4: {  	_ = 	snop  }
0x5: {  	_ = 	snop  }
0x6: {  	_ = 	snop  }
0x7: {  	_ = 	snop  }
__scs_overlays_trampoline_lowered:
0x8: {  	[smem:$0x3FAA] =	sst s0  }
0x9: {  	[smem:$0x3FAB] =	sst s1  }
0xa: {  	[smem:$0x3FAC] =	sst s2  }
0xb: {  	[smem:$0x3FAD] =	sst s3  }
0xc: {  	[smem:$0x3FAE] =	sst s4  }
0xd: {  	[smem:$0x3FAF] =	sst s5  }
0xe: {  	[smem:$0x3FB0] =	sst s6  }
0xf: {  	[smem:$0x3FB1] =	sst s7  }
0x10: {  	[smem:$0x3FB2] =	sst s8  }
0x11: {  	[smem:$0x3FB3] =	sst s9;
	s0 =	simm.s32 @!p0 $0x0  }
0x12: {  	s1 =	sld [smem:$0x3F99];
	s0 =	simm.s32 @p0 $0x1  }
0x13: {  	[smem:$0x3FB4] =	sst s0;
	s0 =	simm.s32 @!p1 $0x0  }
0x14: {  	s2 =	sld [smem:$0x3F98];
	s0 =	simm.s32 @p1 $0x1  }
0x15: {  	[smem:$0x3FB5] =	sst s0;
	s0 =	simm.s32 @!p2 $0x0  }
0x16: {  	s3 =	sld [smem:$0x3FDB];
	s0 =	simm.s32 @p2 $0x1  }
0x17: {  	s4 =	simm.s32 $0x1BF5;
	[smem:$0x3FB7] =	sst s0  }
0x18: {  	s0 =	sld [smem:$0x3F9A];
	_ =	swait.ge [sflag:s4], $0x0  }
0x19: {  	s7 =	sld [smem:$0x3F9B]  }
0x1a: {  	s8 =	sadd.s32 $0xFFFFE003, lr  }
0x1b: {  	s9 =	sadd.s32 $0xFFFFFEF7, lr;
	s5 =	simm.s32 $0xFFFFFFFF;
	p2 =	slt.u32 s8, $0xFFFFF086  }
0x1c: {  	p1 =	slt.u32 s9, $0xF7A;
	s5 =	simm.s32 @!p2 $0x0  }
0x1d: {  	s5 =	simm.s32 @p1 $0x1;
	p0 =	seq.s32 s7, s2  }
0x1e: {  	s7 =	smul.u32 @!p0 $0xF7A, s2;
	p2 =	seq.s32 @!p0 s5, $0x0  }
0x1f: {  	s9 =	smul.u32 $0xF7A, s1;
	s8 =	simm.s32 @!p0 $0x1BF5;
	p2 =	por !p2, p0  }
0x20: {  	[sflag:s8] =	ssyncset.s32 @!p0 $0xFFFFF086;
	s6 =	sadd.s32 @!p0 s3, s7;
	s7 =	simm.s32 @!p0 $0x108  }
0x21: {  	s3 =	sadd.s32 s3, s9;
	s6 =	sadd.s32 @!p0 $0x88, s6;
	s7 =	simm.s32 @p2 $0x1082  }
0x22: {  	[simem:s7], [sflag:s8] =	dma.local @!p0 [hbm:s6], $0xF7A  }
0x23: {  	s9 =	sor.u32 $0xD0000000, s2;
	s6 =	simm.s32 $0x108;
	_ =	swait.ge @!p0 [sflag:s8], $0x0  }
0x24: {  	s3 =	sadd.s32 $0x88, s3;
	s6 =	simm.s32 @!p1 $0x1082;
	[sflag:s4] =	ssyncset.s32 $0xFFFFF086  }
0x25: {  	[simem:s6], [sflag:s4] =	dma.local [hbm:s3], $0xF7A  }
0x26: {  	[smem:$0x3F9B] =	sst s1;
	(tag) =	ssettag s2;
	_ =	strace s9  }
0x27: {  	s1 =	sld [smem:$0x3FAB]  }
0x28: {  	s2 =	sld [smem:$0x3FAC]  }
0x29: {  	s4 =	sld [smem:$0x3FAE]  }
0x2a: {  	p0 =	seq.s32 s5, $0x0;
	s5 =	sld [smem:$0x3FAF]  }
0x2b: {  	s6 =	sld [smem:$0x3FB0]  }
0x2c: {  	s7 =	sld [smem:$0x3FB1]  }
0x2d: {  	s3 =	simm.s32 $0x108;
	s8 =	sld [smem:$0x3FB2]  }
0x2e: {  	s3 =	simm.s32 @!p0 $0x1082;
	s9 =	sld [smem:$0x3FB3]  }
0x2f: {  	lr =	sadd.s32 s0, s3;
	s0 =	sld [smem:$0x3FAA]  }
0x30: {  	s3 =	sld [smem:$0x3FAD]  }
0x31: {  	[smem:$0x3FB6] =	sst s10  }
0x32: {  	s10 =	sld [smem:$0x3FB4];
	_ =	sdelay $0x3  }
0x33: {  	p0 =	seq.s32 s10, $0x1;
	s10 =	sld [smem:$0x3FB6];
	_ =	sdelay $0x3  }
0x34: {  	[smem:$0x3FB6] =	sst s10  }
0x35: {  	s10 =	sld [smem:$0x3FB5];
	_ =	sdelay $0x3  }
0x36: {  	p1 =	seq.s32 s10, $0x1;
	s10 =	sld [smem:$0x3FB6];
	_ =	sdelay $0x3  }
0x37: {  	[smem:$0x3FB6] =	sst s10  }
0x38: {  	s10 =	sld [smem:$0x3FB7]  }
0x39: {  	_ = 	snop;
	(pc) =	sbr.ind lr, $3  }
0x3a: {  	_ = 	snop  }
0x3b: {  	_ = 	snop  }
0x3c: {  	p2 =	seq.s32 s10, $0x1;
	s10 =	sld [smem:$0x3FB6]  }
0x3d: {  	_ =	shalt  }
0x3e: {  	_ =	shalt  }
0x3f: {  	_ =	shalt  }
0x40: {  	_ =	shalt  }
0x41: {  	_ =	shalt  }
0x42: {  	_ =	shalt  }
0x43: {  	_ =	shalt  }
0x44: {  	_ =	shalt  }
0x45: {  	_ =	shalt  }
0x46: {  	_ =	shalt  }
0x47: {  	_ =	shalt  }
0x48: {  	_ =	shalt  }
0x49: {  	_ =	shalt  }
0x4a: {  	_ =	shalt  }
0x4b: {  	_ =	shalt  }
0x4c: {  	_ =	shalt  }
0x4d: {  	_ =	shalt  }
0x4e: {  	_ =	shalt  }
0x4f: {  	_ =	shalt  }
0x50: {  	_ =	shalt  }
0x51: {  	_ =	shalt  }
0x52: {  	_ =	shalt  }
0x53: {  	_ =	shalt  }
0x54: {  	_ =	shalt  }
0x55: {  	_ =	shalt  }
0x56: {  	_ =	shalt  }
0x57: {  	_ =	shalt  }
0x58: {  	_ =	shalt  }
0x59: {  	_ =	shalt  }
0x5a: {  	_ =	shalt  }
0x5b: {  	_ =	shalt  }
0x5c: {  	_ =	shalt  }
0x5d: {  	_ =	shalt  }
0x5e: {  	_ =	shalt  }
0x5f: {  	_ =	shalt  }
0x60: {  	_ =	shalt  }
0x61: {  	_ =	shalt  }
0x62: {  	_ =	shalt  }
0x63: {  	_ =	shalt  }
0x64: {  	_ =	shalt  }
0x65: {  	_ =	shalt  }
0x66: {  	_ =	shalt  }
0x67: {  	_ =	shalt  }
0x68: {  	_ =	shalt  }
0x69: {  	_ =	shalt  }
0x6a: {  	_ =	shalt  }
0x6b: {  	_ =	shalt  }
0x6c: {  	_ =	shalt  }
0x6d: {  	_ =	shalt  }
0x6e: {  	_ =	shalt  }
0x6f: {  	_ =	shalt  }
0x70: {  	_ =	shalt  }
0x71: {  	_ =	shalt  }
0x72: {  	_ =	shalt  }
0x73: {  	_ =	shalt  }
0x74: {  	_ =	shalt  }
0x75: {  	_ =	shalt  }
0x76: {  	_ =	shalt  }
0x77: {  	_ =	shalt  }
0x78: {  	_ =	shalt  }
0x79: {  	_ =	shalt  }
0x7a: {  	_ =	shalt  }
0x7b: {  	_ =	shalt  }
0x7c: {  	_ =	shalt  }
0x7d: {  	_ =	shalt  }
0x7e: {  	_ =	shalt  }
0x7f: {  	_ =	shalt  }
0x80: {  	_ =	shalt  }
0x81: {  	_ =	shalt  }
0x82: {  	_ =	shalt  }
0x83: {  	_ =	shalt  }
0x84: {  	_ =	shalt  }
0x85: {  	_ =	shalt  }
0x86: {  	_ =	shalt  }
0x87: {  	_ =	shalt  }
.Lfunc_end0:
.L_simem_size_0:
called_computation_lowered:
.L_overlay_start_0:
0x88: {  	s2 =	sld [smem:$0x3FD9]  }
0x89: {  	s3 =	sld [smem:$0x3FFE];
	_ =	sdelay $0x1  }
0x8a: {  	s1 =	srdreg.scid  }
0x8b: {  	s0 =	sand.u32 $0x1, s1  }
0x8c: {  	s17 =	sshll.u32 s0, $0xA;
	s2 =	sadd.s32 s3, s2  }
0x8d: {  	s2 =	sadd.s32 s2, s17  }
0x8e: {  	[smem:$0x3FC2] =	sst s2  }
0x8f: {  	_ = 	snop  }
0x90: {  	s2 =	sld [smem:$0x3FD0];
	(tm) =	ssettm $0x1  }
0x91: {  	s18 =	sld [smem:$0x3FFB];
	_ =	sdelay $0x3  }
0x92: {  	_ =	strace s18  }
0x93: {  	s3 =	sld [smem:$0x3FFC];
	_ =	sdelay $0x3  }
0x94: {  	_ =	strace s3  }
0x95: {  	s3 =	sld [smem:$0x3FFD];
	_ =	sdelay $0x3  }
0x96: {  	_ =	strace s3  }
0x97: {  	_ =	strace $0x8FFFFFFF  }
0x98: {  	s19 =	sld [smem:$0x3FDB];
	_ =	sdelay $0x1  }
0x99: {  	s4 =	simm.s32 $_scs_section_size  }
0x9a: {  	s5 =	simm.s32 $_size__tile_overlayer_lowered;
	s6 =	simm.s32 $_tile_overlayer_lowered  }
0x9b: {  	s22 =	simm.s32 $0x1BFF;
	s21 =	sshll.u32 s6, $0x1;
	s3 =	sadd.s32 s4, s19  }
0x9c: {  	s7 =	simm.s32 $0x0;
	s20 =	sshll.u32 s5, $0x1;
	s5 =	sadd.s32 s21, s3  }
0x9d: {  	[timem:s7], [sflag:s22] =	dma.local [hbm:s5], s20  }
0x9e: {  	_ =	swait.ge [sflag:s22], s20  }
0x9f: {  	s4 =	ssub.s32 $0x0, s20;
	[sflag:s22] =	ssyncset.done $0x0  }
0xa0: {  	[sflag:s22] =	ssyncadd.s32 s4;
	_ =	sdelay $0x1  }
0xa1: {  	s23 =	simm.s32 $0x1B8B  }
0xa2: {  	_ =	swait.ge [sflag:s23], $0x1  }
0xa3: {  	[sflag:s23] =	ssyncset.done $0x0  }
0xa4: {  	s25 =	simm.s32 $0x1B8E;
	s24 =	sld [smem:$0x3FFE];
	[sflag:s23] =	ssyncadd.s32 $0xFFFFFFFF  }
0xa5: {  	s26 =	simm.s32 $execute0_lowered;
	[smem:$0x3FD2] =	sst s25  }
0xa6: {  	s5 =	sshll.u32 s26, $0x1;
	_ =	strace $0x80000046;
	[dreg:$0x1] =	wrdreg $0xFFFFFFFF  }
0xa7: {  	s28 =	simm.s32 $_size_execute0_lowered;
	s3 =	sadd.s32 s3, s5;
	[dreg:$0x0] =	wrdreg $0x0  }
0xa8: {  	s5 =	sshll.u32 s28, $0x1;
	[dreg:$0x2] =	wrdreg s3  }
0xa9: {  	[dreg:$0x3] =	wrdreg s5  }
0xaa: {  	[dreg:$0x4] =	wrdreg $0xC0  }
0xab: {  	_ =	task [dreg:s7], $0x5FFFF  }
0xac: {  	[dreg:$0x1] =	wrdreg $0xFFFFFFFF  }
0xad: {  	[dreg:$0x0] =	wrdreg $0x60  }
0xae: {  	[dreg:$0x2] =	wrdreg s24  }
0xaf: {  	[dreg:$0x3] =	wrdreg s2  }
0xb0: {  	[dreg:$0x4] =	wrdreg $0xDE400  }
0xb1: {  	[dreg:$0x5] =	wrdreg $0x9  }
0xb2: {  	_ =	task.clear_ibuf [dreg:s7], $0x6FFFF;
	_ =	strace $0x90000046  }
0xb3: {  	s29 =	simm.s32 $0x9;
	_ =	strace $0x80000048  }
0xb4: {  	_ =	swait.ge [sflag:s29], $0x1  }
0xb5: {  	[sflag:s29] =	ssyncadd.s32 $0xFFFFFFFF  }
0xb6: {  	_ =	strace $0x90000048  }
0xb7: {  	_ =	sfence  }
0xb8: {  	s30 =	sld [smem:$0x0];
	_ =	sdelay $0x2  }
0xb9: {  	s31 =	sshll.u32 s1, $0xD;
	s1 =	sshrl.u32 s1, $0x2  }
0xba: {  	s3 =	sand.u32 $0x4000, s31;
	s1 =	sadd.s32 s1, s30  }
0xbb: {  	s0 =	sor.u32 s3, s0;
	s1 =	sshll.u32 s1, $0x11  }
0xbc: {  	s0 =	sor.u32 s1, s0  }
0xbd: {  	s0 =	sadd.s32 $0x8F2B, s0  }
0xbe: {  	[sflag:s0] =	ssyncadd.remote.s32 $0x1  }
0xbf: {  	_ =	sfence.sel $0xFFFF  }
0xc0: {  	[dreg:$0x0] =	wrdreg $0xFFFFFFFF;
	(pc) =	sbr.abs _section_cstart, $3  }
0xc1: {  	[dreg:$0x1] =	wrdreg $0xFFFFFFFF  }
0xc2: {  	_ =	task.clear_ibuf [dreg:s7], $0x2FFFF;
	_ =	strace $0x9FFFFFFF  }
0xc3: {  	(tm) =	ssettm $0x7FFFFFFF  }
tec
execute0_lowered:
.L_overlay_start_1:
0x0: {  	(tag) =	ssettag $0x1  }
0x1: {  	s0 =	rddreg [dreg:$0x0]  }
0x2: {  	s3 =	rddreg [dreg:$0x1]  }
0x3: {  	s1 =	rddreg [dreg:$0x2]  }
0x4: {  	s2 =	simm.s32 $0x0;
	s14 =	stileid.u32;
	s6 =	srdreg.scid  }
0x5: {  	s28 =	simm.s32 $0x4E20;
	[smem:$0x7FF] =	sst s2;
	s4 =	sadd.s32 $0xAC00, s0  }
0x6: {  	s5 =	sadd.s32 $0xE00, s0;
	s7 =	sadd.s32 $0x800, s0;
	s25 =	smul.u32 $0x4E2, s14  }
0x7: {  	s6 =	sand.u32 $0x1, s6;
	s8 =	sadd.s32 $0x200, s0;
	s9 =	smul.u32 $0x27000, s14  }
0x8: {  	s10 =	sadd.s32 $0x14A00, s0;
	_ =	strace $0x80000047;
	[dreg:$0x4] =	wrdreg s7  }
0x9: {  	s12 =	smul.u32 $0x9C00, s14;
	p1 =	sne.s32 s14, $0xF;
	[dreg:$0x5] =	wrdreg s8  }
0xa: {  	s26 =	ssub.s32 $0x2, s6;
	s18 =	smul.u32 $0x9C400, s6;
	s13 =	sshrl.u32 s9, $0x2  }
0xb: {  	s7 =	sadd.s32 s25, s0;
	s17 =	sadd.s32 s12, s1;
	s0 =	sadd.s32 s13, s1  }
0xc: {  	p0 =	sne.s32 s6, $0x0;
	[dreg:$0x6] =	wrdreg s17;
	s15 =	sadd.s32 $0x1400, s0  }
0xd: {  	s11 =	sshrl.u32 s26, $0x1;
	s16 =	sadd.s32 $0x2800, s0;
	[dreg:$0x7] =	wrdreg s15  }
0xe: {  	s9 =	smul.u32 $0x4E20, s14;
	s13 =	sadd.s32 $0x3C00, s0;
	[dreg:$0x8] =	wrdreg s16  }
0xf: {  	s14 =	simm.s32 $0xDC60;
	s19 =	sadd.s32 $0x5000, s0;
	[dreg:$0x9] =	wrdreg s13  }
0x10: {  	s8 =	ssub.s32 s26, s11;
	s20 =	sadd.s32 $0x6400, s0;
	[dreg:$0xa] =	wrdreg s19  }
0x11: {  	s22 =	sadd.s32 s12, s18;
	s21 =	sadd.s32 $0x7800, s0;
	[dreg:$0xb] =	wrdreg s20  }
0x12: {  	s11 =	sshrl.u32 s18, $0x3;
	s0 =	sadd.s32 $0x8C00, s0;
	[dreg:$0xc] =	wrdreg s21  }
0x13: {  	s23 =	sshrl.u32 s9, $0x3;
	[dreg:$0xd] =	wrdreg s0;
	s0 =	sshrl.u32 s22, $0x3  }
0x14: {  	s24 =	sadd.s32 $0xA, s23;
	s25 =	sadd.s32 $0x14, s23;
	s13 =	sadd.s32 s4, s23  }
0x15: {  	s15 =	sadd.s32 $0x1E, s23;
	s18 =	sadd.s32 s5, s23;
	[dreg:$0x13] =	wrdreg s13  }
0x16: {  	s19 =	sadd.s32 $0x28, s23;
	s23 =	sadd.s32 $0x2D0, s9;
	[dreg:$0x14] =	wrdreg s18  }
0x17: {  	s12 =	simm.s32 $0x2710;
	s0 =	sadd.s32 s10, s0;
	[dreg:$0x19] =	wrdreg s23  }
0x18: {  	s29 =	sadd.s32 $0x190, s9;
	s26 =	sadd.s32 s4, s24;
	[dreg:$0xe] =	wrdreg s0  }
0x19: {  	s16 =	sadd.s32 s3, s11;
	s6 =	sadd.s32 s5, s24;
	[dreg:$0xf] =	wrdreg s26  }
0x1a: {  	s10 =	sadd.s32 s10, s11;
	s11 =	sadd.s32 s4, s25;
	[dreg:$0x10] =	wrdreg s6  }
0x1b: {  	s30 =	sadd.s32 $0x1E0, s9;
	s20 =	sadd.s32 s4, s15;
	[dreg:$0x11] =	wrdreg s11  }
0x1c: {  	s31 =	sadd.s32 $0x230, s9;
	s21 =	sadd.s32 s4, s19;
	[dreg:$0x15] =	wrdreg s20  }
0x1d: {  	s22 =	sadd.s32 s5, s19;
	s19 =	simm.s32 $0x50;
	[dreg:$0x17] =	wrdreg s21  }
0x1e: {  	s18 =	simm.s32 $0x7;
	s0 =	sadd.s32 s5, s25;
	[dreg:$0x18] =	wrdreg s22  }
0x1f: {  	s24 =	sadd.s32 $0x13800, s10;
	s25 =	sadd.s32 $0x3BC00, s7;
	s26 =	smax.u32 s8, $0x1  }
0x20: {  	s20 =	sadd.s32 $0x9C000, s1;
	s21 =	simm.s32 $0x10;
	s6 =	simm.s32 $0x7540  }
0x21: {  	s8 =	simm.s32 $0x5;
	s10 =	simm.s32 $0xC590;
	[dreg:$0x12] =	wrdreg s0  }
.Ltmp0:
0x22: {  	s22 =	simm.s32 $0x8;
	[dreg:$0x1a] =	wrdreg s24;
	(pc) =	sbr.rel .LBB2_1-.Ltmp0, $4  }
0x23: {  	s7 =	simm.s32 $0x9;
	s11 =	simm.s32 $0x0;
	[dreg:$0x1b] =	wrdreg s25  }
0x24: {  	s0 =	sadd.s32 s5, s15;
	[dreg:$0x1c] =	wrdreg s26;
	s24 =	simm.s32 $0x4  }
0x25: {  	s25 =	simm.s32 $0xB190;
	s26 =	simm.s32 $0x6;
	[dreg:$0x1d] =	wrdreg s20  }
0x26: {  	v0 =	vimm.f32 $0.0e+00;
	s15 =	simm.s32 $0xA;
	[dreg:$0x16] =	wrdreg s0;
	s0 =	sadd.s32 $0x280, s9  }
.LBB2_18:
0x27: {  	s3 =	simm.s32 $0xB  }
0x28: {  	_ =	swait.ge [sflag:s3], $0x1400  }
0x29: {  	[sflag:s3] =	ssyncset.done $0x0  }
0x2a: {  	s20 =	simm.s32 $0xC;
	[sflag:s3] =	ssyncadd.s32 $0xFFFFEC00  }
0x2b: {  	_ =	swait.ge [sflag:s20], $0x1400  }
0x2c: {  	[sflag:s20] =	ssyncset.done $0x0  }
0x2d: {  	s21 =	simm.s32 $0xD;
	[sflag:s20] =	ssyncadd.s32 $0xFFFFEC00  }
0x2e: {  	_ =	swait.ge [sflag:s21], $0x1400  }
0x2f: {  	[sflag:s21] =	ssyncset.done $0x0  }
0x30: {  	s23 =	simm.s32 $0xE;
	[sflag:s21] =	ssyncadd.s32 $0xFFFFEC00  }
0x31: {  	_ =	swait.ge [sflag:s23], $0x1400  }
0x32: {  	[sflag:s23] =	ssyncset.done $0x0  }
0x33: {  	s9 =	simm.s32 $0xF;
	[sflag:s23] =	ssyncadd.s32 $0xFFFFEC00  }
0x34: {  	_ =	swait.ge [sflag:s9], $0x1400  }
0x35: {  	[sflag:s9] =	ssyncset.done $0x0  }
0x36: {  	s11 =	stileid.u32;
	[sflag:s9] =	ssyncadd.s32 $0xFFFFEC00  }
0x37: {  	s3 =	sshll.u32 s11, $0x6;
	[bflag:$0x0] =	sbarrier.arrive $0xFFFF  }
0x38: {  	s3 =	sor.u32 $0x1C10, s3;
	s17 =	rddreg [dreg:$0x6]  }
0x39: {  	s21 =	simm.s32 $0x10;
	s11 =	rddreg [dreg:$0xe];
	s9 =	sshrl.u32 s17, $0x3  }
0x3a: {  	[hbm:s11], [sflag:s3] =	dma.local [spmem:s9], $0x1380  }
0x3b: {  	_ =	swait.ge [sflag:s21], $0x1380  }
0x3c: {  	[sflag:s21] =	ssyncset.done $0x0;
	s20 =	rddreg [dreg:$0x1d]  }
0x3d: {  	s11 =	rddreg [dreg:$0x1a];
	[sflag:s21] =	ssyncadd.s32 $0xFFFFEC80;
	s9 =	sshrl.u32 @!p1 s20, $0x3  }
0x3e: {  	[hbm:s11], [sflag:s3] =	dma.local @!p1 [spmem:s9], $0x80  }
0x3f: {  	s3 =	simm.s32 @!p1 $0x10  }
0x40: {  	_ =	swait.ge @!p1 [sflag:s3], $0x80  }
0x41: {  	s9 =	simm.s32 @!p0 $0x4E20;
	[sflag:s3] =	ssyncset.done @!p1 $0x0  }
0x42: {  	s11 =	rddreg [dreg:$0x1b];
	[sflag:s3] =	ssyncadd.s32 @!p1 $0xFFFFFF80;
	s3 =	simm.s32 @!p0 $0x0  }
0x43: {  	[hbm4b:s11+s3] =	stream.linear.scatter @!p0 [tilespmem:s9], [sflag:$0x10], $0x2710, $0x38;
	[tilespmem:$0x17AA0] =	vst v63  }
0x44: {  	s3 =	simm.s32 @!p0 $0x10  }
0x45: {  	_ =	swait.ge @!p0 [sflag:s3], $0x2710  }
0x46: {  	s13 =	rddreg [dreg:$0x1e]  }
0x47: {  	s23 =	rddreg [dreg:$0x1c];
	s11 =	sadd.s32 $0x1, s13  }
0x48: {  	p2 =	sne.s32 s11, s23  }
.Ltmp1:
0x49: {  	_ = 	snop;
	(pc) =	sbr.rel @!p2 .LBB2_19-.Ltmp1, $3  }
0x4a: {  	_ =	sdelay $0x1  }
0x4b: {  	[sflag:s3] =	ssyncset.done @!p0 $0x0  }
0x4c: {  	[sflag:s3] =	ssyncadd.s32 @!p0 $0xFFFFD8F0  }
.LBB2_1:
0x4d: {  	[dreg:$0x1e] =	wrdreg s11  }
0x4e: {  	s3 =	rddreg [dreg:$0x4]  }
0x4f: {  	[tilespmem:s2], [sflag:$0x10] =	stream.linear.gather [hbm4b:s3+s2], $0x2710, $0x38;
	[tilespmem:$0x17AA0] =	vst v63  }
0x50: {  	_ =	swait.ge [sflag:s21], $0x2710  }
0x51: {  	[sflag:s21] =	ssyncset.done $0x0  }
0x52: {  	s23 =	rddreg [dreg:$0x5];
	[sflag:s21] =	ssyncadd.s32 $0xFFFFD8F0  }
0x53: {  	[tilespmem:s12], [sflag:$0x10] =	stream.linear.gather [hbm4b:s23+s2], $0x2710, $0x38;
	[tilespmem:$0x17AA0] =	vst v63  }
0x54: {  	_ =	swait.ge [sflag:s21], $0x2710  }
0x55: {  	[sflag:s21] =	ssyncset.done $0x0  }
0x56: {  	s9 =	simm.s32 $0x0;
	[sflag:s21] =	ssyncadd.s32 $0xFFFFD8F0  }
.LBB2_2:
0x57: {  	p2 =	sne.s32 s9, $0x9C40  }
.Ltmp2:
0x58: {  	_ = 	snop;
	(pc) =	sbr.rel @p2 .LBB2_2-.Ltmp2, $3  }
0x59: {  	_ =	sdelay $0x1  }
0x5a: {  	s11 =	sshra.s32 s9, $0x2  }
0x5b: {  	s9 =	sadd.s32 $0x40, s9;
	[tilespmem:s11+$0x4E20] =	vst v0  }
0x5c: {  	s9 =	simm.s32 $0x100;
	s11 =	simm.s32 $0x0  }
.LBB2_4:
0x5d: {  	p2 =	sne.s32 s9, $0x4F00;
	[tilespmem:s11+$0x75C0] =	vst v0;
	s13 =	smov.u32 s9;
	s9 =	sadd.s32 $0x100, s9  }
.Ltmp3:
0x5e: {  	[tilespmem:s11+$0x75B0] =	vst v0;
	(pc) =	sbr.rel @p2 .LBB2_4-.Ltmp3, $3  }
0x5f: {  	[tilespmem:s11+$0x7590] =	vst v0  }
0x60: {  	[tilespmem:s11+$0x75A0] =	vst v0;
	_ =	sdelay $0x1  }
0x61: {  	s11 =	sshra.s32 s13, $0x2  }
0x62: {  	[tilespmem:s11+$0x75C0] =	vst v0  }
0x63: {  	[tilespmem:s11+$0x75B0] =	vst v0  }
0x64: {  	[tilespmem:s11+$0x7590] =	vst v0  }
0x65: {  	[tilespmem:s11+$0x75A0] =	vst v0;
	s11 =	simm.s32 $0x7590  }
0x66: {  	[spmem:s17] =	stream.linear.scatter [tilespmem:s11], [sflag:$0x10], $0x1400, $0x38;
	[tilespmem:$0x17AA0] =	vst v63  }
0x67: {  	_ =	swait.ge [sflag:s21], $0x1400  }
0x68: {  	[sflag:s21] =	ssyncset.done $0x0  }
0x69: {  	s3 =	rddreg [dreg:$0x7];
	[sflag:s21] =	ssyncadd.s32 $0xFFFFEC00  }
0x6a: {  	[spmem:s3] =	stream.linear.scatter [tilespmem:s11], [sflag:$0x10], $0x1400, $0x38;
	[tilespmem:$0x17AA0] =	vst v63  }
0x6b: {  	_ =	swait.ge [sflag:s21], $0x1400  }
0x6c: {  	[sflag:s21] =	ssyncset.done $0x0  }
0x6d: {  	s17 =	rddreg [dreg:$0x8];
	[sflag:s21] =	ssyncadd.s32 $0xFFFFEC00  }
0x6e: {  	[spmem:s17] =	stream.linear.scatter [tilespmem:s11], [sflag:$0x10], $0x1400, $0x38;
	[tilespmem:$0x17AA0] =	vst v63  }
0x6f: {  	_ =	swait.ge [sflag:s21], $0x1400  }
0x70: {  	[sflag:s21] =	ssyncset.done $0x0  }
0x71: {  	s23 =	rddreg [dreg:$0x9];
	[sflag:s21] =	ssyncadd.s32 $0xFFFFEC00  }
0x72: {  	[spmem:s23] =	stream.linear.scatter [tilespmem:s11], [sflag:$0x10], $0x1400, $0x38;
	[tilespmem:$0x17AA0] =	vst v63  }
0x73: {  	_ =	swait.ge [sflag:s21], $0x1400  }
0x74: {  	[sflag:s21] =	ssyncset.done $0x0  }
0x75: {  	s9 =	rddreg [dreg:$0xa];
	[sflag:s21] =	ssyncadd.s32 $0xFFFFEC00  }
0x76: {  	[spmem:s9] =	stream.linear.scatter [tilespmem:s11], [sflag:$0x10], $0x1400, $0x38;
	[tilespmem:$0x17AA0] =	vst v63  }
0x77: {  	_ =	swait.ge [sflag:s21], $0x1400  }
0x78: {  	[sflag:s21] =	ssyncset.done $0x0  }
0x79: {  	s13 =	rddreg [dreg:$0xb];
	[sflag:s21] =	ssyncadd.s32 $0xFFFFEC00  }
0x7a: {  	[spmem:s13] =	stream.linear.scatter [tilespmem:s11], [sflag:$0x10], $0x1400, $0x38;
	[tilespmem:$0x17AA0] =	vst v63  }
0x7b: {  	_ =	swait.ge [sflag:s21], $0x1400  }
0x7c: {  	[sflag:s21] =	ssyncset.done $0x0  }
0x7d: {  	s17 =	rddreg [dreg:$0xc];
	[sflag:s21] =	ssyncadd.s32 $0xFFFFEC00  }
0x7e: {  	[spmem:s17] =	stream.linear.scatter [tilespmem:s11], [sflag:$0x10], $0x1400, $0x38;
	[tilespmem:$0x17AA0] =	vst v63  }
0x7f: {  	_ =	swait.ge [sflag:s21], $0x1400  }
0x80: {  	[sflag:s21] =	ssyncset.done $0x0  }
0x81: {  	s23 =	rddreg [dreg:$0xd];
	[sflag:s21] =	ssyncadd.s32 $0xFFFFEC00  }
0x82: {  	[spmem:s23] =	stream.linear.scatter [tilespmem:s11], [sflag:$0x10], $0x1000, $0x38;
	[tilespmem:$0x17AA0] =	vst v63  }
0x83: {  	_ =	swait.ge [sflag:s21], $0x1000  }
0x84: {  	[sflag:s21] =	ssyncset.done $0x0  }
0x85: {  	s9 =	simm.s32 @!p1 $0x7590;
	[sflag:s21] =	ssyncadd.s32 $0xFFFFF000  }
0x86: {  	[spmem:s20] =	stream.linear.scatter @!p1 [tilespmem:s9], [sflag:$0x10], $0x600, $0x38;
	[tilespmem:$0x17AA0] =	vst v63  }
0x87: {  	s9 =	simm.s32 @!p1 $0x10  }
0x88: {  	_ =	swait.ge @!p1 [sflag:s9], $0x600  }
0x89: {  	[sflag:s9] =	ssyncset.done @!p1 $0x0  }
0x8a: {  	[sflag:s9] =	ssyncadd.s32 @!p1 $0xFFFFFA00  }
0x8b: {  	[bflag:$0x0] =	sbarrier.arrive $0xFFFF  }
0x8c: {  	s13 =	simm.s32 $0xD990;
	s20 =	simm.s32 $0x0;
	s9 =	rddreg [dreg:$0x13]  }
0x8d: {  	[tilespmem:s13], [sflag:$0x1] =	stream.linear.gather [hbm4b:s9+s20], $0x50, $0x38;
	[tilespmem:$0x17AA0] =	vst v63  }
0x8e: {  	s17 =	rddreg [dreg:$0x14];
	s9 =	simm.s32 $0xDB20  }
0x8f: {  	[tilespmem:s9], [sflag:$0x1] =	stream.linear.gather [hbm4b:s17+s20], $0x50, $0x38;
	[tilespmem:$0x17AA0] =	vst v63  }
0x90: {  	s21 =	rddreg [dreg:$0xf];
	s13 =	simm.s32 $0xD9E0  }
0x91: {  	[tilespmem:s13], [sflag:$0x2] =	stream.linear.gather [hbm4b:s21+s20], $0x50, $0x38;
	[tilespmem:$0x17AA0] =	vst v63  }
0x92: {  	s23 =	rddreg [dreg:$0x10];
	s13 =	simm.s32 $0xDB70  }
0x93: {  	[tilespmem:s13], [sflag:$0x2] =	stream.linear.gather [hbm4b:s23+s20], $0x50, $0x38;
	[tilespmem:$0x17AA0] =	vst v63  }
0x94: {  	s17 =	rddreg [dreg:$0x11];
	s21 =	simm.s32 $0xDA30  }
0x95: {  	[tilespmem:s21], [sflag:$0x3] =	stream.linear.gather [hbm4b:s17+s20], $0x50, $0x38;
	[tilespmem:$0x17AA0] =	vst v63  }
0x96: {  	s23 =	rddreg [dreg:$0x12];
	s17 =	simm.s32 $0xDBC0  }
0x97: {  	[tilespmem:s17], [sflag:$0x3] =	stream.linear.gather [hbm4b:s23+s20], $0x50, $0x38;
	[tilespmem:$0x17AA0] =	vst v63  }
0x98: {  	s21 =	rddreg [dreg:$0x15];
	s23 =	simm.s32 $0xDA80  }
0x99: {  	[tilespmem:s23], [sflag:$0x4] =	stream.linear.gather [hbm4b:s21+s20], $0x50, $0x38;
	[tilespmem:$0x17AA0] =	vst v63  }
0x9a: {  	s21 =	rddreg [dreg:$0x16];
	s23 =	simm.s32 $0xDC10  }
0x9b: {  	[tilespmem:s23], [sflag:$0x4] =	stream.linear.gather [hbm4b:s21+s20], $0x50, $0x38;
	[tilespmem:$0x17AA0] =	vst v63  }
0x9c: {  	s21 =	rddreg [dreg:$0x17];
	s23 =	simm.s32 $0xDAD0  }
0x9d: {  	[tilespmem:s23], [sflag:$0x5] =	stream.linear.gather [hbm4b:s21+s20], $0x50, $0x38;
	[tilespmem:$0x17AA0] =	vst v63  }
0x9e: {  	s21 =	rddreg [dreg:$0x18];
	s23 =	simm.s32 $0x1  }
0x9f: {  	[tilespmem:s14], [sflag:$0x5] =	stream.linear.gather [hbm4b:s21+s20], $0x50, $0x38;
	[tilespmem:$0x17AA0] =	vst v63  }
0xa0: {  	_ =	swait.ge [sflag:s23], $0x50  }
0xa1: {  	[sflag:s23] =	ssyncset.done $0x0  }
0xa2: {  	[sflag:s23] =	ssyncadd.s32 $0xFFFFFFB0  }
0xa3: {  	_ =	swait.ge [sflag:s23], $0x50  }
0xa4: {  	[sflag:s23] =	ssyncset.done $0x0  }
0xa5: {  	[sflag:s23] =	ssyncadd.s32 $0xFFFFFFB0  }
0xa6: {  	[tilespmem:s11], [sflag:$0x6] =	stream.indirect.gather [hbm4b:s16+s19], $0x40, s9, s19, $0xb8;
	[tilespmem:$0x17AA0] =	vst v63  }
0xa7: {  	s9 =	simm.s32 $0x2  }
0xa8: {  	_ =	swait.ge [sflag:s9], $0x50  }
0xa9: {  	[sflag:s9] =	ssyncset.done $0x0  }
0xaa: {  	[sflag:s9] =	ssyncadd.s32 $0xFFFFFFB0  }
0xab: {  	_ =	swait.ge [sflag:s9], $0x50  }
0xac: {  	[sflag:s9] =	ssyncset.done $0x0  }
0xad: {  	s21 =	simm.s32 $0x3;
	s11 =	simm.s32 $0x8990;
	[sflag:s9] =	ssyncadd.s32 $0xFFFFFFB0  }
0xae: {  	[tilespmem:s11], [sflag:$0x7] =	stream.indirect.gather [hbm4b:s16+s19], $0x40, s13, s19, $0xb8;
	[tilespmem:$0x17AA0] =	vst v63  }
0xaf: {  	_ =	swait.ge [sflag:s21], $0x50  }
0xb0: {  	[sflag:s21] =	ssyncset.done $0x0  }
0xb1: {  	[sflag:s21] =	ssyncadd.s32 $0xFFFFFFB0  }
0xb2: {  	_ =	swait.ge [sflag:s21], $0x50  }
0xb3: {  	[sflag:s21] =	ssyncset.done $0x0  }
0xb4: {  	s23 =	simm.s32 $0x9D90;
	s11 =	simm.s32 $0x0;
	[sflag:s21] =	ssyncadd.s32 $0xFFFFFFB0  }
0xb5: {  	[tilespmem:s23], [sflag:$0x8] =	stream.indirect.gather [hbm4b:s16+s19], $0x40, s17, s19, $0xb8;
	[tilespmem:$0x17AA0] =	vst v63  }
.LBB2_6:
0xb6: {  	s21 =	smul.u32 $0x5, s11;
	_ =	sdelay $0x1  }
0xb7: {  	s9 =	sadd.s32 $0xFFFFFFFE, s21  }
0xb8: {  	p2 =	sgt.u32 s9, $0xF4  }
0xb9: {  	s9 =	simm.s32 @!p2 $0xE  }
0xba: {  	_ =	swait.ge @!p2 [sflag:s9], $0x1400  }
0xbb: {  	[sflag:s9] =	ssyncset.done @!p2 $0x0  }
0xbc: {  	[sflag:s9] =	ssyncadd.s32 @!p2 $0xFFFFEC00  }
0xbd: {  	_ =	swait.ge [sflag:s24], $0x50  }
0xbe: {  	[sflag:s24] =	ssyncset.done $0x0  }
0xbf: {  	[sflag:s24] =	ssyncadd.s32 $0xFFFFFFB0  }
0xc0: {  	_ =	swait.ge [sflag:s24], $0x50  }
0xc1: {  	[sflag:s24] =	ssyncset.done $0x0  }
0xc2: {  	s3 =	simm.s32 $0xDC10;
	[sflag:s24] =	ssyncadd.s32 $0xFFFFFFB0  }
0xc3: {  	[tilespmem:s25], [sflag:$0x9] =	stream.indirect.gather [hbm4b:s16+s19], $0x40, s3, s19, $0xb8;
	[tilespmem:$0x17AA0] =	vst v63  }
0xc4: {  	_ =	swait.ge [sflag:s26], $0x1400  }
0xc5: {  	[sflag:s26] =	ssyncset.done $0x0  }
0xc6: {  	[sflag:s26] =	ssyncadd.s32 $0xFFFFEC00  }
0xc7: {  	v1 =	vld [tilespmem:$0xD990]  }
0xc8: {  	v2 =	vld [tilespmem:$0xDB20];
	_ =	sdelay $0x6  }
0xc9: {  	v3 =	vld.idx.msk [tilespmem:v1+s20+$0x0], $0xffff  }
0xca: {  	v2 =	vld.idx.msk [tilespmem:v2+s12+$0x0], $0xffff;
	_ =	sdelay $0x4  }
0xcb: {  	v2 =	vadd.f32 v2, v3;
	_ =	sdelay $0x1  }
0xcc: {  	v3 =	vmul.f32 $1.442695020e+00, v2;
	_ =	sdelay $0x1  }
0xcd: {  	(erf) = vpow2.f32 v3;
	_ =	sdelay $0x8  }
0xce: {  	v3 =	vpop (erf)  }
0xcf: {  	v3 =	vadd.f32 $-1.000000000e+00, v3;
	_ =	sdelay $0x1  }
0xd0: {  	v3 =	vmul.f32 $1.000000010e-01, v3  }
0xd1: {  	vm0 =	vgt.f32 v2, $0.0e+00  }
0xd2: {  	v2 =	vsel vm0, v2, v3  }
0xd3: {  	v2 =	vmul.f32 $1.442695020e+00, v2;
	_ =	sdelay $0x1  }
0xd4: {  	(erf) = vpow2.f32 v2;
	_ =	sdelay $0x8  }
0xd5: {  	[tilespmem:$0xDCB0] =	vst v1;
	v2 =	vpop (erf)  }
0xd6: {  	[tilespmem:$0x7540] =	vst v2  }
0xd7: {  	[tilespmem:v1+s28+$0x0] =	vst.idx.add.f32.msk $0xffff, v2  }
0xd8: {  	v1 =	vld [tilespmem:$0xD9A0]  }
0xd9: {  	v2 =	vld [tilespmem:$0xDB30];
	_ =	sdelay $0x6  }
0xda: {  	v3 =	vld.idx.msk [tilespmem:v1+s20+$0x0], $0xffff  }
0xdb: {  	v2 =	vld.idx.msk [tilespmem:v2+s12+$0x0], $0xffff;
	_ =	sdelay $0x4  }
0xdc: {  	v2 =	vadd.f32 v2, v3;
	_ =	sdelay $0x1  }
0xdd: {  	v3 =	vmul.f32 $1.442695020e+00, v2;
	_ =	sdelay $0x1  }
0xde: {  	(erf) = vpow2.f32 v3;
	_ =	sdelay $0x8  }
0xdf: {  	v3 =	vpop (erf)  }
0xe0: {  	v3 =	vadd.f32 $-1.000000000e+00, v3;
	_ =	sdelay $0x1  }
0xe1: {  	v3 =	vmul.f32 $1.000000010e-01, v3  }
0xe2: {  	vm12 =	vgt.f32 v2, $0.0e+00  }
0xe3: {  	v2 =	vsel vm12, v2, v3  }
0xe4: {  	v2 =	vmul.f32 $1.442695020e+00, v2;
	_ =	sdelay $0x1  }
0xe5: {  	(erf) = vpow2.f32 v2;
	_ =	sdelay $0x8  }
0xe6: {  	[tilespmem:$0xDCC0] =	vst v1;
	v2 =	vpop (erf)  }
0xe7: {  	[tilespmem:$0x7550] =	vst v2  }
0xe8: {  	[tilespmem:v1+s28+$0x0] =	vst.idx.add.f32.msk $0xffff, v2  }
0xe9: {  	v1 =	vld [tilespmem:$0xD9B0]  }
0xea: {  	v2 =	vld [tilespmem:$0xDB40];
	_ =	sdelay $0x6  }
0xeb: {  	v3 =	vld.idx.msk [tilespmem:v1+s20+$0x0], $0xffff  }
0xec: {  	v2 =	vld.idx.msk [tilespmem:v2+s12+$0x0], $0xffff;
	_ =	sdelay $0x4  }
0xed: {  	v2 =	vadd.f32 v2, v3;
	_ =	sdelay $0x1  }
0xee: {  	v3 =	vmul.f32 $1.442695020e+00, v2;
	_ =	sdelay $0x1  }
0xef: {  	(erf) = vpow2.f32 v3;
	_ =	sdelay $0x8  }
0xf0: {  	v3 =	vpop (erf)  }
0xf1: {  	v3 =	vadd.f32 $-1.000000000e+00, v3;
	_ =	sdelay $0x1  }
0xf2: {  	v3 =	vmul.f32 $1.000000010e-01, v3  }
0xf3: {  	vm13 =	vgt.f32 v2, $0.0e+00  }
0xf4: {  	v2 =	vsel vm13, v2, v3  }
0xf5: {  	v2 =	vmul.f32 $1.442695020e+00, v2;
	_ =	sdelay $0x1  }
0xf6: {  	(erf) = vpow2.f32 v2;
	_ =	sdelay $0x8  }
0xf7: {  	[tilespmem:$0xDCD0] =	vst v1;
	v2 =	vpop (erf)  }
0xf8: {  	[tilespmem:$0x7560] =	vst v2  }
0xf9: {  	[tilespmem:v1+s28+$0x0] =	vst.idx.add.f32.msk $0xffff, v2  }
0xfa: {  	v1 =	vld [tilespmem:$0xD9C0]  }
0xfb: {  	v2 =	vld [tilespmem:$0xDB50];
	_ =	sdelay $0x6  }
0xfc: {  	v3 =	vld.idx.msk [tilespmem:v1+s20+$0x0], $0xffff  }
0xfd: {  	v2 =	vld.idx.msk [tilespmem:v2+s12+$0x0], $0xffff;
	_ =	sdelay $0x4  }
0xfe: {  	v2 =	vadd.f32 v2, v3;
	_ =	sdelay $0x1  }
0xff: {  	v3 =	vmul.f32 $1.442695020e+00, v2;
	_ =	sdelay $0x1  }
0x100: {  	(erf) = vpow2.f32 v3;
	_ =	sdelay $0x8  }
0x101: {  	v3 =	vpop (erf)  }
0x102: {  	v3 =	vadd.f32 $-1.000000000e+00, v3;
	_ =	sdelay $0x1  }
0x103: {  	v3 =	vmul.f32 $1.000000010e-01, v3  }
0x104: {  	vm14 =	vgt.f32 v2, $0.0e+00  }
0x105: {  	v2 =	vsel vm14, v2, v3  }
0x106: {  	v2 =	vmul.f32 $1.442695020e+00, v2;
	_ =	sdelay $0x1  }
0x107: {  	(erf) = vpow2.f32 v2;
	_ =	sdelay $0x8  }
0x108: {  	[tilespmem:$0xDCE0] =	vst v1;
	v2 =	vpop (erf)  }
0x109: {  	[tilespmem:$0x7570] =	vst v2  }
0x10a: {  	[tilespmem:v1+s28+$0x0] =	vst.idx.add.f32.msk $0xffff, v2  }
0x10b: {  	v1 =	vld [tilespmem:$0xD9D0]  }
0x10c: {  	v2 =	vld [tilespmem:$0xDB60];
	_ =	sdelay $0x6  }
0x10d: {  	v3 =	vld.idx.msk [tilespmem:v1+s20+$0x0], $0xffff  }
0x10e: {  	v2 =	vld.idx.msk [tilespmem:v2+s12+$0x0], $0xffff;
	_ =	sdelay $0x4  }
0x10f: {  	v2 =	vadd.f32 v2, v3;
	_ =	sdelay $0x1  }
0x110: {  	v3 =	vmul.f32 $1.442695020e+00, v2;
	_ =	sdelay $0x1  }
0x111: {  	(erf) = vpow2.f32 v3;
	_ =	sdelay $0x8  }
0x112: {  	v3 =	vpop (erf)  }
0x113: {  	v3 =	vadd.f32 $-1.000000000e+00, v3;
	_ =	sdelay $0x1  }
0x114: {  	v3 =	vmul.f32 $1.000000010e-01, v3  }
0x115: {  	vm15 =	vgt.f32 v2, $0.0e+00  }
0x116: {  	v2 =	vsel vm15, v2, v3  }
0x117: {  	v2 =	vmul.f32 $1.442695020e+00, v2;
	_ =	sdelay $0x1  }
0x118: {  	(erf) = vpow2.f32 v2;
	_ =	sdelay $0x4  }
0x119: {  	s13 =	simm.s32 $0x1;
	s23 =	simm.s32 $0x2;
	v2 =	vmov s20  }
0x11a: {  	s17 =	simm.s32 $0x3;
	v4 =	vmov s13;
	v5 =	vmov s23;
	v2 =	vand.u32 $0xFFFFFFFC, v2  }
0x11b: {  	v4 =	vand.u32 $0xFFFFFFFD, v4;
	v3 =	vmov s17;
	v2 =	vbroadcast v2, $0x0  }
0x11c: {  	v5 =	vand.u32 $0xFFFFFFFE, v5;
	v4 =	vbroadcast v4, $0x0  }
0x11d: {  	v5 =	vbroadcast v5, $0x0;
	[tilespmem:$0xDCF0] =	vst v1;
	v6 =	vpop (erf)  }
0x11e: {  	[tilespmem:$0x7580] =	vst v6  }
0x11f: {  	[tilespmem:v1+s28+$0x0] =	vst.idx.add.f32.msk $0xffff, v6  }
0x120: {  	v1 =	vld.idx.msk [tilespmem:v3+s6+$0x0], $0xffff  }
0x121: {  	v8 =	vld.idx.msk [tilespmem:v2+s6+$0x0], $0xffff  }
0x122: {  	v3 =	vld.idx.msk [tilespmem:v4+s6+$0x0], $0xffff  }
0x123: {  	s17 =	simm.s32 $0x7610;
	v2 =	vld.idx.msk [tilespmem:v5+s6+$0x0], $0xffff  }
0x124: {  	v4 =	vld [tilespmem:s17+$0x30]  }
0x125: {  	v5 =	vld [tilespmem:s17+$0xFFFFFF80]  }
0x126: {  	v6 =	vld [tilespmem:s17+$0xFFFFFF90]  }
0x127: {  	v7 =	vld [tilespmem:s17+$0xFFFFFFA0]  }
0x128: {  	v9 =	vld [tilespmem:s17+$0xFFFFFFB0]  }
0x129: {  	v10 =	vld [tilespmem:s17+$0xFFFFFFC0];
	v11 =	vmul.f32 v4, v2  }
0x12a: {  	v12 =	vmul.f32 v5, v8;
	v5 =	vld [tilespmem:s17+$0xFFFFFFD0]  }
0x12b: {  	s3 =	simm.s32 $0x4;
	v13 =	vmul.f32 v6, v8;
	v4 =	vld [tilespmem:s17+$0xFFFFFFE0];
	[tilespmem:s17+$0x30] =	vst v11  }
0x12c: {  	s13 =	simm.s32 $0x7;
	v6 =	vmov s3;
	[tilespmem:s17+$0xFFFFFF80] =	vst v12;
	v12 =	vmul.f32 v7, v8;
	v7 =	vld [tilespmem:s17+$0xFFFFFFF0]  }
0x12d: {  	s23 =	simm.s32 $0x5;
	v14 =	vand.u32 $0xFFFFFFFC, v6;
	v6 =	vmov s13;
	[tilespmem:s17+$0xFFFFFF90] =	vst v13;
	v11 =	vmul.f32 v9, v8;
	v9 =	vld [tilespmem:s17+$0x0]  }
0x12e: {  	s9 =	simm.s32 $0x6;
	s13 =	simm.s32 $0x8;
	v8 =	vbroadcast v14, $0x0;
	v13 =	vmov s23;
	s23 =	simm.s32 $0x7610;
	[tilespmem:s17+$0xFFFFFFA0] =	vst v12;
	v12 =	vmul.f32 v10, v3;
	v10 =	vld [tilespmem:s17+$0x10]  }
.LBB2_7:
0x12f: {  	p2 =	slt.u32 s13, $0x4C;
	v13 =	vand.u32 $0xFFFFFFFD, v13;
	v14 =	vmov s9;
	[tilespmem:s17+$0xFFFFFFB0] =	vst v11;
	v5 =	vmul.f32 v5, v3;
	v11 =	vld [tilespmem:s17+$0x20]  }
0x130: {  	v13 =	vbroadcast v13, $0x0;
	v14 =	vand.u32 $0xFFFFFFFE, v14;
	[tilespmem:s17+$0xFFFFFFC0] =	vst v12;
	v4 =	vmul.f32 v4, v3;
	v12 =	vld [tilespmem:s17+$0x40]  }
0x131: {  	v14 =	vbroadcast v14, $0x0;
	[tilespmem:s17+$0xFFFFFFD0] =	vst v5;
	v3 =	vmul.f32 v7, v3;
	v5 =	vld [tilespmem:s17+$0x50]  }
0x132: {  	[tilespmem:s17+$0xFFFFFFE0] =	vst v4;
	v4 =	vmul.f32 v9, v2;
	v7 =	vld [tilespmem:s17+$0x60]  }
0x133: {  	[tilespmem:s17+$0xFFFFFFF0] =	vst v3;
	v3 =	vmul.f32 v10, v2;
	v9 =	vld [tilespmem:s17+$0x70]  }
0x134: {  	v6 =	vld.idx.msk [tilespmem:v6+s6+$0x0], $0xffff;
	[tilespmem:s17+$0x0] =	vst v4;
	v2 =	vmul.f32 v11, v2  }
0x135: {  	v8 =	vld.idx.msk [tilespmem:v8+s6+$0x0], $0xffff;
	[tilespmem:s17+$0x10] =	vst v3;
	v4 =	vmul.f32 v12, v1  }
0x136: {  	v3 =	vld.idx.msk [tilespmem:v13+s6+$0x0], $0xffff;
	[tilespmem:s17+$0x20] =	vst v2;
	v5 =	vmul.f32 v5, v1  }
0x137: {  	s17 =	sadd.s32 $0x100, s17;
	v2 =	vld.idx.msk [tilespmem:v14+s6+$0x0], $0xffff;
	[tilespmem:s23+$0x40] =	vst v4;
	v4 =	vmul.f32 v7, v1  }
0x138: {  	v7 =	vld [tilespmem:s17+$0x30];
	[tilespmem:s23+$0x50] =	vst v5;
	v9 =	vmul.f32 v9, v1  }
0x139: {  	v5 =	vld [tilespmem:s17+$0xFFFFFF80];
	[tilespmem:s23+$0x60] =	vst v4  }
0x13a: {  	v1 =	vmov v6;
	v4 =	vld [tilespmem:s17+$0xFFFFFF90];
	[tilespmem:s23+$0x70] =	vst v9;
	s23 =	smov.u32 s17  }
0x13b: {  	v6 =	vld [tilespmem:s17+$0xFFFFFFA0]  }
0x13c: {  	v9 =	vld [tilespmem:s17+$0xFFFFFFB0]  }
0x13d: {  	v10 =	vld [tilespmem:s17+$0xFFFFFFC0];
	v7 =	vmul.f32 v7, v2  }
.Ltmp4:
0x13e: {  	v11 =	vmul.f32 v5, v8;
	v5 =	vld [tilespmem:s17+$0xFFFFFFD0];
	(pc) =	sbr.rel @p2 .LBB2_7-.Ltmp4, $4  }
0x13f: {  	v12 =	vmul.f32 v4, v8;
	v4 =	vld [tilespmem:s17+$0xFFFFFFE0];
	[tilespmem:s17+$0x30] =	vst v7  }
0x140: {  	s9 =	sadd.s32 $0x3, s13;
	v13 =	vmov s13;
	[tilespmem:s17+$0xFFFFFF80] =	vst v11;
	v14 =	vmul.f32 v6, v8;
	v7 =	vld [tilespmem:s17+$0xFFFFFFF0]  }
0x141: {  	s3 =	sadd.s32 $0x1, s13;
	v13 =	vand.u32 $0xFFFFFFFC, v13;
	v6 =	vmov s9;
	[tilespmem:s17+$0xFFFFFF90] =	vst v12;
	v11 =	vmul.f32 v9, v8;
	v9 =	vld [tilespmem:s17+$0x0]  }
0x142: {  	s9 =	sadd.s32 $0x2, s13;
	s13 =	sadd.s32 $0x4, s13;
	v8 =	vbroadcast v13, $0x0;
	v13 =	vmov s3;
	[tilespmem:s17+$0xFFFFFFA0] =	vst v14;
	v12 =	vmul.f32 v10, v3;
	v10 =	vld [tilespmem:s17+$0x10]  }
0x143: {  	v15 =	vld [tilespmem:s17+$0x20]  }
0x144: {  	v16 =	vld [tilespmem:s17+$0x40]  }
0x145: {  	v14 =	vmov s9;
	v17 =	vld [tilespmem:s17+$0x50]  }
0x146: {  	v18 =	vld [tilespmem:s17+$0x60];
	[tilespmem:s17+$0xFFFFFFB0] =	vst v11;
	v5 =	vmul.f32 v5, v3;
	v14 =	vand.u32 $0xFFFFFFFE, v14  }
0x147: {  	v11 =	vld [tilespmem:s17+$0x70];
	[tilespmem:s17+$0xFFFFFFC0] =	vst v12;
	v4 =	vmul.f32 v4, v3;
	v14 =	vbroadcast v14, $0x0  }
0x148: {  	v13 =	vand.u32 $0xFFFFFFFD, v13;
	v6 =	vld.idx.msk [tilespmem:v6+s6+$0x0], $0xffff;
	s3 =	sadd.s32 $0x100, s17;
	[tilespmem:s17+$0xFFFFFFD0] =	vst v5;
	v3 =	vmul.f32 v7, v3  }
0x149: {  	v13 =	vbroadcast v13, $0x0;
	v12 =	vld [tilespmem:s3+$0xFFFFFFA0];
	[tilespmem:s17+$0xFFFFFFE0] =	vst v4;
	v4 =	vmul.f32 v9, v2  }
0x14a: {  	v5 =	vld.idx.msk [tilespmem:v8+s6+$0x0], $0xffff;
	[tilespmem:s17+$0xFFFFFFF0] =	vst v3;
	v3 =	vmul.f32 v10, v2  }
0x14b: {  	v9 =	vld [tilespmem:s3+$0xFFFFFF80];
	[tilespmem:s17+$0x0] =	vst v4;
	v2 =	vmul.f32 v15, v2  }
0x14c: {  	v4 =	vld [tilespmem:s3+$0x30];
	[tilespmem:s17+$0x10] =	vst v3;
	v3 =	vmul.f32 v16, v1  }
0x14d: {  	[tilespmem:s17+$0x20] =	vst v2;
	v2 =	vmul.f32 v17, v1;
	v8 =	vld.idx.msk [tilespmem:v14+s6+$0x0], $0xffff  }
0x14e: {  	v10 =	vld [tilespmem:s3+$0xFFFFFF90];
	[tilespmem:s23+$0x40] =	vst v3;
	v3 =	vmul.f32 v18, v1  }
0x14f: {  	v7 =	vld.idx.msk [tilespmem:v13+s6+$0x0], $0xffff;
	v1 =	vmul.f32 v11, v1;
	[tilespmem:s23+$0x50] =	vst v2  }
0x150: {  	v2 =	vld [tilespmem:s3+$0xFFFFFFB0];
	[tilespmem:s23+$0x60] =	vst v3  }
0x151: {  	v3 =	vld [tilespmem:s3+$0xFFFFFFC0];
	[tilespmem:s23+$0x70] =	vst v1;
	v1 =	vmul.f32 v9, v5  }
0x152: {  	v9 =	vld [tilespmem:s3+$0xFFFFFFD0];
	v4 =	vmul.f32 v4, v8  }
0x153: {  	v11 =	vld [tilespmem:s3+$0xFFFFFFE0];
	v10 =	vmul.f32 v10, v5;
	[tilespmem:s3+$0xFFFFFF80] =	vst v1  }
0x154: {  	v1 =	vmul.f32 v12, v5;
	[tilespmem:s3+$0x30] =	vst v4;
	v4 =	vld [tilespmem:s3+$0xFFFFFFF0]  }
0x155: {  	[tilespmem:s3+$0xFFFFFF90] =	vst v10;
	v2 =	vmul.f32 v2, v5;
	v5 =	vld [tilespmem:s3+$0x0]  }
0x156: {  	[tilespmem:s3+$0xFFFFFFA0] =	vst v1;
	v1 =	vmul.f32 v3, v7;
	v3 =	vld [tilespmem:s3+$0x10]  }
0x157: {  	[tilespmem:s3+$0xFFFFFFB0] =	vst v2;
	v2 =	vmul.f32 v9, v7;
	v9 =	vld [tilespmem:s3+$0x20]  }
0x158: {  	v10 =	vld [tilespmem:s3+$0x40];
	[tilespmem:s3+$0xFFFFFFC0] =	vst v1;
	v1 =	vmul.f32 v11, v7  }
0x159: {  	[tilespmem:s3+$0xFFFFFFD0] =	vst v2;
	v2 =	vmul.f32 v4, v7;
	v4 =	vld [tilespmem:s3+$0x50]  }
0x15a: {  	[tilespmem:s3+$0xFFFFFFE0] =	vst v1;
	v1 =	vmul.f32 v5, v8;
	v5 =	vld [tilespmem:s3+$0x60]  }
0x15b: {  	[tilespmem:s3+$0xFFFFFFF0] =	vst v2;
	v2 =	vmul.f32 v3, v8;
	v3 =	vld [tilespmem:s3+$0x70]  }
0x15c: {  	[tilespmem:s3+$0x0] =	vst v1;
	v1 =	vmul.f32 v9, v8  }
0x15d: {  	[tilespmem:s3+$0x10] =	vst v2;
	v2 =	vmul.f32 v10, v6  }
0x15e: {  	[tilespmem:s3+$0x20] =	vst v1;
	v1 =	vmul.f32 v4, v6  }
0x15f: {  	p2 =	seq.s32 s11, $0x31;
	[tilespmem:s3+$0x40] =	vst v2;
	v2 =	vmul.f32 v5, v6  }
0x160: {  	s17 =	smul.u32 @!p2 $0x190, s11;
	[tilespmem:s3+$0x50] =	vst v1;
	v1 =	vmul.f32 v3, v6  }
0x161: {  	[tilespmem:s3+$0x60] =	vst v2  }
0x162: {  	s13 =	simm.s32 $0x7590;
	s23 =	simm.s32 $0xDCB0;
	[tilespmem:s3+$0x70] =	vst v1;
	s3 =	sadd.s32 @!p2 s17, s29  }
0x163: {  	[spmem:s1] =	stream.indirect.scatter.add.f32 [tilespmem:s13], [sflag:$0xB], $0x40, s23, s19, $0xb8;
	[tilespmem:$0x17AA0] =	vst v63  }
0x164: {  	s3 =	sshrl.u32 @!p2 s3, $0x3  }
0x165: {  	s13 =	simm.s32 @!p2 $0x0;
	s23 =	simm.s32 @!p2 $0xD990;
	s9 =	sadd.s32 @!p2 s4, s3  }
0x166: {  	[tilespmem:s23], [sflag:$0x1] =	stream.linear.gather @!p2 [hbm4b:s9+s13], $0x50, $0x38;
	[tilespmem:$0x17AA0] =	vst v63  }
0x167: {  	s3 =	sadd.s32 @!p2 s5, s3;
	s9 =	simm.s32 @!p2 $0xDB20  }
0x168: {  	[tilespmem:s9], [sflag:$0x1] =	stream.linear.gather @!p2 [hbm4b:s3+s13], $0x50, $0x38;
	[tilespmem:$0x17AA0] =	vst v63  }
0x169: {  	s3 =	sadd.s32 @!p2 $0xFFFFFFFF, s21  }
0x16a: {  	p3 =	sgt.u32 @!p2 s3, $0xF4  }
0x16b: {  	p3 =	por p2, !p3  }
0x16c: {  	s3 =	simm.s32 @p3 $0xF  }
0x16d: {  	_ =	swait.ge @p3 [sflag:s3], $0x1400  }
0x16e: {  	[sflag:s3] =	ssyncset.done @p3 $0x0  }
0x16f: {  	[sflag:s3] =	ssyncadd.s32 @p3 $0xFFFFEC00  }
0x170: {  	_ =	swait.ge [sflag:s8], $0x50  }
0x171: {  	[sflag:s8] =	ssyncset.done $0x0  }
0x172: {  	[sflag:s8] =	ssyncadd.s32 $0xFFFFFFB0  }
0x173: {  	_ =	swait.ge [sflag:s8], $0x50  }
0x174: {  	[sflag:s8] =	ssyncset.done $0x0  }
0x175: {  	[sflag:s8] =	ssyncadd.s32 $0xFFFFFFB0  }
0x176: {  	[tilespmem:s10], [sflag:$0xA] =	stream.indirect.gather [hbm4b:s16+s19], $0x40, s14, s19, $0xb8;
	[tilespmem:$0x17AA0] =	vst v63  }
0x177: {  	_ =	swait.ge [sflag:s18], $0x1400  }
0x178: {  	[sflag:s18] =	ssyncset.done $0x0  }
0x179: {  	[sflag:s18] =	ssyncadd.s32 $0xFFFFEC00  }
0x17a: {  	v1 =	vld [tilespmem:$0xD9E0]  }
0x17b: {  	v2 =	vld [tilespmem:$0xDB70];
	_ =	sdelay $0x5  }
0x17c: {  	s9 =	simm.s32 $0x0  }
0x17d: {  	v3 =	vld.idx.msk [tilespmem:v1+s9+$0x0], $0xffff  }
0x17e: {  	v2 =	vld.idx.msk [tilespmem:v2+s12+$0x0], $0xffff;
	_ =	sdelay $0x4  }
0x17f: {  	v2 =	vadd.f32 v2, v3;
	_ =	sdelay $0x1  }
0x180: {  	v3 =	vmul.f32 $1.442695020e+00, v2;
	_ =	sdelay $0x1  }
0x181: {  	(erf) = vpow2.f32 v3;
	_ =	sdelay $0x8  }
0x182: {  	v3 =	vpop (erf)  }
0x183: {  	v3 =	vadd.f32 $-1.000000000e+00, v3;
	_ =	sdelay $0x1  }
0x184: {  	v3 =	vmul.f32 $1.000000010e-01, v3  }
0x185: {  	vm0 =	vgt.f32 v2, $0.0e+00  }
0x186: {  	v2 =	vsel vm0, v2, v3  }
0x187: {  	v2 =	vmul.f32 $1.442695020e+00, v2;
	_ =	sdelay $0x1  }
0x188: {  	(erf) = vpow2.f32 v2;
	_ =	sdelay $0x8  }
0x189: {  	[tilespmem:$0xDD00] =	vst v1;
	v2 =	vpop (erf)  }
0x18a: {  	[tilespmem:$0x7540] =	vst v2  }
0x18b: {  	[tilespmem:v1+s28+$0x0] =	vst.idx.add.f32.msk $0xffff, v2  }
0x18c: {  	v1 =	vld [tilespmem:$0xD9F0]  }
0x18d: {  	v2 =	vld [tilespmem:$0xDB80];
	_ =	sdelay $0x6  }
0x18e: {  	v3 =	vld.idx.msk [tilespmem:v1+s9+$0x0], $0xffff  }
0x18f: {  	v2 =	vld.idx.msk [tilespmem:v2+s12+$0x0], $0xffff;
	_ =	sdelay $0x4  }
0x190: {  	v2 =	vadd.f32 v2, v3;
	_ =	sdelay $0x1  }
0x191: {  	v3 =	vmul.f32 $1.442695020e+00, v2;
	_ =	sdelay $0x1  }
0x192: {  	(erf) = vpow2.f32 v3;
	_ =	sdelay $0x8  }
0x193: {  	v3 =	vpop (erf)  }
0x194: {  	v3 =	vadd.f32 $-1.000000000e+00, v3;
	_ =	sdelay $0x1  }
0x195: {  	v3 =	vmul.f32 $1.000000010e-01, v3  }
0x196: {  	vm12 =	vgt.f32 v2, $0.0e+00  }
0x197: {  	v2 =	vsel vm12, v2, v3  }
0x198: {  	v2 =	vmul.f32 $1.442695020e+00, v2;
	_ =	sdelay $0x1  }
0x199: {  	(erf) = vpow2.f32 v2;
	_ =	sdelay $0x8  }
0x19a: {  	[tilespmem:$0xDD10] =	vst v1;
	v2 =	vpop (erf)  }
0x19b: {  	[tilespmem:$0x7550] =	vst v2  }
0x19c: {  	[tilespmem:v1+s28+$0x0] =	vst.idx.add.f32.msk $0xffff, v2  }
0x19d: {  	v1 =	vld [tilespmem:$0xDA00]  }
0x19e: {  	v2 =	vld [tilespmem:$0xDB90];
	_ =	sdelay $0x6  }
0x19f: {  	v3 =	vld.idx.msk [tilespmem:v1+s9+$0x0], $0xffff  }
0x1a0: {  	v2 =	vld.idx.msk [tilespmem:v2+s12+$0x0], $0xffff;
	_ =	sdelay $0x4  }
0x1a1: {  	v2 =	vadd.f32 v2, v3;
	_ =	sdelay $0x1  }
0x1a2: {  	v3 =	vmul.f32 $1.442695020e+00, v2;
	_ =	sdelay $0x1  }
0x1a3: {  	(erf) = vpow2.f32 v3;
	_ =	sdelay $0x8  }
0x1a4: {  	v3 =	vpop (erf)  }
0x1a5: {  	v3 =	vadd.f32 $-1.000000000e+00, v3;
	_ =	sdelay $0x1  }
0x1a6: {  	v3 =	vmul.f32 $1.000000010e-01, v3  }
0x1a7: {  	vm13 =	vgt.f32 v2, $0.0e+00  }
0x1a8: {  	v2 =	vsel vm13, v2, v3  }
0x1a9: {  	v2 =	vmul.f32 $1.442695020e+00, v2;
	_ =	sdelay $0x1  }
0x1aa: {  	(erf) = vpow2.f32 v2;
	_ =	sdelay $0x8  }
0x1ab: {  	[tilespmem:$0xDD20] =	vst v1;
	v2 =	vpop (erf)  }
0x1ac: {  	[tilespmem:$0x7560] =	vst v2  }
0x1ad: {  	[tilespmem:v1+s28+$0x0] =	vst.idx.add.f32.msk $0xffff, v2  }
0x1ae: {  	v1 =	vld [tilespmem:$0xDA10]  }
0x1af: {  	v2 =	vld [tilespmem:$0xDBA0];
	_ =	sdelay $0x6  }
0x1b0: {  	v3 =	vld.idx.msk [tilespmem:v1+s9+$0x0], $0xffff  }
0x1b1: {  	v2 =	vld.idx.msk [tilespmem:v2+s12+$0x0], $0xffff;
	_ =	sdelay $0x4  }
0x1b2: {  	v2 =	vadd.f32 v2, v3;
	_ =	sdelay $0x1  }
0x1b3: {  	v3 =	vmul.f32 $1.442695020e+00, v2;
	_ =	sdelay $0x1  }
0x1b4: {  	(erf) = vpow2.f32 v3;
	_ =	sdelay $0x8  }
0x1b5: {  	v3 =	vpop (erf)  }
0x1b6: {  	v3 =	vadd.f32 $-1.000000000e+00, v3;
	_ =	sdelay $0x1  }
0x1b7: {  	v3 =	vmul.f32 $1.000000010e-01, v3  }
0x1b8: {  	vm14 =	vgt.f32 v2, $0.0e+00  }
0x1b9: {  	v2 =	vsel vm14, v2, v3  }
0x1ba: {  	v2 =	vmul.f32 $1.442695020e+00, v2;
	_ =	sdelay $0x1  }
0x1bb: {  	(erf) = vpow2.f32 v2;
	_ =	sdelay $0x8  }
0x1bc: {  	[tilespmem:$0xDD30] =	vst v1;
	v2 =	vpop (erf)  }
0x1bd: {  	[tilespmem:$0x7570] =	vst v2  }
0x1be: {  	[tilespmem:v1+s28+$0x0] =	vst.idx.add.f32.msk $0xffff, v2  }
0x1bf: {  	v1 =	vld [tilespmem:$0xDA20]  }
0x1c0: {  	v2 =	vld [tilespmem:$0xDBB0];
	_ =	sdelay $0x6  }
0x1c1: {  	v3 =	vld.idx.msk [tilespmem:v1+s9+$0x0], $0xffff  }
0x1c2: {  	v2 =	vld.idx.msk [tilespmem:v2+s12+$0x0], $0xffff;
	_ =	sdelay $0x4  }
0x1c3: {  	v2 =	vadd.f32 v2, v3;
	_ =	sdelay $0x1  }
0x1c4: {  	v3 =	vmul.f32 $1.442695020e+00, v2;
	_ =	sdelay $0x1  }
0x1c5: {  	(erf) = vpow2.f32 v3;
	_ =	sdelay $0x8  }
0x1c6: {  	v3 =	vpop (erf)  }
0x1c7: {  	v3 =	vadd.f32 $-1.000000000e+00, v3;
	_ =	sdelay $0x1  }
0x1c8: {  	v3 =	vmul.f32 $1.000000010e-01, v3  }
0x1c9: {  	vm15 =	vgt.f32 v2, $0.0e+00  }
0x1ca: {  	v2 =	vsel vm15, v2, v3  }
0x1cb: {  	v2 =	vmul.f32 $1.442695020e+00, v2;
	_ =	sdelay $0x1  }
0x1cc: {  	(erf) = vpow2.f32 v2;
	_ =	sdelay $0x4  }
0x1cd: {  	s23 =	simm.s32 $0x2;
	s21 =	simm.s32 $0x1;
	v2 =	vmov s9  }
0x1ce: {  	v5 =	vmov s23;
	s13 =	simm.s32 $0x3;
	v4 =	vmov s21;
	v2 =	vand.u32 $0xFFFFFFFC, v2  }
0x1cf: {  	v4 =	vand.u32 $0xFFFFFFFD, v4;
	v3 =	vmov s13;
	v2 =	vbroadcast v2, $0x0  }
0x1d0: {  	v5 =	vand.u32 $0xFFFFFFFE, v5;
	v4 =	vbroadcast v4, $0x0  }
0x1d1: {  	v5 =	vbroadcast v5, $0x0;
	[tilespmem:$0xDD40] =	vst v1;
	v6 =	vpop (erf)  }
0x1d2: {  	[tilespmem:$0x7580] =	vst v6  }
0x1d3: {  	[tilespmem:v1+s28+$0x0] =	vst.idx.add.f32.msk $0xffff, v6  }
0x1d4: {  	v1 =	vld.idx.msk [tilespmem:v3+s6+$0x0], $0xffff  }
0x1d5: {  	v8 =	vld.idx.msk [tilespmem:v2+s6+$0x0], $0xffff  }
0x1d6: {  	v3 =	vld.idx.msk [tilespmem:v4+s6+$0x0], $0xffff  }
0x1d7: {  	s21 =	simm.s32 $0x8A10;
	v2 =	vld.idx.msk [tilespmem:v5+s6+$0x0], $0xffff  }
0x1d8: {  	v4 =	vld [tilespmem:s21+$0x30]  }
0x1d9: {  	v5 =	vld [tilespmem:s21+$0xFFFFFF80]  }
0x1da: {  	v6 =	vld [tilespmem:s21+$0xFFFFFF90]  }
0x1db: {  	v7 =	vld [tilespmem:s21+$0xFFFFFFA0]  }
0x1dc: {  	v9 =	vld [tilespmem:s21+$0xFFFFFFB0]  }
0x1dd: {  	v10 =	vld [tilespmem:s21+$0xFFFFFFC0];
	v11 =	vmul.f32 v4, v2  }
0x1de: {  	v12 =	vmul.f32 v5, v8;
	v5 =	vld [tilespmem:s21+$0xFFFFFFD0]  }
0x1df: {  	s9 =	simm.s32 $0x4;
	v13 =	vmul.f32 v6, v8;
	v4 =	vld [tilespmem:s21+$0xFFFFFFE0];
	[tilespmem:s21+$0x30] =	vst v11  }
0x1e0: {  	s13 =	simm.s32 $0x7;
	v6 =	vmov s9;
	[tilespmem:s21+$0xFFFFFF80] =	vst v12;
	v12 =	vmul.f32 v7, v8;
	v7 =	vld [tilespmem:s21+$0xFFFFFFF0]  }
0x1e1: {  	s23 =	simm.s32 $0x5;
	v14 =	vand.u32 $0xFFFFFFFC, v6;
	v6 =	vmov s13;
	[tilespmem:s21+$0xFFFFFF90] =	vst v13;
	v11 =	vmul.f32 v9, v8;
	v9 =	vld [tilespmem:s21+$0x0]  }
0x1e2: {  	s9 =	simm.s32 $0x6;
	s13 =	simm.s32 $0x8;
	v8 =	vbroadcast v14, $0x0;
	v13 =	vmov s23;
	s23 =	simm.s32 $0x8A10;
	[tilespmem:s21+$0xFFFFFFA0] =	vst v12;
	v12 =	vmul.f32 v10, v3;
	v10 =	vld [tilespmem:s21+$0x10]  }
.LBB2_9:
0x1e3: {  	p3 =	slt.u32 s13, $0x4C;
	v13 =	vand.u32 $0xFFFFFFFD, v13;
	v14 =	vmov s9;
	[tilespmem:s21+$0xFFFFFFB0] =	vst v11;
	v5 =	vmul.f32 v5, v3;
	v11 =	vld [tilespmem:s21+$0x20]  }
0x1e4: {  	v13 =	vbroadcast v13, $0x0;
	v14 =	vand.u32 $0xFFFFFFFE, v14;
	[tilespmem:s21+$0xFFFFFFC0] =	vst v12;
	v4 =	vmul.f32 v4, v3;
	v12 =	vld [tilespmem:s21+$0x40]  }
0x1e5: {  	v14 =	vbroadcast v14, $0x0;
	[tilespmem:s21+$0xFFFFFFD0] =	vst v5;
	v3 =	vmul.f32 v7, v3;
	v5 =	vld [tilespmem:s21+$0x50]  }
0x1e6: {  	[tilespmem:s21+$0xFFFFFFE0] =	vst v4;
	v4 =	vmul.f32 v9, v2;
	v7 =	vld [tilespmem:s21+$0x60]  }
0x1e7: {  	[tilespmem:s21+$0xFFFFFFF0] =	vst v3;
	v3 =	vmul.f32 v10, v2;
	v9 =	vld [tilespmem:s21+$0x70]  }
0x1e8: {  	v6 =	vld.idx.msk [tilespmem:v6+s6+$0x0], $0xffff;
	[tilespmem:s21+$0x0] =	vst v4;
	v2 =	vmul.f32 v11, v2  }
0x1e9: {  	v8 =	vld.idx.msk [tilespmem:v8+s6+$0x0], $0xffff;
	[tilespmem:s21+$0x10] =	vst v3;
	v4 =	vmul.f32 v12, v1  }
0x1ea: {  	v3 =	vld.idx.msk [tilespmem:v13+s6+$0x0], $0xffff;
	[tilespmem:s21+$0x20] =	vst v2;
	v5 =	vmul.f32 v5, v1  }
0x1eb: {  	s21 =	sadd.s32 $0x100, s21;
	v2 =	vld.idx.msk [tilespmem:v14+s6+$0x0], $0xffff;
	[tilespmem:s23+$0x40] =	vst v4;
	v4 =	vmul.f32 v7, v1  }
0x1ec: {  	v7 =	vld [tilespmem:s21+$0x30];
	[tilespmem:s23+$0x50] =	vst v5;
	v9 =	vmul.f32 v9, v1  }
0x1ed: {  	v5 =	vld [tilespmem:s21+$0xFFFFFF80];
	[tilespmem:s23+$0x60] =	vst v4  }
0x1ee: {  	v1 =	vmov v6;
	v4 =	vld [tilespmem:s21+$0xFFFFFF90];
	[tilespmem:s23+$0x70] =	vst v9;
	s23 =	smov.u32 s21  }
0x1ef: {  	v6 =	vld [tilespmem:s21+$0xFFFFFFA0]  }
0x1f0: {  	v9 =	vld [tilespmem:s21+$0xFFFFFFB0]  }
0x1f1: {  	v10 =	vld [tilespmem:s21+$0xFFFFFFC0];
	v7 =	vmul.f32 v7, v2  }
.Ltmp5:
0x1f2: {  	v11 =	vmul.f32 v5, v8;
	v5 =	vld [tilespmem:s21+$0xFFFFFFD0];
	(pc) =	sbr.rel @p3 .LBB2_9-.Ltmp5, $4  }
0x1f3: {  	v12 =	vmul.f32 v4, v8;
	v4 =	vld [tilespmem:s21+$0xFFFFFFE0];
	[tilespmem:s21+$0x30] =	vst v7  }
0x1f4: {  	s3 =	sadd.s32 $0x3, s13;
	v13 =	vmov s13;
	[tilespmem:s21+$0xFFFFFF80] =	vst v11;
	v14 =	vmul.f32 v6, v8;
	v7 =	vld [tilespmem:s21+$0xFFFFFFF0]  }
0x1f5: {  	s9 =	sadd.s32 $0x1, s13;
	v13 =	vand.u32 $0xFFFFFFFC, v13;
	v6 =	vmov s3;
	[tilespmem:s21+$0xFFFFFF90] =	vst v12;
	v11 =	vmul.f32 v9, v8;
	v9 =	vld [tilespmem:s21+$0x0]  }
0x1f6: {  	v8 =	vbroadcast v13, $0x0;
	v13 =	vmov s9;
	s9 =	sadd.s32 $0x2, s13;
	s13 =	sadd.s32 $0x4, s13;
	[tilespmem:s21+$0xFFFFFFA0] =	vst v14;
	v12 =	vmul.f32 v10, v3;
	v10 =	vld [tilespmem:s21+$0x10]  }
0x1f7: {  	v15 =	vld [tilespmem:s21+$0x20]  }
0x1f8: {  	v16 =	vld [tilespmem:s21+$0x40]  }
0x1f9: {  	v14 =	vmov s9;
	v17 =	vld [tilespmem:s21+$0x50]  }
0x1fa: {  	v18 =	vld [tilespmem:s21+$0x60];
	[tilespmem:s21+$0xFFFFFFB0] =	vst v11;
	v5 =	vmul.f32 v5, v3;
	v14 =	vand.u32 $0xFFFFFFFE, v14  }
0x1fb: {  	v11 =	vld [tilespmem:s21+$0x70];
	[tilespmem:s21+$0xFFFFFFC0] =	vst v12;
	v4 =	vmul.f32 v4, v3;
	v14 =	vbroadcast v14, $0x0  }
0x1fc: {  	v13 =	vand.u32 $0xFFFFFFFD, v13;
	v6 =	vld.idx.msk [tilespmem:v6+s6+$0x0], $0xffff;
	s3 =	sadd.s32 $0x100, s21;
	[tilespmem:s21+$0xFFFFFFD0] =	vst v5;
	v3 =	vmul.f32 v7, v3  }
0x1fd: {  	v13 =	vbroadcast v13, $0x0;
	v12 =	vld [tilespmem:s3+$0xFFFFFFA0];
	[tilespmem:s21+$0xFFFFFFE0] =	vst v4;
	v4 =	vmul.f32 v9, v2  }
0x1fe: {  	v5 =	vld.idx.msk [tilespmem:v8+s6+$0x0], $0xffff;
	[tilespmem:s21+$0xFFFFFFF0] =	vst v3;
	v3 =	vmul.f32 v10, v2  }
0x1ff: {  	v9 =	vld [tilespmem:s3+$0xFFFFFF80];
	[tilespmem:s21+$0x0] =	vst v4;
	v2 =	vmul.f32 v15, v2  }
0x200: {  	v4 =	vld [tilespmem:s3+$0x30];
	[tilespmem:s21+$0x10] =	vst v3;
	v3 =	vmul.f32 v16, v1  }
0x201: {  	[tilespmem:s21+$0x20] =	vst v2;
	v2 =	vmul.f32 v17, v1;
	v8 =	vld.idx.msk [tilespmem:v14+s6+$0x0], $0xffff  }
0x202: {  	v10 =	vld [tilespmem:s3+$0xFFFFFF90];
	[tilespmem:s23+$0x40] =	vst v3;
	v3 =	vmul.f32 v18, v1  }
0x203: {  	v7 =	vld.idx.msk [tilespmem:v13+s6+$0x0], $0xffff;
	v1 =	vmul.f32 v11, v1;
	[tilespmem:s23+$0x50] =	vst v2  }
0x204: {  	v2 =	vld [tilespmem:s3+$0xFFFFFFB0];
	[tilespmem:s23+$0x60] =	vst v3  }
0x205: {  	v3 =	vld [tilespmem:s3+$0xFFFFFFC0];
	[tilespmem:s23+$0x70] =	vst v1;
	v1 =	vmul.f32 v9, v5  }
0x206: {  	v9 =	vld [tilespmem:s3+$0xFFFFFFD0];
	v4 =	vmul.f32 v4, v8  }
0x207: {  	v11 =	vld [tilespmem:s3+$0xFFFFFFE0];
	v10 =	vmul.f32 v10, v5;
	[tilespmem:s3+$0xFFFFFF80] =	vst v1  }
0x208: {  	v1 =	vmul.f32 v12, v5;
	[tilespmem:s3+$0x30] =	vst v4;
	v4 =	vld [tilespmem:s3+$0xFFFFFFF0]  }
0x209: {  	[tilespmem:s3+$0xFFFFFF90] =	vst v10;
	v2 =	vmul.f32 v2, v5;
	v5 =	vld [tilespmem:s3+$0x0]  }
0x20a: {  	[tilespmem:s3+$0xFFFFFFA0] =	vst v1;
	v1 =	vmul.f32 v3, v7;
	v3 =	vld [tilespmem:s3+$0x10]  }
0x20b: {  	[tilespmem:s3+$0xFFFFFFB0] =	vst v2;
	v2 =	vmul.f32 v9, v7;
	v9 =	vld [tilespmem:s3+$0x20]  }
0x20c: {  	v10 =	vld [tilespmem:s3+$0x40];
	[tilespmem:s3+$0xFFFFFFC0] =	vst v1;
	v1 =	vmul.f32 v11, v7  }
0x20d: {  	[tilespmem:s3+$0xFFFFFFD0] =	vst v2;
	v2 =	vmul.f32 v4, v7;
	v4 =	vld [tilespmem:s3+$0x50]  }
0x20e: {  	[tilespmem:s3+$0xFFFFFFE0] =	vst v1;
	v1 =	vmul.f32 v5, v8;
	v5 =	vld [tilespmem:s3+$0x60]  }
0x20f: {  	[tilespmem:s3+$0xFFFFFFF0] =	vst v2;
	v2 =	vmul.f32 v3, v8;
	v3 =	vld [tilespmem:s3+$0x70]  }
0x210: {  	[tilespmem:s3+$0x0] =	vst v1;
	v1 =	vmul.f32 v9, v8  }
0x211: {  	[tilespmem:s3+$0x10] =	vst v2;
	v2 =	vmul.f32 v10, v6  }
0x212: {  	[tilespmem:s3+$0x20] =	vst v1;
	v1 =	vmul.f32 v4, v6  }
0x213: {  	[tilespmem:s3+$0x40] =	vst v2;
	v2 =	vmul.f32 v5, v6  }
0x214: {  	[tilespmem:s3+$0x50] =	vst v1;
	v1 =	vmul.f32 v3, v6  }
0x215: {  	[tilespmem:s3+$0x60] =	vst v2  }
0x216: {  	s21 =	simm.s32 $0x8990;
	s23 =	simm.s32 $0xDD00;
	[tilespmem:s3+$0x70] =	vst v1;
	s3 =	sadd.s32 @!p2 s17, s30  }
0x217: {  	[spmem:s1] =	stream.indirect.scatter.add.f32 [tilespmem:s21], [sflag:$0xC], $0x40, s23, s19, $0xb8;
	[tilespmem:$0x17AA0] =	vst v63  }
0x218: {  	s3 =	sshrl.u32 @!p2 s3, $0x3  }
0x219: {  	s13 =	simm.s32 @!p2 $0x0;
	s21 =	simm.s32 @!p2 $0xD9E0;
	s9 =	sadd.s32 @!p2 s4, s3  }
0x21a: {  	[tilespmem:s21], [sflag:$0x2] =	stream.linear.gather @!p2 [hbm4b:s9+s13], $0x50, $0x38;
	[tilespmem:$0x17AA0] =	vst v63  }
0x21b: {  	s3 =	sadd.s32 @!p2 s5, s3;
	s9 =	simm.s32 @!p2 $0xDB70  }
0x21c: {  	[tilespmem:s9], [sflag:$0x2] =	stream.linear.gather @!p2 [hbm4b:s3+s13], $0x50, $0x38;
	[tilespmem:$0x17AA0] =	vst v63  }
0x21d: {  	s3 =	simm.s32 @!p2 $0xB  }
0x21e: {  	_ =	swait.ge @!p2 [sflag:s3], $0x1400  }
0x21f: {  	[sflag:s3] =	ssyncset.done @!p2 $0x0  }
0x220: {  	[sflag:s3] =	ssyncadd.s32 @!p2 $0xFFFFEC00;
	s3 =	simm.s32 @!p2 $0x1  }
0x221: {  	_ =	swait.ge @!p2 [sflag:s3], $0x50  }
0x222: {  	[sflag:s3] =	ssyncset.done @!p2 $0x0  }
0x223: {  	[sflag:s3] =	ssyncadd.s32 @!p2 $0xFFFFFFB0  }
0x224: {  	_ =	swait.ge @!p2 [sflag:s3], $0x50  }
0x225: {  	s9 =	simm.s32 @!p2 $0xDB20;
	[sflag:s3] =	ssyncset.done @!p2 $0x0  }
0x226: {  	s13 =	simm.s32 @!p2 $0x7590;
	[sflag:s3] =	ssyncadd.s32 @!p2 $0xFFFFFFB0;
	s3 =	simm.s32 @!p2 $0x50  }
0x227: {  	[tilespmem:s13], [sflag:$0x6] =	stream.indirect.gather @!p2 [hbm4b:s16+s3], $0x40, s9, s3, $0xb8;
	[tilespmem:$0x17AA0] =	vst v63  }
0x228: {  	_ =	swait.ge [sflag:s22], $0x1400  }
0x229: {  	[sflag:s22] =	ssyncset.done $0x0  }
0x22a: {  	[sflag:s22] =	ssyncadd.s32 $0xFFFFEC00  }
0x22b: {  	v1 =	vld [tilespmem:$0xDA30]  }
0x22c: {  	v2 =	vld [tilespmem:$0xDBC0];
	_ =	sdelay $0x5  }
0x22d: {  	s9 =	simm.s32 $0x0  }
0x22e: {  	v3 =	vld.idx.msk [tilespmem:v1+s9+$0x0], $0xffff  }
0x22f: {  	v2 =	vld.idx.msk [tilespmem:v2+s12+$0x0], $0xffff;
	_ =	sdelay $0x4  }
0x230: {  	v2 =	vadd.f32 v2, v3;
	_ =	sdelay $0x1  }
0x231: {  	v3 =	vmul.f32 $1.442695020e+00, v2;
	_ =	sdelay $0x1  }
0x232: {  	(erf) = vpow2.f32 v3;
	_ =	sdelay $0x8  }
0x233: {  	v3 =	vpop (erf)  }
0x234: {  	v3 =	vadd.f32 $-1.000000000e+00, v3;
	_ =	sdelay $0x1  }
0x235: {  	v3 =	vmul.f32 $1.000000010e-01, v3  }
0x236: {  	vm0 =	vgt.f32 v2, $0.0e+00  }
0x237: {  	v2 =	vsel vm0, v2, v3  }
0x238: {  	v2 =	vmul.f32 $1.442695020e+00, v2;
	_ =	sdelay $0x1  }
0x239: {  	(erf) = vpow2.f32 v2;
	_ =	sdelay $0x8  }
0x23a: {  	[tilespmem:$0xDD50] =	vst v1;
	v2 =	vpop (erf)  }
0x23b: {  	[tilespmem:$0x7540] =	vst v2  }
0x23c: {  	[tilespmem:v1+s28+$0x0] =	vst.idx.add.f32.msk $0xffff, v2  }
0x23d: {  	v1 =	vld [tilespmem:$0xDA40]  }
0x23e: {  	v2 =	vld [tilespmem:$0xDBD0];
	_ =	sdelay $0x6  }
0x23f: {  	v3 =	vld.idx.msk [tilespmem:v1+s9+$0x0], $0xffff  }
0x240: {  	v2 =	vld.idx.msk [tilespmem:v2+s12+$0x0], $0xffff;
	_ =	sdelay $0x4  }
0x241: {  	v2 =	vadd.f32 v2, v3;
	_ =	sdelay $0x1  }
0x242: {  	v3 =	vmul.f32 $1.442695020e+00, v2;
	_ =	sdelay $0x1  }
0x243: {  	(erf) = vpow2.f32 v3;
	_ =	sdelay $0x8  }
0x244: {  	v3 =	vpop (erf)  }
0x245: {  	v3 =	vadd.f32 $-1.000000000e+00, v3;
	_ =	sdelay $0x1  }
0x246: {  	v3 =	vmul.f32 $1.000000010e-01, v3  }
0x247: {  	vm12 =	vgt.f32 v2, $0.0e+00  }
0x248: {  	v2 =	vsel vm12, v2, v3  }
0x249: {  	v2 =	vmul.f32 $1.442695020e+00, v2;
	_ =	sdelay $0x1  }
0x24a: {  	(erf) = vpow2.f32 v2;
	_ =	sdelay $0x8  }
0x24b: {  	[tilespmem:$0xDD60] =	vst v1;
	v2 =	vpop (erf)  }
0x24c: {  	[tilespmem:$0x7550] =	vst v2  }
0x24d: {  	[tilespmem:v1+s28+$0x0] =	vst.idx.add.f32.msk $0xffff, v2  }
0x24e: {  	v1 =	vld [tilespmem:$0xDA50]  }
0x24f: {  	v2 =	vld [tilespmem:$0xDBE0];
	_ =	sdelay $0x6  }
0x250: {  	v3 =	vld.idx.msk [tilespmem:v1+s9+$0x0], $0xffff  }
0x251: {  	v2 =	vld.idx.msk [tilespmem:v2+s12+$0x0], $0xffff;
	_ =	sdelay $0x4  }
0x252: {  	v2 =	vadd.f32 v2, v3;
	_ =	sdelay $0x1  }
0x253: {  	v3 =	vmul.f32 $1.442695020e+00, v2;
	_ =	sdelay $0x1  }
0x254: {  	(erf) = vpow2.f32 v3;
	_ =	sdelay $0x8  }
0x255: {  	v3 =	vpop (erf)  }
0x256: {  	v3 =	vadd.f32 $-1.000000000e+00, v3;
	_ =	sdelay $0x1  }
0x257: {  	v3 =	vmul.f32 $1.000000010e-01, v3  }
0x258: {  	vm13 =	vgt.f32 v2, $0.0e+00  }
0x259: {  	v2 =	vsel vm13, v2, v3  }
0x25a: {  	v2 =	vmul.f32 $1.442695020e+00, v2;
	_ =	sdelay $0x1  }
0x25b: {  	(erf) = vpow2.f32 v2;
	_ =	sdelay $0x8  }
0x25c: {  	[tilespmem:$0xDD70] =	vst v1;
	v2 =	vpop (erf)  }
0x25d: {  	[tilespmem:$0x7560] =	vst v2  }
0x25e: {  	[tilespmem:v1+s28+$0x0] =	vst.idx.add.f32.msk $0xffff, v2  }
0x25f: {  	v1 =	vld [tilespmem:$0xDA60]  }
0x260: {  	v2 =	vld [tilespmem:$0xDBF0];
	_ =	sdelay $0x6  }
0x261: {  	v3 =	vld.idx.msk [tilespmem:v1+s9+$0x0], $0xffff  }
0x262: {  	v2 =	vld.idx.msk [tilespmem:v2+s12+$0x0], $0xffff;
	_ =	sdelay $0x4  }
0x263: {  	v2 =	vadd.f32 v2, v3;
	_ =	sdelay $0x1  }
0x264: {  	v3 =	vmul.f32 $1.442695020e+00, v2;
	_ =	sdelay $0x1  }
0x265: {  	(erf) = vpow2.f32 v3;
	_ =	sdelay $0x8  }
0x266: {  	v3 =	vpop (erf)  }
0x267: {  	v3 =	vadd.f32 $-1.000000000e+00, v3;
	_ =	sdelay $0x1  }
0x268: {  	v3 =	vmul.f32 $1.000000010e-01, v3  }
0x269: {  	vm14 =	vgt.f32 v2, $0.0e+00  }
0x26a: {  	v2 =	vsel vm14, v2, v3  }
0x26b: {  	v2 =	vmul.f32 $1.442695020e+00, v2;
	_ =	sdelay $0x1  }
0x26c: {  	(erf) = vpow2.f32 v2;
	_ =	sdelay $0x8  }
0x26d: {  	[tilespmem:$0xDD80] =	vst v1;
	v2 =	vpop (erf)  }
0x26e: {  	[tilespmem:$0x7570] =	vst v2  }
0x26f: {  	[tilespmem:v1+s28+$0x0] =	vst.idx.add.f32.msk $0xffff, v2  }
0x270: {  	v1 =	vld [tilespmem:$0xDA70]  }
0x271: {  	v2 =	vld [tilespmem:$0xDC00];
	_ =	sdelay $0x6  }
0x272: {  	v3 =	vld.idx.msk [tilespmem:v1+s9+$0x0], $0xffff  }
0x273: {  	v2 =	vld.idx.msk [tilespmem:v2+s12+$0x0], $0xffff;
	_ =	sdelay $0x4  }
0x274: {  	v2 =	vadd.f32 v2, v3;
	_ =	sdelay $0x1  }
0x275: {  	v3 =	vmul.f32 $1.442695020e+00, v2;
	_ =	sdelay $0x1  }
0x276: {  	(erf) = vpow2.f32 v3;
	_ =	sdelay $0x8  }
0x277: {  	v3 =	vpop (erf)  }
0x278: {  	v3 =	vadd.f32 $-1.000000000e+00, v3;
	_ =	sdelay $0x1  }
0x279: {  	v3 =	vmul.f32 $1.000000010e-01, v3  }
0x27a: {  	vm15 =	vgt.f32 v2, $0.0e+00  }
0x27b: {  	v2 =	vsel vm15, v2, v3  }
0x27c: {  	v2 =	vmul.f32 $1.442695020e+00, v2;
	_ =	sdelay $0x1  }
0x27d: {  	(erf) = vpow2.f32 v2;
	_ =	sdelay $0x4  }
0x27e: {  	s23 =	simm.s32 $0x2;
	s21 =	simm.s32 $0x1;
	v2 =	vmov s9  }
0x27f: {  	v5 =	vmov s23;
	v4 =	vmov s21;
	s13 =	simm.s32 $0x3;
	v2 =	vand.u32 $0xFFFFFFFC, v2  }
0x280: {  	v4 =	vand.u32 $0xFFFFFFFD, v4;
	v3 =	vmov s13;
	v2 =	vbroadcast v2, $0x0  }
0x281: {  	v5 =	vand.u32 $0xFFFFFFFE, v5;
	v4 =	vbroadcast v4, $0x0  }
0x282: {  	v5 =	vbroadcast v5, $0x0;
	[tilespmem:$0xDD90] =	vst v1;
	v6 =	vpop (erf)  }
0x283: {  	[tilespmem:$0x7580] =	vst v6  }
0x284: {  	[tilespmem:v1+s28+$0x0] =	vst.idx.add.f32.msk $0xffff, v6  }
0x285: {  	v1 =	vld.idx.msk [tilespmem:v3+s6+$0x0], $0xffff  }
0x286: {  	v8 =	vld.idx.msk [tilespmem:v2+s6+$0x0], $0xffff  }
0x287: {  	v3 =	vld.idx.msk [tilespmem:v4+s6+$0x0], $0xffff  }
0x288: {  	s21 =	simm.s32 $0x9E10;
	v2 =	vld.idx.msk [tilespmem:v5+s6+$0x0], $0xffff  }
0x289: {  	v4 =	vld [tilespmem:s21+$0x30]  }
0x28a: {  	v5 =	vld [tilespmem:s21+$0xFFFFFF80]  }
0x28b: {  	v6 =	vld [tilespmem:s21+$0xFFFFFF90]  }
0x28c: {  	v7 =	vld [tilespmem:s21+$0xFFFFFFA0]  }
0x28d: {  	v9 =	vld [tilespmem:s21+$0xFFFFFFB0]  }
0x28e: {  	v10 =	vld [tilespmem:s21+$0xFFFFFFC0];
	v11 =	vmul.f32 v4, v2  }
0x28f: {  	v12 =	vmul.f32 v5, v8;
	v5 =	vld [tilespmem:s21+$0xFFFFFFD0]  }
0x290: {  	s9 =	simm.s32 $0x4;
	v13 =	vmul.f32 v6, v8;
	v4 =	vld [tilespmem:s21+$0xFFFFFFE0];
	[tilespmem:s21+$0x30] =	vst v11  }
0x291: {  	s13 =	simm.s32 $0x7;
	v6 =	vmov s9;
	[tilespmem:s21+$0xFFFFFF80] =	vst v12;
	v12 =	vmul.f32 v7, v8;
	v7 =	vld [tilespmem:s21+$0xFFFFFFF0]  }
0x292: {  	s23 =	simm.s32 $0x5;
	v14 =	vand.u32 $0xFFFFFFFC, v6;
	v6 =	vmov s13;
	[tilespmem:s21+$0xFFFFFF90] =	vst v13;
	v11 =	vmul.f32 v9, v8;
	v9 =	vld [tilespmem:s21+$0x0]  }
0x293: {  	s9 =	simm.s32 $0x6;
	s13 =	simm.s32 $0x8;
	v8 =	vbroadcast v14, $0x0;
	v13 =	vmov s23;
	s23 =	simm.s32 $0x9E10;
	[tilespmem:s21+$0xFFFFFFA0] =	vst v12;
	v12 =	vmul.f32 v10, v3;
	v10 =	vld [tilespmem:s21+$0x10]  }
.LBB2_11:
0x294: {  	p3 =	slt.u32 s13, $0x4C;
	v13 =	vand.u32 $0xFFFFFFFD, v13;
	v14 =	vmov s9;
	[tilespmem:s21+$0xFFFFFFB0] =	vst v11;
	v5 =	vmul.f32 v5, v3;
	v11 =	vld [tilespmem:s21+$0x20]  }
0x295: {  	v13 =	vbroadcast v13, $0x0;
	v14 =	vand.u32 $0xFFFFFFFE, v14;
	[tilespmem:s21+$0xFFFFFFC0] =	vst v12;
	v4 =	vmul.f32 v4, v3;
	v12 =	vld [tilespmem:s21+$0x40]  }
0x296: {  	v14 =	vbroadcast v14, $0x0;
	[tilespmem:s21+$0xFFFFFFD0] =	vst v5;
	v3 =	vmul.f32 v7, v3;
	v5 =	vld [tilespmem:s21+$0x50]  }
0x297: {  	[tilespmem:s21+$0xFFFFFFE0] =	vst v4;
	v4 =	vmul.f32 v9, v2;
	v7 =	vld [tilespmem:s21+$0x60]  }
0x298: {  	[tilespmem:s21+$0xFFFFFFF0] =	vst v3;
	v3 =	vmul.f32 v10, v2;
	v9 =	vld [tilespmem:s21+$0x70]  }
0x299: {  	v6 =	vld.idx.msk [tilespmem:v6+s6+$0x0], $0xffff;
	[tilespmem:s21+$0x0] =	vst v4;
	v2 =	vmul.f32 v11, v2  }
0x29a: {  	v8 =	vld.idx.msk [tilespmem:v8+s6+$0x0], $0xffff;
	[tilespmem:s21+$0x10] =	vst v3;
	v4 =	vmul.f32 v12, v1  }
0x29b: {  	v3 =	vld.idx.msk [tilespmem:v13+s6+$0x0], $0xffff;
	[tilespmem:s21+$0x20] =	vst v2;
	v5 =	vmul.f32 v5, v1  }
0x29c: {  	s21 =	sadd.s32 $0x100, s21;
	v2 =	vld.idx.msk [tilespmem:v14+s6+$0x0], $0xffff;
	[tilespmem:s23+$0x40] =	vst v4;
	v4 =	vmul.f32 v7, v1  }
0x29d: {  	v7 =	vld [tilespmem:s21+$0x30];
	[tilespmem:s23+$0x50] =	vst v5;
	v9 =	vmul.f32 v9, v1  }
0x29e: {  	v5 =	vld [tilespmem:s21+$0xFFFFFF80];
	[tilespmem:s23+$0x60] =	vst v4  }
0x29f: {  	v1 =	vmov v6;
	v4 =	vld [tilespmem:s21+$0xFFFFFF90];
	[tilespmem:s23+$0x70] =	vst v9;
	s23 =	smov.u32 s21  }
0x2a0: {  	v6 =	vld [tilespmem:s21+$0xFFFFFFA0]  }
0x2a1: {  	v9 =	vld [tilespmem:s21+$0xFFFFFFB0]  }
0x2a2: {  	v10 =	vld [tilespmem:s21+$0xFFFFFFC0];
	v7 =	vmul.f32 v7, v2  }
.Ltmp6:
0x2a3: {  	v11 =	vmul.f32 v5, v8;
	v5 =	vld [tilespmem:s21+$0xFFFFFFD0];
	(pc) =	sbr.rel @p3 .LBB2_11-.Ltmp6, $4  }
0x2a4: {  	v12 =	vmul.f32 v4, v8;
	v4 =	vld [tilespmem:s21+$0xFFFFFFE0];
	[tilespmem:s21+$0x30] =	vst v7  }
0x2a5: {  	s3 =	sadd.s32 $0x3, s13;
	v13 =	vmov s13;
	[tilespmem:s21+$0xFFFFFF80] =	vst v11;
	v14 =	vmul.f32 v6, v8;
	v7 =	vld [tilespmem:s21+$0xFFFFFFF0]  }
0x2a6: {  	s9 =	sadd.s32 $0x1, s13;
	v13 =	vand.u32 $0xFFFFFFFC, v13;
	v6 =	vmov s3;
	[tilespmem:s21+$0xFFFFFF90] =	vst v12;
	v11 =	vmul.f32 v9, v8;
	v9 =	vld [tilespmem:s21+$0x0]  }
0x2a7: {  	v8 =	vbroadcast v13, $0x0;
	v13 =	vmov s9;
	s9 =	sadd.s32 $0x2, s13;
	s13 =	sadd.s32 $0x4, s13;
	[tilespmem:s21+$0xFFFFFFA0] =	vst v14;
	v12 =	vmul.f32 v10, v3;
	v10 =	vld [tilespmem:s21+$0x10]  }
0x2a8: {  	v15 =	vld [tilespmem:s21+$0x20]  }
0x2a9: {  	v16 =	vld [tilespmem:s21+$0x40]  }
0x2aa: {  	v14 =	vmov s9;
	v17 =	vld [tilespmem:s21+$0x50]  }
0x2ab: {  	v18 =	vld [tilespmem:s21+$0x60];
	[tilespmem:s21+$0xFFFFFFB0] =	vst v11;
	v5 =	vmul.f32 v5, v3;
	v14 =	vand.u32 $0xFFFFFFFE, v14  }
0x2ac: {  	v11 =	vld [tilespmem:s21+$0x70];
	[tilespmem:s21+$0xFFFFFFC0] =	vst v12;
	v4 =	vmul.f32 v4, v3;
	v14 =	vbroadcast v14, $0x0  }
0x2ad: {  	v13 =	vand.u32 $0xFFFFFFFD, v13;
	v6 =	vld.idx.msk [tilespmem:v6+s6+$0x0], $0xffff;
	s3 =	sadd.s32 $0x100, s21;
	[tilespmem:s21+$0xFFFFFFD0] =	vst v5;
	v3 =	vmul.f32 v7, v3  }
0x2ae: {  	v13 =	vbroadcast v13, $0x0;
	v12 =	vld [tilespmem:s3+$0xFFFFFFA0];
	[tilespmem:s21+$0xFFFFFFE0] =	vst v4;
	v4 =	vmul.f32 v9, v2  }
0x2af: {  	v5 =	vld.idx.msk [tilespmem:v8+s6+$0x0], $0xffff;
	[tilespmem:s21+$0xFFFFFFF0] =	vst v3;
	v3 =	vmul.f32 v10, v2  }
0x2b0: {  	v9 =	vld [tilespmem:s3+$0xFFFFFF80];
	[tilespmem:s21+$0x0] =	vst v4;
	v2 =	vmul.f32 v15, v2  }
0x2b1: {  	v4 =	vld [tilespmem:s3+$0x30];
	[tilespmem:s21+$0x10] =	vst v3;
	v3 =	vmul.f32 v16, v1  }
0x2b2: {  	[tilespmem:s21+$0x20] =	vst v2;
	v2 =	vmul.f32 v17, v1;
	v8 =	vld.idx.msk [tilespmem:v14+s6+$0x0], $0xffff  }
0x2b3: {  	v10 =	vld [tilespmem:s3+$0xFFFFFF90];
	[tilespmem:s23+$0x40] =	vst v3;
	v3 =	vmul.f32 v18, v1  }
0x2b4: {  	v7 =	vld.idx.msk [tilespmem:v13+s6+$0x0], $0xffff;
	v1 =	vmul.f32 v11, v1;
	[tilespmem:s23+$0x50] =	vst v2  }
0x2b5: {  	v2 =	vld [tilespmem:s3+$0xFFFFFFB0];
	[tilespmem:s23+$0x60] =	vst v3  }
0x2b6: {  	v3 =	vld [tilespmem:s3+$0xFFFFFFC0];
	[tilespmem:s23+$0x70] =	vst v1;
	v1 =	vmul.f32 v9, v5  }
0x2b7: {  	v9 =	vld [tilespmem:s3+$0xFFFFFFD0];
	v4 =	vmul.f32 v4, v8  }
0x2b8: {  	v11 =	vld [tilespmem:s3+$0xFFFFFFE0];
	v10 =	vmul.f32 v10, v5;
	[tilespmem:s3+$0xFFFFFF80] =	vst v1  }
0x2b9: {  	v1 =	vmul.f32 v12, v5;
	[tilespmem:s3+$0x30] =	vst v4;
	v4 =	vld [tilespmem:s3+$0xFFFFFFF0]  }
0x2ba: {  	[tilespmem:s3+$0xFFFFFF90] =	vst v10;
	v2 =	vmul.f32 v2, v5;
	v5 =	vld [tilespmem:s3+$0x0]  }
0x2bb: {  	[tilespmem:s3+$0xFFFFFFA0] =	vst v1;
	v1 =	vmul.f32 v3, v7;
	v3 =	vld [tilespmem:s3+$0x10]  }
0x2bc: {  	[tilespmem:s3+$0xFFFFFFB0] =	vst v2;
	v2 =	vmul.f32 v9, v7;
	v9 =	vld [tilespmem:s3+$0x20]  }
0x2bd: {  	v10 =	vld [tilespmem:s3+$0x40];
	[tilespmem:s3+$0xFFFFFFC0] =	vst v1;
	v1 =	vmul.f32 v11, v7  }
0x2be: {  	[tilespmem:s3+$0xFFFFFFD0] =	vst v2;
	v2 =	vmul.f32 v4, v7;
	v4 =	vld [tilespmem:s3+$0x50]  }
0x2bf: {  	[tilespmem:s3+$0xFFFFFFE0] =	vst v1;
	v1 =	vmul.f32 v5, v8;
	v5 =	vld [tilespmem:s3+$0x60]  }
0x2c0: {  	[tilespmem:s3+$0xFFFFFFF0] =	vst v2;
	v2 =	vmul.f32 v3, v8;
	v3 =	vld [tilespmem:s3+$0x70]  }
0x2c1: {  	[tilespmem:s3+$0x0] =	vst v1;
	v1 =	vmul.f32 v9, v8  }
0x2c2: {  	[tilespmem:s3+$0x10] =	vst v2;
	v2 =	vmul.f32 v10, v6  }
0x2c3: {  	[tilespmem:s3+$0x20] =	vst v1;
	v1 =	vmul.f32 v4, v6  }
0x2c4: {  	[tilespmem:s3+$0x40] =	vst v2;
	v2 =	vmul.f32 v5, v6  }
0x2c5: {  	[tilespmem:s3+$0x50] =	vst v1;
	v1 =	vmul.f32 v3, v6  }
0x2c6: {  	[tilespmem:s3+$0x60] =	vst v2  }
0x2c7: {  	s21 =	simm.s32 $0x9D90;
	s23 =	simm.s32 $0xDD50;
	[tilespmem:s3+$0x70] =	vst v1;
	s3 =	sadd.s32 @!p2 s17, s31  }
0x2c8: {  	[spmem:s1] =	stream.indirect.scatter.add.f32 [tilespmem:s21], [sflag:$0xD], $0x40, s23, s19, $0xb8;
	[tilespmem:$0x17AA0] =	vst v63  }
0x2c9: {  	s3 =	sshrl.u32 @!p2 s3, $0x3  }
0x2ca: {  	s13 =	simm.s32 @!p2 $0x0;
	s21 =	simm.s32 @!p2 $0xDA30;
	s9 =	sadd.s32 @!p2 s4, s3  }
0x2cb: {  	[tilespmem:s21], [sflag:$0x3] =	stream.linear.gather @!p2 [hbm4b:s9+s13], $0x50, $0x38;
	[tilespmem:$0x17AA0] =	vst v63  }
0x2cc: {  	s3 =	sadd.s32 @!p2 s5, s3;
	s9 =	simm.s32 @!p2 $0xDBC0  }
0x2cd: {  	[tilespmem:s9], [sflag:$0x3] =	stream.linear.gather @!p2 [hbm4b:s3+s13], $0x50, $0x38;
	[tilespmem:$0x17AA0] =	vst v63  }
0x2ce: {  	s3 =	simm.s32 @!p2 $0xC  }
0x2cf: {  	_ =	swait.ge @!p2 [sflag:s3], $0x1400  }
0x2d0: {  	[sflag:s3] =	ssyncset.done @!p2 $0x0  }
0x2d1: {  	[sflag:s3] =	ssyncadd.s32 @!p2 $0xFFFFEC00;
	s3 =	simm.s32 @!p2 $0x2  }
0x2d2: {  	_ =	swait.ge @!p2 [sflag:s3], $0x50  }
0x2d3: {  	[sflag:s3] =	ssyncset.done @!p2 $0x0  }
0x2d4: {  	[sflag:s3] =	ssyncadd.s32 @!p2 $0xFFFFFFB0  }
0x2d5: {  	_ =	swait.ge @!p2 [sflag:s3], $0x50  }
0x2d6: {  	s9 =	simm.s32 @!p2 $0xDB70;
	[sflag:s3] =	ssyncset.done @!p2 $0x0  }
0x2d7: {  	s13 =	simm.s32 @!p2 $0x8990;
	[sflag:s3] =	ssyncadd.s32 @!p2 $0xFFFFFFB0;
	s3 =	simm.s32 @!p2 $0x50  }
0x2d8: {  	[tilespmem:s13], [sflag:$0x7] =	stream.indirect.gather @!p2 [hbm4b:s16+s3], $0x40, s9, s3, $0xb8;
	[tilespmem:$0x17AA0] =	vst v63  }
0x2d9: {  	_ =	swait.ge [sflag:s7], $0x1400  }
0x2da: {  	[sflag:s7] =	ssyncset.done $0x0  }
0x2db: {  	[sflag:s7] =	ssyncadd.s32 $0xFFFFEC00  }
0x2dc: {  	v1 =	vld [tilespmem:$0xDA80]  }
0x2dd: {  	v2 =	vld [tilespmem:$0xDC10];
	_ =	sdelay $0x5  }
0x2de: {  	s9 =	simm.s32 $0x0  }
0x2df: {  	v3 =	vld.idx.msk [tilespmem:v1+s9+$0x0], $0xffff  }
0x2e0: {  	v2 =	vld.idx.msk [tilespmem:v2+s12+$0x0], $0xffff;
	_ =	sdelay $0x4  }
0x2e1: {  	v2 =	vadd.f32 v2, v3;
	_ =	sdelay $0x1  }
0x2e2: {  	v3 =	vmul.f32 $1.442695020e+00, v2;
	_ =	sdelay $0x1  }
0x2e3: {  	(erf) = vpow2.f32 v3;
	_ =	sdelay $0x8  }
0x2e4: {  	v3 =	vpop (erf)  }
0x2e5: {  	v3 =	vadd.f32 $-1.000000000e+00, v3;
	_ =	sdelay $0x1  }
0x2e6: {  	v3 =	vmul.f32 $1.000000010e-01, v3  }
0x2e7: {  	vm0 =	vgt.f32 v2, $0.0e+00  }
0x2e8: {  	v2 =	vsel vm0, v2, v3  }
0x2e9: {  	v2 =	vmul.f32 $1.442695020e+00, v2;
	_ =	sdelay $0x1  }
0x2ea: {  	(erf) = vpow2.f32 v2;
	_ =	sdelay $0x8  }
0x2eb: {  	[tilespmem:$0xDDA0] =	vst v1;
	v2 =	vpop (erf)  }
0x2ec: {  	[tilespmem:$0x7540] =	vst v2  }
0x2ed: {  	[tilespmem:v1+s28+$0x0] =	vst.idx.add.f32.msk $0xffff, v2  }
0x2ee: {  	v1 =	vld [tilespmem:$0xDA90]  }
0x2ef: {  	v2 =	vld [tilespmem:$0xDC20];
	_ =	sdelay $0x6  }
0x2f0: {  	v3 =	vld.idx.msk [tilespmem:v1+s9+$0x0], $0xffff  }
0x2f1: {  	v2 =	vld.idx.msk [tilespmem:v2+s12+$0x0], $0xffff;
	_ =	sdelay $0x4  }
0x2f2: {  	v2 =	vadd.f32 v2, v3;
	_ =	sdelay $0x1  }
0x2f3: {  	v3 =	vmul.f32 $1.442695020e+00, v2;
	_ =	sdelay $0x1  }
0x2f4: {  	(erf) = vpow2.f32 v3;
	_ =	sdelay $0x8  }
0x2f5: {  	v3 =	vpop (erf)  }
0x2f6: {  	v3 =	vadd.f32 $-1.000000000e+00, v3;
	_ =	sdelay $0x1  }
0x2f7: {  	v3 =	vmul.f32 $1.000000010e-01, v3  }
0x2f8: {  	vm12 =	vgt.f32 v2, $0.0e+00  }
0x2f9: {  	v2 =	vsel vm12, v2, v3  }
0x2fa: {  	v2 =	vmul.f32 $1.442695020e+00, v2;
	_ =	sdelay $0x1  }
0x2fb: {  	(erf) = vpow2.f32 v2;
	_ =	sdelay $0x8  }
0x2fc: {  	[tilespmem:$0xDDB0] =	vst v1;
	v2 =	vpop (erf)  }
0x2fd: {  	[tilespmem:$0x7550] =	vst v2  }
0x2fe: {  	[tilespmem:v1+s28+$0x0] =	vst.idx.add.f32.msk $0xffff, v2  }
0x2ff: {  	v1 =	vld [tilespmem:$0xDAA0]  }
0x300: {  	v2 =	vld [tilespmem:$0xDC30];
	_ =	sdelay $0x6  }
0x301: {  	v3 =	vld.idx.msk [tilespmem:v1+s9+$0x0], $0xffff  }
0x302: {  	v2 =	vld.idx.msk [tilespmem:v2+s12+$0x0], $0xffff;
	_ =	sdelay $0x4  }
0x303: {  	v2 =	vadd.f32 v2, v3;
	_ =	sdelay $0x1  }
0x304: {  	v3 =	vmul.f32 $1.442695020e+00, v2;
	_ =	sdelay $0x1  }
0x305: {  	(erf) = vpow2.f32 v3;
	_ =	sdelay $0x8  }
0x306: {  	v3 =	vpop (erf)  }
0x307: {  	v3 =	vadd.f32 $-1.000000000e+00, v3;
	_ =	sdelay $0x1  }
0x308: {  	v3 =	vmul.f32 $1.000000010e-01, v3  }
0x309: {  	vm13 =	vgt.f32 v2, $0.0e+00  }
0x30a: {  	v2 =	vsel vm13, v2, v3  }
0x30b: {  	v2 =	vmul.f32 $1.442695020e+00, v2;
	_ =	sdelay $0x1  }
0x30c: {  	(erf) = vpow2.f32 v2;
	_ =	sdelay $0x8  }
0x30d: {  	[tilespmem:$0xDDC0] =	vst v1;
	v2 =	vpop (erf)  }
0x30e: {  	[tilespmem:$0x7560] =	vst v2  }
0x30f: {  	[tilespmem:v1+s28+$0x0] =	vst.idx.add.f32.msk $0xffff, v2  }
0x310: {  	v1 =	vld [tilespmem:$0xDAB0]  }
0x311: {  	v2 =	vld [tilespmem:$0xDC40];
	_ =	sdelay $0x6  }
0x312: {  	v3 =	vld.idx.msk [tilespmem:v1+s9+$0x0], $0xffff  }
0x313: {  	v2 =	vld.idx.msk [tilespmem:v2+s12+$0x0], $0xffff;
	_ =	sdelay $0x4  }
0x314: {  	v2 =	vadd.f32 v2, v3;
	_ =	sdelay $0x1  }
0x315: {  	v3 =	vmul.f32 $1.442695020e+00, v2;
	_ =	sdelay $0x1  }
0x316: {  	(erf) = vpow2.f32 v3;
	_ =	sdelay $0x8  }
0x317: {  	v3 =	vpop (erf)  }
0x318: {  	v3 =	vadd.f32 $-1.000000000e+00, v3;
	_ =	sdelay $0x1  }
0x319: {  	v3 =	vmul.f32 $1.000000010e-01, v3  }
0x31a: {  	vm14 =	vgt.f32 v2, $0.0e+00  }
0x31b: {  	v2 =	vsel vm14, v2, v3  }
0x31c: {  	v2 =	vmul.f32 $1.442695020e+00, v2;
	_ =	sdelay $0x1  }
0x31d: {  	(erf) = vpow2.f32 v2;
	_ =	sdelay $0x8  }
0x31e: {  	[tilespmem:$0xDDD0] =	vst v1;
	v2 =	vpop (erf)  }
0x31f: {  	[tilespmem:$0x7570] =	vst v2  }
0x320: {  	[tilespmem:v1+s28+$0x0] =	vst.idx.add.f32.msk $0xffff, v2  }
0x321: {  	v1 =	vld [tilespmem:$0xDAC0]  }
0x322: {  	v2 =	vld [tilespmem:$0xDC50];
	_ =	sdelay $0x6  }
0x323: {  	v3 =	vld.idx.msk [tilespmem:v1+s9+$0x0], $0xffff  }
0x324: {  	v2 =	vld.idx.msk [tilespmem:v2+s12+$0x0], $0xffff;
	_ =	sdelay $0x4  }
0x325: {  	v2 =	vadd.f32 v2, v3;
	_ =	sdelay $0x1  }
0x326: {  	v3 =	vmul.f32 $1.442695020e+00, v2;
	_ =	sdelay $0x1  }
0x327: {  	(erf) = vpow2.f32 v3;
	_ =	sdelay $0x8  }
0x328: {  	v3 =	vpop (erf)  }
0x329: {  	v3 =	vadd.f32 $-1.000000000e+00, v3;
	_ =	sdelay $0x1  }
0x32a: {  	v3 =	vmul.f32 $1.000000010e-01, v3  }
0x32b: {  	vm15 =	vgt.f32 v2, $0.0e+00  }
0x32c: {  	v2 =	vsel vm15, v2, v3  }
0x32d: {  	v2 =	vmul.f32 $1.442695020e+00, v2;
	_ =	sdelay $0x1  }
0x32e: {  	(erf) = vpow2.f32 v2;
	_ =	sdelay $0x4  }
0x32f: {  	s23 =	simm.s32 $0x2;
	s21 =	simm.s32 $0x1;
	v2 =	vmov s9  }
0x330: {  	v5 =	vmov s23;
	v4 =	vmov s21;
	s13 =	simm.s32 $0x3;
	v2 =	vand.u32 $0xFFFFFFFC, v2  }
0x331: {  	v4 =	vand.u32 $0xFFFFFFFD, v4;
	v3 =	vmov s13;
	v2 =	vbroadcast v2, $0x0  }
0x332: {  	v5 =	vand.u32 $0xFFFFFFFE, v5;
	v4 =	vbroadcast v4, $0x0  }
0x333: {  	v5 =	vbroadcast v5, $0x0;
	[tilespmem:$0xDDE0] =	vst v1;
	v6 =	vpop (erf)  }
0x334: {  	[tilespmem:$0x7580] =	vst v6  }
0x335: {  	[tilespmem:v1+s28+$0x0] =	vst.idx.add.f32.msk $0xffff, v6  }
0x336: {  	v1 =	vld.idx.msk [tilespmem:v3+s6+$0x0], $0xffff  }
0x337: {  	v8 =	vld.idx.msk [tilespmem:v2+s6+$0x0], $0xffff  }
0x338: {  	v3 =	vld.idx.msk [tilespmem:v4+s6+$0x0], $0xffff  }
0x339: {  	s21 =	simm.s32 $0xB210;
	v2 =	vld.idx.msk [tilespmem:v5+s6+$0x0], $0xffff  }
0x33a: {  	v4 =	vld [tilespmem:s21+$0x30]  }
0x33b: {  	v5 =	vld [tilespmem:s21+$0xFFFFFF80]  }
0x33c: {  	v6 =	vld [tilespmem:s21+$0xFFFFFF90]  }
0x33d: {  	v7 =	vld [tilespmem:s21+$0xFFFFFFA0]  }
0x33e: {  	v9 =	vld [tilespmem:s21+$0xFFFFFFB0]  }
0x33f: {  	v10 =	vld [tilespmem:s21+$0xFFFFFFC0];
	v11 =	vmul.f32 v4, v2  }
0x340: {  	v12 =	vmul.f32 v5, v8;
	v5 =	vld [tilespmem:s21+$0xFFFFFFD0]  }
0x341: {  	s9 =	simm.s32 $0x4;
	v13 =	vmul.f32 v6, v8;
	v4 =	vld [tilespmem:s21+$0xFFFFFFE0];
	[tilespmem:s21+$0x30] =	vst v11  }
0x342: {  	s13 =	simm.s32 $0x7;
	v6 =	vmov s9;
	[tilespmem:s21+$0xFFFFFF80] =	vst v12;
	v12 =	vmul.f32 v7, v8;
	v7 =	vld [tilespmem:s21+$0xFFFFFFF0]  }
0x343: {  	s23 =	simm.s32 $0x5;
	v14 =	vand.u32 $0xFFFFFFFC, v6;
	v6 =	vmov s13;
	[tilespmem:s21+$0xFFFFFF90] =	vst v13;
	v11 =	vmul.f32 v9, v8;
	v9 =	vld [tilespmem:s21+$0x0]  }
0x344: {  	s9 =	simm.s32 $0x6;
	s13 =	simm.s32 $0x8;
	v8 =	vbroadcast v14, $0x0;
	v13 =	vmov s23;
	s23 =	simm.s32 $0xB210;
	[tilespmem:s21+$0xFFFFFFA0] =	vst v12;
	v12 =	vmul.f32 v10, v3;
	v10 =	vld [tilespmem:s21+$0x10]  }
.LBB2_13:
0x345: {  	p3 =	slt.u32 s13, $0x4C;
	v13 =	vand.u32 $0xFFFFFFFD, v13;
	v14 =	vmov s9;
	[tilespmem:s21+$0xFFFFFFB0] =	vst v11;
	v5 =	vmul.f32 v5, v3;
	v11 =	vld [tilespmem:s21+$0x20]  }
0x346: {  	v13 =	vbroadcast v13, $0x0;
	v14 =	vand.u32 $0xFFFFFFFE, v14;
	[tilespmem:s21+$0xFFFFFFC0] =	vst v12;
	v4 =	vmul.f32 v4, v3;
	v12 =	vld [tilespmem:s21+$0x40]  }
0x347: {  	v14 =	vbroadcast v14, $0x0;
	[tilespmem:s21+$0xFFFFFFD0] =	vst v5;
	v3 =	vmul.f32 v7, v3;
	v5 =	vld [tilespmem:s21+$0x50]  }
0x348: {  	[tilespmem:s21+$0xFFFFFFE0] =	vst v4;
	v4 =	vmul.f32 v9, v2;
	v7 =	vld [tilespmem:s21+$0x60]  }
0x349: {  	[tilespmem:s21+$0xFFFFFFF0] =	vst v3;
	v3 =	vmul.f32 v10, v2;
	v9 =	vld [tilespmem:s21+$0x70]  }
0x34a: {  	v6 =	vld.idx.msk [tilespmem:v6+s6+$0x0], $0xffff;
	[tilespmem:s21+$0x0] =	vst v4;
	v2 =	vmul.f32 v11, v2  }
0x34b: {  	v8 =	vld.idx.msk [tilespmem:v8+s6+$0x0], $0xffff;
	[tilespmem:s21+$0x10] =	vst v3;
	v4 =	vmul.f32 v12, v1  }
0x34c: {  	v3 =	vld.idx.msk [tilespmem:v13+s6+$0x0], $0xffff;
	[tilespmem:s21+$0x20] =	vst v2;
	v5 =	vmul.f32 v5, v1  }
0x34d: {  	s21 =	sadd.s32 $0x100, s21;
	v2 =	vld.idx.msk [tilespmem:v14+s6+$0x0], $0xffff;
	[tilespmem:s23+$0x40] =	vst v4;
	v4 =	vmul.f32 v7, v1  }
0x34e: {  	v7 =	vld [tilespmem:s21+$0x30];
	[tilespmem:s23+$0x50] =	vst v5;
	v9 =	vmul.f32 v9, v1  }
0x34f: {  	v5 =	vld [tilespmem:s21+$0xFFFFFF80];
	[tilespmem:s23+$0x60] =	vst v4  }
0x350: {  	v1 =	vmov v6;
	v4 =	vld [tilespmem:s21+$0xFFFFFF90];
	[tilespmem:s23+$0x70] =	vst v9;
	s23 =	smov.u32 s21  }
0x351: {  	v6 =	vld [tilespmem:s21+$0xFFFFFFA0]  }
0x352: {  	v9 =	vld [tilespmem:s21+$0xFFFFFFB0]  }
0x353: {  	v10 =	vld [tilespmem:s21+$0xFFFFFFC0];
	v7 =	vmul.f32 v7, v2  }
.Ltmp7:
0x354: {  	v11 =	vmul.f32 v5, v8;
	v5 =	vld [tilespmem:s21+$0xFFFFFFD0];
	(pc) =	sbr.rel @p3 .LBB2_13-.Ltmp7, $4  }
0x355: {  	v12 =	vmul.f32 v4, v8;
	v4 =	vld [tilespmem:s21+$0xFFFFFFE0];
	[tilespmem:s21+$0x30] =	vst v7  }
0x356: {  	s3 =	sadd.s32 $0x3, s13;
	v13 =	vmov s13;
	[tilespmem:s21+$0xFFFFFF80] =	vst v11;
	v14 =	vmul.f32 v6, v8;
	v7 =	vld [tilespmem:s21+$0xFFFFFFF0]  }
0x357: {  	s9 =	sadd.s32 $0x1, s13;
	v13 =	vand.u32 $0xFFFFFFFC, v13;
	v6 =	vmov s3;
	[tilespmem:s21+$0xFFFFFF90] =	vst v12;
	v11 =	vmul.f32 v9, v8;
	v9 =	vld [tilespmem:s21+$0x0]  }
0x358: {  	v8 =	vbroadcast v13, $0x0;
	v13 =	vmov s9;
	s9 =	sadd.s32 $0x2, s13;
	s13 =	sadd.s32 $0x4, s13;
	[tilespmem:s21+$0xFFFFFFA0] =	vst v14;
	v12 =	vmul.f32 v10, v3;
	v10 =	vld [tilespmem:s21+$0x10]  }
0x359: {  	v15 =	vld [tilespmem:s21+$0x20]  }
0x35a: {  	v16 =	vld [tilespmem:s21+$0x40]  }
0x35b: {  	v14 =	vmov s9;
	v17 =	vld [tilespmem:s21+$0x50]  }
0x35c: {  	v18 =	vld [tilespmem:s21+$0x60];
	[tilespmem:s21+$0xFFFFFFB0] =	vst v11;
	v5 =	vmul.f32 v5, v3;
	v14 =	vand.u32 $0xFFFFFFFE, v14  }
0x35d: {  	v11 =	vld [tilespmem:s21+$0x70];
	[tilespmem:s21+$0xFFFFFFC0] =	vst v12;
	v4 =	vmul.f32 v4, v3;
	v14 =	vbroadcast v14, $0x0  }
0x35e: {  	v13 =	vand.u32 $0xFFFFFFFD, v13;
	v6 =	vld.idx.msk [tilespmem:v6+s6+$0x0], $0xffff;
	s3 =	sadd.s32 $0x100, s21;
	[tilespmem:s21+$0xFFFFFFD0] =	vst v5;
	v3 =	vmul.f32 v7, v3  }
0x35f: {  	v13 =	vbroadcast v13, $0x0;
	v12 =	vld [tilespmem:s3+$0xFFFFFFA0];
	[tilespmem:s21+$0xFFFFFFE0] =	vst v4;
	v4 =	vmul.f32 v9, v2  }
0x360: {  	v5 =	vld.idx.msk [tilespmem:v8+s6+$0x0], $0xffff;
	[tilespmem:s21+$0xFFFFFFF0] =	vst v3;
	v3 =	vmul.f32 v10, v2  }
0x361: {  	v9 =	vld [tilespmem:s3+$0xFFFFFF80];
	[tilespmem:s21+$0x0] =	vst v4;
	v2 =	vmul.f32 v15, v2  }
0x362: {  	v4 =	vld [tilespmem:s3+$0x30];
	[tilespmem:s21+$0x10] =	vst v3;
	v3 =	vmul.f32 v16, v1  }
0x363: {  	[tilespmem:s21+$0x20] =	vst v2;
	v2 =	vmul.f32 v17, v1;
	v8 =	vld.idx.msk [tilespmem:v14+s6+$0x0], $0xffff  }
0x364: {  	v10 =	vld [tilespmem:s3+$0xFFFFFF90];
	[tilespmem:s23+$0x40] =	vst v3;
	v3 =	vmul.f32 v18, v1  }
0x365: {  	v7 =	vld.idx.msk [tilespmem:v13+s6+$0x0], $0xffff;
	v1 =	vmul.f32 v11, v1;
	[tilespmem:s23+$0x50] =	vst v2  }
0x366: {  	v2 =	vld [tilespmem:s3+$0xFFFFFFB0];
	[tilespmem:s23+$0x60] =	vst v3  }
0x367: {  	v3 =	vld [tilespmem:s3+$0xFFFFFFC0];
	[tilespmem:s23+$0x70] =	vst v1;
	v1 =	vmul.f32 v9, v5  }
0x368: {  	v9 =	vld [tilespmem:s3+$0xFFFFFFD0];
	v4 =	vmul.f32 v4, v8  }
0x369: {  	v11 =	vld [tilespmem:s3+$0xFFFFFFE0];
	v10 =	vmul.f32 v10, v5;
	[tilespmem:s3+$0xFFFFFF80] =	vst v1  }
0x36a: {  	v1 =	vmul.f32 v12, v5;
	[tilespmem:s3+$0x30] =	vst v4;
	v4 =	vld [tilespmem:s3+$0xFFFFFFF0]  }
0x36b: {  	[tilespmem:s3+$0xFFFFFF90] =	vst v10;
	v2 =	vmul.f32 v2, v5;
	v5 =	vld [tilespmem:s3+$0x0]  }
0x36c: {  	[tilespmem:s3+$0xFFFFFFA0] =	vst v1;
	v1 =	vmul.f32 v3, v7;
	v3 =	vld [tilespmem:s3+$0x10]  }
0x36d: {  	[tilespmem:s3+$0xFFFFFFB0] =	vst v2;
	v2 =	vmul.f32 v9, v7;
	v9 =	vld [tilespmem:s3+$0x20]  }
0x36e: {  	v10 =	vld [tilespmem:s3+$0x40];
	[tilespmem:s3+$0xFFFFFFC0] =	vst v1;
	v1 =	vmul.f32 v11, v7  }
0x36f: {  	[tilespmem:s3+$0xFFFFFFD0] =	vst v2;
	v2 =	vmul.f32 v4, v7;
	v4 =	vld [tilespmem:s3+$0x50]  }
0x370: {  	[tilespmem:s3+$0xFFFFFFE0] =	vst v1;
	v1 =	vmul.f32 v5, v8;
	v5 =	vld [tilespmem:s3+$0x60]  }
0x371: {  	[tilespmem:s3+$0xFFFFFFF0] =	vst v2;
	v2 =	vmul.f32 v3, v8;
	v3 =	vld [tilespmem:s3+$0x70]  }
0x372: {  	[tilespmem:s3+$0x0] =	vst v1;
	v1 =	vmul.f32 v9, v8  }
0x373: {  	[tilespmem:s3+$0x10] =	vst v2;
	v2 =	vmul.f32 v10, v6  }
0x374: {  	[tilespmem:s3+$0x20] =	vst v1;
	v1 =	vmul.f32 v4, v6  }
0x375: {  	[tilespmem:s3+$0x40] =	vst v2;
	v2 =	vmul.f32 v5, v6  }
0x376: {  	[tilespmem:s3+$0x50] =	vst v1;
	v1 =	vmul.f32 v3, v6  }
0x377: {  	[tilespmem:s3+$0x60] =	vst v2  }
0x378: {  	s13 =	simm.s32 $0xDDA0;
	[tilespmem:s3+$0x70] =	vst v1;
	s3 =	sadd.s32 @!p2 s17, s0  }
0x379: {  	[spmem:s1] =	stream.indirect.scatter.add.f32 [tilespmem:s25], [sflag:$0xE], $0x40, s13, s19, $0xb8;
	[tilespmem:$0x17AA0] =	vst v63  }
0x37a: {  	s3 =	sshrl.u32 @!p2 s3, $0x3  }
0x37b: {  	s17 =	simm.s32 @!p2 $0xDA80;
	s13 =	simm.s32 @!p2 $0x0;
	s9 =	sadd.s32 @!p2 s4, s3  }
0x37c: {  	[tilespmem:s17], [sflag:$0x4] =	stream.linear.gather @!p2 [hbm4b:s9+s13], $0x50, $0x38;
	[tilespmem:$0x17AA0] =	vst v63  }
0x37d: {  	s3 =	sadd.s32 @!p2 s5, s3;
	s9 =	simm.s32 @!p2 $0xDC10  }
0x37e: {  	[tilespmem:s9], [sflag:$0x4] =	stream.linear.gather @!p2 [hbm4b:s3+s13], $0x50, $0x38;
	[tilespmem:$0x17AA0] =	vst v63  }
0x37f: {  	s3 =	simm.s32 @!p2 $0xD  }
0x380: {  	_ =	swait.ge @!p2 [sflag:s3], $0x1400  }
0x381: {  	[sflag:s3] =	ssyncset.done @!p2 $0x0  }
0x382: {  	[sflag:s3] =	ssyncadd.s32 @!p2 $0xFFFFEC00;
	s3 =	simm.s32 @!p2 $0x3  }
0x383: {  	_ =	swait.ge @!p2 [sflag:s3], $0x50  }
0x384: {  	[sflag:s3] =	ssyncset.done @!p2 $0x0  }
0x385: {  	[sflag:s3] =	ssyncadd.s32 @!p2 $0xFFFFFFB0  }
0x386: {  	_ =	swait.ge @!p2 [sflag:s3], $0x50  }
0x387: {  	s9 =	simm.s32 @!p2 $0xDBC0;
	[sflag:s3] =	ssyncset.done @!p2 $0x0  }
0x388: {  	s13 =	simm.s32 @!p2 $0x9D90;
	[sflag:s3] =	ssyncadd.s32 @!p2 $0xFFFFFFB0;
	s3 =	simm.s32 @!p2 $0x50  }
0x389: {  	[tilespmem:s13], [sflag:$0x8] =	stream.indirect.gather @!p2 [hbm4b:s16+s3], $0x40, s9, s3, $0xb8;
	[tilespmem:$0x17AA0] =	vst v63  }
0x38a: {  	_ =	swait.ge [sflag:s15], $0x1400  }
0x38b: {  	[sflag:s15] =	ssyncset.done $0x0  }
0x38c: {  	[sflag:s15] =	ssyncadd.s32 $0xFFFFEC00  }
0x38d: {  	v1 =	vld [tilespmem:$0xDAD0]  }
0x38e: {  	v2 =	vld [tilespmem:$0xDC60];
	_ =	sdelay $0x5  }
0x38f: {  	s17 =	simm.s32 $0x0  }
0x390: {  	v3 =	vld.idx.msk [tilespmem:v1+s17+$0x0], $0xffff  }
0x391: {  	v2 =	vld.idx.msk [tilespmem:v2+s12+$0x0], $0xffff;
	_ =	sdelay $0x4  }
0x392: {  	v2 =	vadd.f32 v2, v3;
	_ =	sdelay $0x1  }
0x393: {  	v3 =	vmul.f32 $1.442695020e+00, v2;
	_ =	sdelay $0x1  }
0x394: {  	(erf) = vpow2.f32 v3;
	_ =	sdelay $0x8  }
0x395: {  	v3 =	vpop (erf)  }
0x396: {  	v3 =	vadd.f32 $-1.000000000e+00, v3;
	_ =	sdelay $0x1  }
0x397: {  	v3 =	vmul.f32 $1.000000010e-01, v3  }
0x398: {  	vm0 =	vgt.f32 v2, $0.0e+00  }
0x399: {  	v2 =	vsel vm0, v2, v3  }
0x39a: {  	v2 =	vmul.f32 $1.442695020e+00, v2;
	_ =	sdelay $0x1  }
0x39b: {  	(erf) = vpow2.f32 v2;
	_ =	sdelay $0x8  }
0x39c: {  	[tilespmem:$0xDDF0] =	vst v1;
	v2 =	vpop (erf)  }
0x39d: {  	[tilespmem:$0x7540] =	vst v2  }
0x39e: {  	[tilespmem:v1+s28+$0x0] =	vst.idx.add.f32.msk $0xffff, v2  }
0x39f: {  	v1 =	vld [tilespmem:$0xDAE0]  }
0x3a0: {  	v2 =	vld [tilespmem:$0xDC70];
	_ =	sdelay $0x6  }
0x3a1: {  	v3 =	vld.idx.msk [tilespmem:v1+s17+$0x0], $0xffff  }
0x3a2: {  	v2 =	vld.idx.msk [tilespmem:v2+s12+$0x0], $0xffff;
	_ =	sdelay $0x4  }
0x3a3: {  	v2 =	vadd.f32 v2, v3;
	_ =	sdelay $0x1  }
0x3a4: {  	v3 =	vmul.f32 $1.442695020e+00, v2;
	_ =	sdelay $0x1  }
0x3a5: {  	(erf) = vpow2.f32 v3;
	_ =	sdelay $0x8  }
0x3a6: {  	v3 =	vpop (erf)  }
0x3a7: {  	v3 =	vadd.f32 $-1.000000000e+00, v3;
	_ =	sdelay $0x1  }
0x3a8: {  	v3 =	vmul.f32 $1.000000010e-01, v3  }
0x3a9: {  	vm12 =	vgt.f32 v2, $0.0e+00  }
0x3aa: {  	v2 =	vsel vm12, v2, v3  }
0x3ab: {  	v2 =	vmul.f32 $1.442695020e+00, v2;
	_ =	sdelay $0x1  }
0x3ac: {  	(erf) = vpow2.f32 v2;
	_ =	sdelay $0x8  }
0x3ad: {  	[tilespmem:$0xDE00] =	vst v1;
	v2 =	vpop (erf)  }
0x3ae: {  	[tilespmem:$0x7550] =	vst v2  }
0x3af: {  	[tilespmem:v1+s28+$0x0] =	vst.idx.add.f32.msk $0xffff, v2  }
0x3b0: {  	v1 =	vld [tilespmem:$0xDAF0]  }
0x3b1: {  	v2 =	vld [tilespmem:$0xDC80];
	_ =	sdelay $0x6  }
0x3b2: {  	v3 =	vld.idx.msk [tilespmem:v1+s17+$0x0], $0xffff  }
0x3b3: {  	v2 =	vld.idx.msk [tilespmem:v2+s12+$0x0], $0xffff;
	_ =	sdelay $0x4  }
0x3b4: {  	v2 =	vadd.f32 v2, v3;
	_ =	sdelay $0x1  }
0x3b5: {  	v3 =	vmul.f32 $1.442695020e+00, v2;
	_ =	sdelay $0x1  }
0x3b6: {  	(erf) = vpow2.f32 v3;
	_ =	sdelay $0x8  }
0x3b7: {  	v3 =	vpop (erf)  }
0x3b8: {  	v3 =	vadd.f32 $-1.000000000e+00, v3;
	_ =	sdelay $0x1  }
0x3b9: {  	v3 =	vmul.f32 $1.000000010e-01, v3  }
0x3ba: {  	vm13 =	vgt.f32 v2, $0.0e+00  }
0x3bb: {  	v2 =	vsel vm13, v2, v3  }
0x3bc: {  	v2 =	vmul.f32 $1.442695020e+00, v2;
	_ =	sdelay $0x1  }
0x3bd: {  	(erf) = vpow2.f32 v2;
	_ =	sdelay $0x8  }
0x3be: {  	[tilespmem:$0xDE10] =	vst v1;
	v2 =	vpop (erf)  }
0x3bf: {  	[tilespmem:$0x7560] =	vst v2  }
0x3c0: {  	[tilespmem:v1+s28+$0x0] =	vst.idx.add.f32.msk $0xffff, v2  }
0x3c1: {  	v1 =	vld [tilespmem:$0xDB00]  }
0x3c2: {  	v2 =	vld [tilespmem:$0xDC90];
	_ =	sdelay $0x6  }
0x3c3: {  	v3 =	vld.idx.msk [tilespmem:v1+s17+$0x0], $0xffff  }
0x3c4: {  	v2 =	vld.idx.msk [tilespmem:v2+s12+$0x0], $0xffff;
	_ =	sdelay $0x4  }
0x3c5: {  	v2 =	vadd.f32 v2, v3;
	_ =	sdelay $0x1  }
0x3c6: {  	v3 =	vmul.f32 $1.442695020e+00, v2;
	_ =	sdelay $0x1  }
0x3c7: {  	(erf) = vpow2.f32 v3;
	_ =	sdelay $0x8  }
0x3c8: {  	v3 =	vpop (erf)  }
0x3c9: {  	v3 =	vadd.f32 $-1.000000000e+00, v3;
	_ =	sdelay $0x1  }
0x3ca: {  	v3 =	vmul.f32 $1.000000010e-01, v3  }
0x3cb: {  	vm14 =	vgt.f32 v2, $0.0e+00  }
0x3cc: {  	v2 =	vsel vm14, v2, v3  }
0x3cd: {  	v2 =	vmul.f32 $1.442695020e+00, v2;
	_ =	sdelay $0x1  }
0x3ce: {  	(erf) = vpow2.f32 v2;
	_ =	sdelay $0x8  }
0x3cf: {  	[tilespmem:$0xDE20] =	vst v1;
	v2 =	vpop (erf)  }
0x3d0: {  	[tilespmem:$0x7570] =	vst v2  }
0x3d1: {  	[tilespmem:v1+s28+$0x0] =	vst.idx.add.f32.msk $0xffff, v2  }
0x3d2: {  	v1 =	vld [tilespmem:$0xDB10]  }
0x3d3: {  	v2 =	vld [tilespmem:$0xDCA0];
	_ =	sdelay $0x6  }
0x3d4: {  	v3 =	vld.idx.msk [tilespmem:v1+s17+$0x0], $0xffff  }
0x3d5: {  	v2 =	vld.idx.msk [tilespmem:v2+s12+$0x0], $0xffff;
	_ =	sdelay $0x4  }
0x3d6: {  	v2 =	vadd.f32 v2, v3;
	_ =	sdelay $0x1  }
0x3d7: {  	v3 =	vmul.f32 $1.442695020e+00, v2;
	_ =	sdelay $0x1  }
0x3d8: {  	(erf) = vpow2.f32 v3;
	_ =	sdelay $0x8  }
0x3d9: {  	v3 =	vpop (erf)  }
0x3da: {  	v3 =	vadd.f32 $-1.000000000e+00, v3;
	_ =	sdelay $0x1  }
0x3db: {  	v3 =	vmul.f32 $1.000000010e-01, v3  }
0x3dc: {  	vm15 =	vgt.f32 v2, $0.0e+00  }
0x3dd: {  	v2 =	vsel vm15, v2, v3  }
0x3de: {  	v2 =	vmul.f32 $1.442695020e+00, v2;
	_ =	sdelay $0x1  }
0x3df: {  	(erf) = vpow2.f32 v2;
	_ =	sdelay $0x3  }
0x3e0: {  	s23 =	simm.s32 $0x1  }
0x3e1: {  	v4 =	vmov s23;
	v2 =	vmov s17  }
0x3e2: {  	s21 =	simm.s32 $0x3;
	v4 =	vand.u32 $0xFFFFFFFD, v4;
	s9 =	simm.s32 $0x2;
	v2 =	vand.u32 $0xFFFFFFFC, v2  }
0x3e3: {  	v5 =	vmov s9;
	v3 =	vmov s21;
	v2 =	vbroadcast v2, $0x0  }
0x3e4: {  	v4 =	vbroadcast v4, $0x0;
	v5 =	vand.u32 $0xFFFFFFFE, v5  }
0x3e5: {  	v5 =	vbroadcast v5, $0x0;
	[tilespmem:$0xDE30] =	vst v1;
	v6 =	vpop (erf)  }
0x3e6: {  	[tilespmem:$0x7580] =	vst v6  }
0x3e7: {  	[tilespmem:v1+s28+$0x0] =	vst.idx.add.f32.msk $0xffff, v6  }
0x3e8: {  	v1 =	vld.idx.msk [tilespmem:v3+s6+$0x0], $0xffff  }
0x3e9: {  	v8 =	vld.idx.msk [tilespmem:v2+s6+$0x0], $0xffff  }
0x3ea: {  	v3 =	vld.idx.msk [tilespmem:v4+s6+$0x0], $0xffff  }
0x3eb: {  	s17 =	simm.s32 $0xC610;
	v2 =	vld.idx.msk [tilespmem:v5+s6+$0x0], $0xffff  }
0x3ec: {  	v4 =	vld [tilespmem:s17+$0x30]  }
0x3ed: {  	v5 =	vld [tilespmem:s17+$0xFFFFFF80]  }
0x3ee: {  	v6 =	vld [tilespmem:s17+$0xFFFFFF90]  }
0x3ef: {  	v7 =	vld [tilespmem:s17+$0xFFFFFFA0]  }
0x3f0: {  	v9 =	vld [tilespmem:s17+$0xFFFFFFB0]  }
0x3f1: {  	v10 =	vld [tilespmem:s17+$0xFFFFFFC0];
	v11 =	vmul.f32 v4, v2  }
0x3f2: {  	v12 =	vmul.f32 v5, v8;
	v5 =	vld [tilespmem:s17+$0xFFFFFFD0]  }
0x3f3: {  	s13 =	simm.s32 $0x4;
	v13 =	vmul.f32 v6, v8;
	v4 =	vld [tilespmem:s17+$0xFFFFFFE0];
	[tilespmem:s17+$0x30] =	vst v11  }
0x3f4: {  	s21 =	simm.s32 $0x7;
	v6 =	vmov s13;
	[tilespmem:s17+$0xFFFFFF80] =	vst v12;
	v12 =	vmul.f32 v7, v8;
	v7 =	vld [tilespmem:s17+$0xFFFFFFF0]  }
0x3f5: {  	s23 =	simm.s32 $0x5;
	v14 =	vand.u32 $0xFFFFFFFC, v6;
	v6 =	vmov s21;
	[tilespmem:s17+$0xFFFFFF90] =	vst v13;
	v11 =	vmul.f32 v9, v8;
	v9 =	vld [tilespmem:s17+$0x0]  }
0x3f6: {  	s9 =	simm.s32 $0x6;
	s13 =	simm.s32 $0x8;
	s21 =	simm.s32 $0xC610;
	v8 =	vbroadcast v14, $0x0;
	v13 =	vmov s23;
	[tilespmem:s17+$0xFFFFFFA0] =	vst v12;
	v12 =	vmul.f32 v10, v3;
	v10 =	vld [tilespmem:s17+$0x10]  }
.LBB2_15:
0x3f7: {  	p3 =	slt.u32 s13, $0x4C;
	v13 =	vand.u32 $0xFFFFFFFD, v13;
	v14 =	vmov s9;
	[tilespmem:s17+$0xFFFFFFB0] =	vst v11;
	v5 =	vmul.f32 v5, v3;
	v11 =	vld [tilespmem:s17+$0x20]  }
0x3f8: {  	v13 =	vbroadcast v13, $0x0;
	v14 =	vand.u32 $0xFFFFFFFE, v14;
	[tilespmem:s17+$0xFFFFFFC0] =	vst v12;
	v4 =	vmul.f32 v4, v3;
	v12 =	vld [tilespmem:s17+$0x40]  }
0x3f9: {  	v14 =	vbroadcast v14, $0x0;
	[tilespmem:s17+$0xFFFFFFD0] =	vst v5;
	v3 =	vmul.f32 v7, v3;
	v5 =	vld [tilespmem:s17+$0x50]  }
0x3fa: {  	[tilespmem:s17+$0xFFFFFFE0] =	vst v4;
	v4 =	vmul.f32 v9, v2;
	v7 =	vld [tilespmem:s17+$0x60]  }
0x3fb: {  	[tilespmem:s17+$0xFFFFFFF0] =	vst v3;
	v3 =	vmul.f32 v10, v2;
	v9 =	vld [tilespmem:s17+$0x70]  }
0x3fc: {  	v6 =	vld.idx.msk [tilespmem:v6+s6+$0x0], $0xffff;
	[tilespmem:s17+$0x0] =	vst v4;
	v2 =	vmul.f32 v11, v2  }
0x3fd: {  	v8 =	vld.idx.msk [tilespmem:v8+s6+$0x0], $0xffff;
	[tilespmem:s17+$0x10] =	vst v3;
	v4 =	vmul.f32 v12, v1  }
0x3fe: {  	v3 =	vld.idx.msk [tilespmem:v13+s6+$0x0], $0xffff;
	[tilespmem:s17+$0x20] =	vst v2;
	v5 =	vmul.f32 v5, v1  }
0x3ff: {  	s17 =	sadd.s32 $0x100, s17;
	v2 =	vld.idx.msk [tilespmem:v14+s6+$0x0], $0xffff;
	[tilespmem:s21+$0x40] =	vst v4;
	v4 =	vmul.f32 v7, v1  }
0x400: {  	v7 =	vld [tilespmem:s17+$0x30];
	[tilespmem:s21+$0x50] =	vst v5;
	v9 =	vmul.f32 v9, v1  }
0x401: {  	v5 =	vld [tilespmem:s17+$0xFFFFFF80];
	[tilespmem:s21+$0x60] =	vst v4  }
0x402: {  	v1 =	vmov v6;
	v4 =	vld [tilespmem:s17+$0xFFFFFF90];
	[tilespmem:s21+$0x70] =	vst v9;
	s21 =	smov.u32 s17  }
0x403: {  	v6 =	vld [tilespmem:s17+$0xFFFFFFA0]  }
0x404: {  	v9 =	vld [tilespmem:s17+$0xFFFFFFB0]  }
0x405: {  	v10 =	vld [tilespmem:s17+$0xFFFFFFC0];
	v7 =	vmul.f32 v7, v2  }
.Ltmp8:
0x406: {  	v11 =	vmul.f32 v5, v8;
	v5 =	vld [tilespmem:s17+$0xFFFFFFD0];
	(pc) =	sbr.rel @p3 .LBB2_15-.Ltmp8, $4  }
0x407: {  	v12 =	vmul.f32 v4, v8;
	v4 =	vld [tilespmem:s17+$0xFFFFFFE0];
	[tilespmem:s17+$0x30] =	vst v7  }
0x408: {  	s3 =	sadd.s32 $0x3, s13;
	v13 =	vmov s13;
	[tilespmem:s17+$0xFFFFFF80] =	vst v11;
	v14 =	vmul.f32 v6, v8;
	v7 =	vld [tilespmem:s17+$0xFFFFFFF0]  }
0x409: {  	s9 =	sadd.s32 $0x1, s13;
	v13 =	vand.u32 $0xFFFFFFFC, v13;
	v6 =	vmov s3;
	[tilespmem:s17+$0xFFFFFF90] =	vst v12;
	v11 =	vmul.f32 v9, v8;
	v9 =	vld [tilespmem:s17+$0x0]  }
0x40a: {  	v8 =	vbroadcast v13, $0x0;
	v13 =	vmov s9;
	s9 =	sadd.s32 $0x2, s13;
	s13 =	sadd.s32 $0x4, s13;
	[tilespmem:s17+$0xFFFFFFA0] =	vst v14;
	v12 =	vmul.f32 v10, v3;
	v10 =	vld [tilespmem:s17+$0x10]  }
0x40b: {  	v15 =	vld [tilespmem:s17+$0x20]  }
0x40c: {  	v16 =	vld [tilespmem:s17+$0x40]  }
0x40d: {  	v17 =	vld [tilespmem:s17+$0x50]  }
0x40e: {  	v13 =	vand.u32 $0xFFFFFFFD, v13;
	v18 =	vld [tilespmem:s17+$0x60]  }
0x40f: {  	v14 =	vmov s9;
	[tilespmem:s17+$0xFFFFFFB0] =	vst v11;
	v5 =	vmul.f32 v5, v3;
	v47 =	vld [tilespmem:s17+$0x70];
	v13 =	vbroadcast v13, $0x0  }
0x410: {  	v6 =	vld.idx.msk [tilespmem:v6+s6+$0x0], $0xffff;
	v14 =	vand.u32 $0xFFFFFFFE, v14;
	[tilespmem:s17+$0xFFFFFFC0] =	vst v12;
	v4 =	vmul.f32 v4, v3;
	v3 =	vmul.f32 v7, v3  }
0x411: {  	s3 =	sadd.s32 $0x100, s17;
	v48 =	vld.idx.msk [tilespmem:v8+s6+$0x0], $0xffff;
	v14 =	vbroadcast v14, $0x0;
	[tilespmem:s17+$0xFFFFFFD0] =	vst v5  }
0x412: {  	v52 =	vld [tilespmem:s3+$0x30];
	[tilespmem:s17+$0xFFFFFFF0] =	vst v3;
	v3 =	vmul.f32 v10, v2  }
0x413: {  	v53 =	vld [tilespmem:s3+$0xFFFFFF80];
	[tilespmem:s17+$0xFFFFFFE0] =	vst v4;
	v49 =	vmul.f32 v9, v2;
	v2 =	vmul.f32 v15, v2  }
0x414: {  	v54 =	vld [tilespmem:s3+$0xFFFFFF90];
	[tilespmem:s17+$0x10] =	vst v3;
	v3 =	vmul.f32 v16, v1  }
0x415: {  	v55 =	vld [tilespmem:s3+$0xFFFFFFA0];
	[tilespmem:s17+$0x20] =	vst v2;
	v2 =	vmul.f32 v17, v1  }
0x416: {  	v50 =	vld.idx.msk [tilespmem:v13+s6+$0x0], $0xffff;
	[tilespmem:s21+$0x40] =	vst v3;
	v3 =	vmul.f32 v18, v1  }
0x417: {  	v51 =	vld.idx.msk [tilespmem:v14+s6+$0x0], $0xffff;
	v1 =	vmul.f32 v47, v1;
	[tilespmem:s21+$0x50] =	vst v2  }
0x418: {  	v2 =	vld [tilespmem:s3+$0xFFFFFFB0];
	[tilespmem:s21+$0x60] =	vst v3  }
0x419: {  	v3 =	vld [tilespmem:s3+$0xFFFFFFC0];
	[tilespmem:s21+$0x70] =	vst v1;
	v1 =	vmul.f32 v53, v48  }
0x41a: {  	v56 =	vld [tilespmem:s3+$0xFFFFFFD0];
	[tilespmem:s17+$0x0] =	vst v49;
	v10 =	vmul.f32 v54, v48  }
0x41b: {  	v57 =	vld [tilespmem:s3+$0xFFFFFFE0];
	[tilespmem:s3+$0xFFFFFF80] =	vst v1;
	v1 =	vmul.f32 v55, v48  }
0x41c: {  	v58 =	vld [tilespmem:s3+$0xFFFFFFF0];
	[tilespmem:s3+$0xFFFFFF90] =	vst v10;
	v4 =	vmul.f32 v52, v51  }
0x41d: {  	v59 =	vld [tilespmem:s3+$0x0];
	v2 =	vmul.f32 v2, v48;
	[tilespmem:s3+$0xFFFFFFA0] =	vst v1  }
0x41e: {  	[tilespmem:s3+$0x30] =	vst v4;
	v1 =	vmul.f32 v3, v50;
	v3 =	vld [tilespmem:s3+$0x10]  }
0x41f: {  	v60 =	vld [tilespmem:s3+$0x20];
	[tilespmem:s3+$0xFFFFFFB0] =	vst v2;
	v2 =	vmul.f32 v56, v50  }
0x420: {  	v61 =	vld [tilespmem:s3+$0x40];
	[tilespmem:s3+$0xFFFFFFC0] =	vst v1;
	v1 =	vmul.f32 v57, v50  }
0x421: {  	v62 =	vld [tilespmem:s3+$0x50];
	[tilespmem:s3+$0xFFFFFFD0] =	vst v2;
	v2 =	vmul.f32 v58, v50  }
0x422: {  	v63 =	vld [tilespmem:s3+$0x60];
	[tilespmem:s3+$0xFFFFFFE0] =	vst v1;
	v1 =	vmul.f32 v59, v51  }
0x423: {  	[tilespmem:s3+$0xFFFFFFF0] =	vst v2;
	v2 =	vmul.f32 v3, v51;
	v3 =	vld [tilespmem:s3+$0x70]  }
0x424: {  	[tilespmem:s3+$0x0] =	vst v1;
	v1 =	vmul.f32 v60, v51  }
0x425: {  	[tilespmem:s3+$0x10] =	vst v2;
	v2 =	vmul.f32 v61, v6  }
0x426: {  	[tilespmem:s3+$0x20] =	vst v1;
	v1 =	vmul.f32 v62, v6  }
.Ltmp9:
0x427: {  	[tilespmem:s3+$0x40] =	vst v2;
	v2 =	vmul.f32 v63, v6;
	(pc) =	sbr.rel @p2 .LBB2_18-.Ltmp9, $4  }
0x428: {  	[tilespmem:s3+$0x50] =	vst v1;
	v1 =	vmul.f32 v3, v6  }
0x429: {  	[tilespmem:s3+$0x60] =	vst v2  }
0x42a: {  	s23 =	simm.s32 $0xDDF0;
	[tilespmem:s3+$0x70] =	vst v1  }
0x42b: {  	[spmem:s1] =	stream.indirect.scatter.add.f32 [tilespmem:s10], [sflag:$0xF], $0x40, s23, s19, $0xb8;
	[tilespmem:$0x17AA0] =	vst v63  }
0x42c: {  	s3 =	smul.u32 $0x190, s11  }
0x42d: {  	s9 =	rddreg [dreg:$0x19]  }
0x42e: {  	s3 =	sadd.s32 s3, s9  }
.Ltmp10:
0x42f: {  	s3 =	sshrl.u32 s3, $0x3;
	(pc) =	sbr.rel .LBB2_6-.Ltmp10, $4  }
0x430: {  	s13 =	simm.s32 $0xDAD0;
	s23 =	sadd.s32 s4, s3  }
0x431: {  	[tilespmem:s13], [sflag:$0x5] =	stream.linear.gather [hbm4b:s23+s2], $0x50, $0x38;
	[tilespmem:$0x17AA0] =	vst v63  }
0x432: {  	s11 =	sadd.s32 $0x1, s11;
	s3 =	sadd.s32 s5, s3  }
0x433: {  	[tilespmem:s14], [sflag:$0x5] =	stream.linear.gather [hbm4b:s3+s2], $0x50, $0x38;
	[tilespmem:$0x17AA0] =	vst v63  }
.LBB2_19:
0x434: {  	_ =	sfence.sel $0x180000  }
0x435: {  	[bflag:$0x0] =	sbarrier.arrive $0xFFFF  }
0x436: {  	_ =	strace $0x90000047  }
0x437: {  	s0 =	stileid.u32;
	[bflag:$0x2] =	sbarrier.arrive $0xFFFF  }
0x438: {  	p0 =	sne.s32 s0, $0x0;
	s0 =	rddreg [dreg:$0x3]  }
0x439: {  	s0 =	sadd.s32 @!p0 $0x100000, s0  }
0x43a: {  	[sflag:s0] =	ssyncadd.tile.s32 @!p0 $0x1;
	_ =	shalt  }
.Lfunc_end2:
_tile_overlayer_lowered:
.L_overlay_start_2:
0x43b: {  	(tag) =	ssettag $0x2  }
0x43c: {  	s0 =	rddreg [dreg:$0x0];
	s2 =	stileid.u32  }
0x43d: {  	s1 =	rddreg [dreg:$0x1];
	p0 =	sne.s32 s2, $0x0  }
0x43e: {  	s3 =	rddreg [dreg:$0x2];
	[bflag:$0x3] =	sbarrier.arrive $0xFFFF;
	s2 =	simm.s32 @!p0 $0x1C10  }
0x43f: {  	[timem:s3], [sflag:s2] =	dma.local @!p0 [hbm:s0], s1  }
0x440: {  	s0 =	simm.s32 @!p0 $0x10  }
0x441: {  	_ =	swait.ge @!p0 [sflag:s0], s1  }
0x442: {  	s1 =	ssub.s32 @!p0 $0x0, s1;
	[sflag:s0] =	ssyncset.done @!p0 $0x0  }
0x443: {  	[sflag:s0] =	ssyncadd.s32 @!p0 s1  }
0x444: {  	[bflag:$0x3] =	sbarrier.arrive $0xFFFF  }
0x445: {  	_ =	shalt  }

</sc_bundles>
